<compile_context>
chip_gen: v7x
topology: tpu7x:2x2x1
jax: 0.10.2.dev20260603
libtpu: 0.0.44.dev20260713+nightly
codegen_flags: <defaults>
</compile_context>

<pallas_src>
import functools

import jax
import jax.numpy as jnp
from jax import lax
from jax.experimental import pallas as pl
from jax.experimental.pallas import tpu as pltpu
from jax.experimental.pallas import tpu_sc as plsc

N = 10000
E = 320000
D = 128
L = 16
NC = 2
NS = 16
NW = NC * NS
C = 128
NCH = 80
E_PAD = NW * C * NCH
NP = 10112
NPA = 10016
ZROW = N
NRC = NP // C
RCT = -(-NRC // NS)
RC = 32
NRC2 = NPA // RC
RCT2 = -(-NRC2 // NS)

_mesh = plsc.VectorSubcoreMesh(core_axis_name="c", subcore_axis_name="s")


def _fill_f32(ref, rows, cols, val):
    v = jnp.full((L,), val, jnp.float32)

    def body(i, carry):
        for k in range(cols // L):
            ref[i, pl.ds(k * L, L)] = v
        return carry

    lax.fori_loop(0, rows, body, 0)


@functools.partial(
    pl.kernel,
    mesh=_mesh,
    out_type=[
        jax.ShapeDtypeStruct((NC, NP, D), jnp.float32),
    ],
    scratch_types=[
        pltpu.VMEM((C,), jnp.int32),
        pltpu.VMEM((C,), jnp.int32),
        pltpu.VMEM((C, D), jnp.float32),
        pltpu.VMEM_SHARED((NP, D), jnp.float32),
        pltpu.SemaphoreType.DMA,
    ],
)
def _sc_sage(x_hbm, src_hbm, dst_hbm, sum_out, src_v, dst_v, rows_v, accS, semG):
    cid = lax.axis_index("c")
    sid = lax.axis_index("s")
    wid = cid * NS + sid
    base = wid * (NCH * C)

    _fill_f32(rows_v, C, D, 0.0)
    for t in range(RCT):
        ch = sid + t * NS
        @pl.when(ch < NRC)
        def _():
            r = pl.multiple_of(ch * C, C)
            pltpu.sync_copy(rows_v, accS.at[pl.ds(r, C), :])
    plsc.subcore_barrier()

    def chunk(j, carry):
        ebase = pl.multiple_of(base + j * C, C)
        pltpu.sync_copy(src_hbm.at[pl.ds(ebase, C)], src_v)
        pltpu.sync_copy(dst_hbm.at[pl.ds(ebase, C)], dst_v)
        pltpu.async_copy(x_hbm.at[src_v], rows_v, semG).wait()
        pltpu.sync_copy(rows_v, accS.at[dst_v], add=True)
        return carry

    lax.fori_loop(0, NCH, chunk, 0)
    plsc.subcore_barrier()

    for t in range(RCT):
        ch = sid + t * NS
        @pl.when(ch < NRC)
        def _():
            r = pl.multiple_of(ch * C, C)
            pltpu.sync_copy(accS.at[pl.ds(r, C), :], sum_out.at[cid, pl.ds(r, C), :])


@functools.partial(
    pl.kernel,
    mesh=_mesh,
    out_type=[
        jax.ShapeDtypeStruct((NC, NP, D), jnp.float32),
    ],
    scratch_types=[
        pltpu.VMEM((C,), jnp.int32),
        pltpu.VMEM((C,), jnp.int32),
        pltpu.VMEM((C,), jnp.int32),
        pltpu.VMEM((C, D), jnp.float32),
        pltpu.VMEM((C, D), jnp.float32),
        pltpu.VMEM_SHARED((NP, D), jnp.float32),
    ],
)
def _sc_hist(src_hbm, dst_hbm, hist_out, src_v, dst_v, srcp_v, onesA_v,
             onesB_v, histS):
    cid = lax.axis_index("c")
    sid = lax.axis_index("s")
    wid = cid * NS + sid
    base = wid * (NCH * C)

    _fill_f32(onesA_v, C, D, 0.0)
    _fill_f32(onesB_v, C, D, 0.0)
    for t in range(RCT):
        ch = sid + t * NS
        @pl.when(ch < NRC)
        def _():
            r = pl.multiple_of(ch * C, C)
            pltpu.sync_copy(onesA_v, histS.at[pl.ds(r, C), :])
    one = jnp.full((L,), 1.0, jnp.float32)

    def setrow(i, carry):
        onesA_v[i, pl.ds(0, L)] = one
        onesB_v[i, pl.ds(L, L)] = one
        return carry

    lax.fori_loop(0, C, setrow, 0)
    plsc.subcore_barrier()

    def chunk(j, carry):
        ebase = pl.multiple_of(base + j * C, C)
        pltpu.sync_copy(src_hbm.at[pl.ds(ebase, C)], src_v)
        pltpu.sync_copy(dst_hbm.at[pl.ds(ebase, C)], dst_v)
        for k in range(C // L):
            s = src_v[pl.ds(k * L, L)]
            d = dst_v[pl.ds(k * L, L)]
            srcp_v[pl.ds(k * L, L)] = jnp.where(s == d, ZROW, s)
        pltpu.sync_copy(onesA_v, histS.at[dst_v], add=True)
        pltpu.sync_copy(onesB_v, histS.at[srcp_v], add=True)
        return carry

    lax.fori_loop(0, NCH, chunk, 0)
    plsc.subcore_barrier()

    for t in range(RCT):
        ch = sid + t * NS
        @pl.when(ch < NRC)
        def _():
            r = pl.multiple_of(ch * C, C)
            pltpu.sync_copy(histS.at[pl.ds(r, C), :], hist_out.at[cid, pl.ds(r, C), :])


@functools.partial(
    pl.kernel,
    mesh=_mesh,
    out_type=[jax.ShapeDtypeStruct((NC, NP, D), jnp.float32)],
    scratch_types=[
        pltpu.VMEM((C,), jnp.int32),
        pltpu.VMEM((C,), jnp.int32),
        pltpu.VMEM((C, D), jnp.float32),
        pltpu.VMEM_SHARED((NP, D), jnp.float32),
        pltpu.SemaphoreType.DMA,
    ],
)
def _sc_cheb(h2_hbm, src_hbm, dst_hbm, s2_out, src_v, dst_v, rows_v, accS, semG):
    cid = lax.axis_index("c")
    sid = lax.axis_index("s")
    wid = cid * NS + sid
    base = wid * (NCH * C)

    _fill_f32(rows_v, C, D, 0.0)
    for t in range(RCT):
        ch = sid + t * NS
        @pl.when(ch < NRC)
        def _():
            r = pl.multiple_of(ch * C, C)
            pltpu.sync_copy(rows_v, accS.at[pl.ds(r, C), :])
    plsc.subcore_barrier()

    def chunk(j, carry):
        ebase = pl.multiple_of(base + j * C, C)
        pltpu.sync_copy(src_hbm.at[pl.ds(ebase, C)], src_v)
        pltpu.sync_copy(dst_hbm.at[pl.ds(ebase, C)], dst_v)
        for k in range(C // L):
            s = src_v[pl.ds(k * L, L)]
            d = dst_v[pl.ds(k * L, L)]
            src_v[pl.ds(k * L, L)] = jnp.where(s == d, ZROW, s)
        pltpu.async_copy(h2_hbm.at[src_v], rows_v, semG).wait()
        pltpu.sync_copy(rows_v, accS.at[dst_v], add=True)
        return carry

    lax.fori_loop(0, NCH, chunk, 0)
    plsc.subcore_barrier()

    for t in range(RCT):
        ch = sid + t * NS
        @pl.when(ch < NRC)
        def _():
            r = pl.multiple_of(ch * C, C)
            pltpu.sync_copy(accS.at[pl.ds(r, C), :], s2_out.at[cid, pl.ds(r, C), :])


def _tc1_body(sum_ref, hist_ref, x_ref, wl_ref, wr_ref, b_ref, a_ref,
              h_ref, h2_ref, nd_ref):
    s = sum_ref[0] + sum_ref[1]
    hist = hist_ref[0] + hist_ref[1]
    cnt = hist[:, 0:1]
    mean = s / jnp.maximum(cnt, 1.0)
    out = mean @ wl_ref[...] + x_ref[...] @ wr_ref[...] + b_ref[...]
    nrm = jnp.sqrt(jnp.sum(out * out, axis=1, keepdims=True))
    out = out / jnp.maximum(nrm, 1e-12)
    a = a_ref[...]
    h = jnp.where(out > 0, out, a * out)
    deg = hist[:, L:L + 1]
    dinv = jnp.where(deg > 0, lax.rsqrt(deg), 0.0)
    h_ref[...] = h
    h2_ref[...] = dinv * h
    nd_ref[...] = -dinv


def _tc2_body(s2_ref, h_ref, nd_ref, w0_ref, w1_ref, b_ref, a_ref, o_ref):
    tx1 = (s2_ref[0] + s2_ref[1]) * nd_ref[...]
    out2 = h_ref[...] @ w0_ref[...] + tx1 @ w1_ref[...] + b_ref[...]
    a = a_ref[...]
    o_ref[...] = jnp.where(out2 > 0, out2, a * out2)


_BR = 632


def _tc1(sums, hists, x_pad, W_l, W_r, b, a):
    grid = (NP // _BR,)
    full = lambda i: (0, 0)
    return pl.pallas_call(
        _tc1_body,
        grid=grid,
        in_specs=[
            pl.BlockSpec((NC, _BR, D), lambda i: (0, i, 0)),
            pl.BlockSpec((NC, _BR, D), lambda i: (0, i, 0)),
            pl.BlockSpec((_BR, D), lambda i: (i, 0)),
            pl.BlockSpec((D, D), full),
            pl.BlockSpec((D, D), full),
            pl.BlockSpec((1, D), full),
            pl.BlockSpec((1, D), full),
        ],
        out_specs=[
            pl.BlockSpec((_BR, D), lambda i: (i, 0)),
            pl.BlockSpec((_BR, D), lambda i: (i, 0)),
            pl.BlockSpec((_BR, 1), lambda i: (i, 0)),
        ],
        out_shape=[
            jax.ShapeDtypeStruct((NP, D), jnp.float32),
            jax.ShapeDtypeStruct((NP, D), jnp.float32),
            jax.ShapeDtypeStruct((NP, 1), jnp.float32),
        ],
    )(sums, hists, x_pad, W_l, W_r, b, a)


def _tc2(s2, h, nd, W0, W1, b, a):
    grid = (NP // _BR,)
    full = lambda i: (0, 0)
    return pl.pallas_call(
        _tc2_body,
        grid=grid,
        in_specs=[
            pl.BlockSpec((NC, _BR, D), lambda i: (0, i, 0)),
            pl.BlockSpec((_BR, D), lambda i: (i, 0)),
            pl.BlockSpec((_BR, 1), lambda i: (i, 0)),
            pl.BlockSpec((D, D), full),
            pl.BlockSpec((D, D), full),
            pl.BlockSpec((1, D), full),
            pl.BlockSpec((1, D), full),
        ],
        out_specs=pl.BlockSpec((_BR, D), lambda i: (i, 0)),
        out_shape=jax.ShapeDtypeStruct((NP, D), jnp.float32),
    )(s2, h, nd, W0, W1, b, a)


def kernel(x, edge_index, W_sage_l, b_sage_l, W_sage_r, W_cheb0, W_cheb1,
           b_cheb, prelu_a):
    src = edge_index[0]
    dst = edge_index[1]
    pad = E_PAD - E
    fill = jnp.full((pad,), ZROW, jnp.int32)
    src_p = jnp.concatenate([src, fill])
    dst_p = jnp.concatenate([dst, fill])
    x_pad = jnp.pad(x, ((0, NP - N), (0, 0)))

    (sums,) = _sc_sage(x_pad, src_p, dst_p)
    (hists,) = _sc_hist(src_p, dst_p)
    h, h2, nd = _tc1(sums, hists, x_pad,
                     W_sage_l, W_sage_r, b_sage_l.reshape(1, D),
                     prelu_a.reshape(1, D))
    (s2,) = _sc_cheb(h2, src_p, dst_p)
    out2 = _tc2(s2, h, nd, W_cheb0, W_cheb1, b_cheb.reshape(1, D),
                prelu_a.reshape(1, D))
    return out2[:N]

# --- scband reference (transcript-rebuilt; emitter-appended) ---
"""Pipeline reference for scband-encoder-67113158967655 (READ-ONLY COPY).

The authoritative reference and input builder live on the scoring server;
editing this copy changes nothing except your own understanding.
"""

import jax, jax.numpy as jnp
import numpy as np

N = 10000
E = 320000
D_IN = 128
D_H = 128


def setup_inputs(seed: int = 0) -> dict:
    key = jax.random.key(seed)
    ks = jax.random.split(key, 9)
    x = jax.random.normal(ks[0], (N, D_IN), dtype=jnp.float32)
    edge_index = jax.random.randint(ks[1], (2, E), 0, N, dtype=jnp.int32)
    s_in = 1.0 / np.sqrt(D_IN)
    s_h = 1.0 / np.sqrt(D_H)
    # SAGEConv params (stored as [in, out] so forward is x @ W)
    W_sage_l = jax.random.uniform(ks[2], (D_IN, D_H), jnp.float32, -s_in, s_in)
    b_sage_l = jax.random.uniform(ks[3], (D_H,), jnp.float32, -s_in, s_in)
    W_sage_r = jax.random.uniform(ks[4], (D_IN, D_H), jnp.float32, -s_in, s_in)
    # ChebConv K=2 params
    W_cheb0 = jax.random.uniform(ks[5], (D_H, D_H), jnp.float32, -s_h, s_h)
    W_cheb1 = jax.random.uniform(ks[6], (D_H, D_H), jnp.float32, -s_h, s_h)
    b_cheb = jax.random.uniform(ks[7], (D_H,), jnp.float32, -s_h, s_h)
    prelu_a = 0.25 * jnp.ones((D_H,), jnp.float32)
    return {"x": x, "edge_index": edge_index, "W_sage_l": W_sage_l,
            "b_sage_l": b_sage_l, "W_sage_r": W_sage_r, "W_cheb0": W_cheb0,
            "W_cheb1": W_cheb1, "b_cheb": b_cheb, "prelu_a": prelu_a}


def _prelu(x, a):
    return jnp.where(x > 0, x, a * x)


def reference(x, edge_index, W_sage_l, b_sage_l, W_sage_r, W_cheb0, W_cheb1, b_cheb, prelu_a):
    src = edge_index[0]
    dst = edge_index[1]
    n = x.shape[0]
    # ---- SAGEConv(in, hidden, normalize=True): mean aggregation over incoming edges
    msg = jnp.take(x, src, axis=0)
    summed = jax.ops.segment_sum(msg, dst, num_segments=n)
    cnt = jax.ops.segment_sum(jnp.ones((src.shape[0],), x.dtype), dst, num_segments=n)
    mean = summed / jnp.clip(cnt, 1.0, None)[:, None]
    out = mean @ W_sage_l + b_sage_l + x @ W_sage_r
    # F.normalize(out, p=2, dim=-1)
    nrm = jnp.sqrt(jnp.sum(out * out, axis=-1, keepdims=True))
    out = out / jnp.maximum(nrm, 1e-12)
    # ---- PReLU (shared per-channel params)
    h = _prelu(out, prelu_a)
    # ---- ChebConv(hidden, hidden, K=2, normalization='sym'), lambda_max=2.0
    # remove self loops, sym Laplacian scaled: L_hat = -D^{-1/2} A D^{-1/2}
    w = jnp.where(src != dst, jnp.float32(1.0), jnp.float32(0.0))
    deg = jax.ops.segment_sum(w, src, num_segments=n)
    dinv = jnp.where(deg > 0, 1.0 / jnp.sqrt(deg), 0.0)
    ew = -dinv[src] * w * dinv[dst]
    Tx0 = h
    Tx1 = jax.ops.segment_sum(ew[:, None] * jnp.take(h, src, axis=0), dst, num_segments=n)
    out2 = Tx0 @ W_cheb0 + Tx1 @ W_cheb1 + b_cheb
    # ---- PReLU again
    out2 = _prelu(out2, prelu_a)
    return out2

if __name__ == "__main__":
    import jax
    _d = setup_inputs()
    print(jax.jit(kernel)(*tuple(_d.values())))

</pallas_src>

<mosaic_0001>
#map = affine_map<(d0, d1) -> (0)>
#map1 = affine_map<(d0, d1) -> (0, 0, 0)>
module attributes {stable_mosaic.version = 14 : i64} {
  func.func @_sc_hist(%arg0: i32, %arg1: i32, %arg2: memref<327680xi32, #tpu.memory_space<hbm>>, %arg3: memref<327680xi32, #tpu.memory_space<hbm>>, %arg4: memref<2x10112x128xf32, #tpu.memory_space<hbm>>, %arg5: memref<128xi32, #tpu.memory_space<vmem>>, %arg6: memref<128xi32, #tpu.memory_space<vmem>>, %arg7: memref<128xi32, #tpu.memory_space<vmem>>, %arg8: memref<128x128xf32, #tpu.memory_space<vmem>>, %arg9: memref<128x128xf32, #tpu.memory_space<vmem>>, %arg10: memref<10112x128xf32, #tpu.memory_space<vmem_shared>>) attributes {dimension_semantics = [#tpu.dimension_semantics<core_parallel>, #tpu.dimension_semantics<subcore_parallel>], iteration_bounds = array<i64: 2, 16>, scalar_prefetch = 0 : i64, scratch_operands = 6 : i64, tpu.core_type = #tpu.core_type<sc_vector_subcore>, window_params = [{transform_indices = #map}, {transform_indices = #map}, {transform_indices = #map1}]} {
    %mul3A = arith.constant 16 : i32
    %mul3A_0 = arith.muli %arg0, %mul3A : i32
    %add3A = arith.addi %mul3A_0, %arg1 : i32
    %mul3A_1 = arith.constant 10240 : i32
    %mul3A_2 = arith.muli %add3A, %mul3A_1 : i32
    %broadcast_in_dim3A = arith.constant 0.000000e+00 : f32
    %broadcast_in_dim3A_3 = vector.broadcast %broadcast_in_dim3A : f32 to vector<16xf32>
    %scan3A = arith.constant 0 : i32
    %scan3A_4 = arith.constant 0 : i32
    %scan3A_5 = arith.constant 128 : i32
    %scan3A_6 = arith.addi %scan3A_4, %scan3A_5 : i32
    %scan3A_7 = arith.constant 1 : i32
    scf.for %scan3A_99 = %scan3A_4 to %scan3A_6 step %scan3A_7  : i32 {
      %swap3A = arith.index_cast %scan3A_99 : i32 to index
      %swap3A_100 = arith.constant 0 : index
      %swap3A_101 = tpu.vector_load %arg8[%swap3A, %swap3A_100] {strides = array<i32>} : memref<128x128xf32, #tpu.memory_space<vmem>>, vector<1x16xf32>,
      %swap3A_102 = vector.shape_cast %swap3A_101 : vector<1x16xf32> to vector<16xf32>
      %swap3A_103 = vector.shape_cast %broadcast_in_dim3A_3 : vector<16xf32> to vector<1x16xf32>
      tpu.vector_store %arg8[%swap3A, %swap3A_100], %swap3A_103 {strides = array<i32>} : memref<128x128xf32, #tpu.memory_space<vmem>>, vector<1x16xf32>,
      %swap3A_104 = arith.index_cast %scan3A_99 : i32 to index
      %swap3A_105 = arith.constant 16 : index
      %swap3A_106 = tpu.vector_load %arg8[%swap3A_104, %swap3A_105] {strides = array<i32>} : memref<128x128xf32, #tpu.memory_space<vmem>>, vector<1x16xf32>,
      %swap3A_107 = vector.shape_cast %swap3A_106 : vector<1x16xf32> to vector<16xf32>
      %swap3A_108 = vector.shape_cast %broadcast_in_dim3A_3 : vector<16xf32> to vector<1x16xf32>
      tpu.vector_store %arg8[%swap3A_104, %swap3A_105], %swap3A_108 {strides = array<i32>} : memref<128x128xf32, #tpu.memory_space<vmem>>, vector<1x16xf32>,
      %swap3A_109 = arith.index_cast %scan3A_99 : i32 to index
      %swap3A_110 = arith.constant 32 : index
      %swap3A_111 = tpu.vector_load %arg8[%swap3A_109, %swap3A_110] {strides = array<i32>} : memref<128x128xf32, #tpu.memory_space<vmem>>, vector<1x16xf32>,
      %swap3A_112 = vector.shape_cast %swap3A_111 : vector<1x16xf32> to vector<16xf32>
      %swap3A_113 = vector.shape_cast %broadcast_in_dim3A_3 : vector<16xf32> to vector<1x16xf32>
      tpu.vector_store %arg8[%swap3A_109, %swap3A_110], %swap3A_113 {strides = array<i32>} : memref<128x128xf32, #tpu.memory_space<vmem>>, vector<1x16xf32>,
      %swap3A_114 = arith.index_cast %scan3A_99 : i32 to index
      %swap3A_115 = arith.constant 48 : index
      %swap3A_116 = tpu.vector_load %arg8[%swap3A_114, %swap3A_115] {strides = array<i32>} : memref<128x128xf32, #tpu.memory_space<vmem>>, vector<1x16xf32>,
      %swap3A_117 = vector.shape_cast %swap3A_116 : vector<1x16xf32> to vector<16xf32>
      %swap3A_118 = vector.shape_cast %broadcast_in_dim3A_3 : vector<16xf32> to vector<1x16xf32>
      tpu.vector_store %arg8[%swap3A_114, %swap3A_115], %swap3A_118 {strides = array<i32>} : memref<128x128xf32, #tpu.memory_space<vmem>>, vector<1x16xf32>,
      %swap3A_119 = arith.index_cast %scan3A_99 : i32 to index
      %swap3A_120 = arith.constant 64 : index
      %swap3A_121 = tpu.vector_load %arg8[%swap3A_119, %swap3A_120] {strides = array<i32>} : memref<128x128xf32, #tpu.memory_space<vmem>>, vector<1x16xf32>,
      %swap3A_122 = vector.shape_cast %swap3A_121 : vector<1x16xf32> to vector<16xf32>
      %swap3A_123 = vector.shape_cast %broadcast_in_dim3A_3 : vector<16xf32> to vector<1x16xf32>
      tpu.vector_store %arg8[%swap3A_119, %swap3A_120], %swap3A_123 {strides = array<i32>} : memref<128x128xf32, #tpu.memory_space<vmem>>, vector<1x16xf32>,
      %swap3A_124 = arith.index_cast %scan3A_99 : i32 to index
      %swap3A_125 = arith.constant 80 : index
      %swap3A_126 = tpu.vector_load %arg8[%swap3A_124, %swap3A_125] {strides = array<i32>} : memref<128x128xf32, #tpu.memory_space<vmem>>, vector<1x16xf32>,
      %swap3A_127 = vector.shape_cast %swap3A_126 : vector<1x16xf32> to vector<16xf32>
      %swap3A_128 = vector.shape_cast %broadcast_in_dim3A_3 : vector<16xf32> to vector<1x16xf32>
      tpu.vector_store %arg8[%swap3A_124, %swap3A_125], %swap3A_128 {strides = array<i32>} : memref<128x128xf32, #tpu.memory_space<vmem>>, vector<1x16xf32>,
      %swap3A_129 = arith.index_cast %scan3A_99 : i32 to index
      %swap3A_130 = arith.constant 96 : index
      %swap3A_131 = tpu.vector_load %arg8[%swap3A_129, %swap3A_130] {strides = array<i32>} : memref<128x128xf32, #tpu.memory_space<vmem>>, vector<1x16xf32>,
      %swap3A_132 = vector.shape_cast %swap3A_131 : vector<1x16xf32> to vector<16xf32>
      %swap3A_133 = vector.shape_cast %broadcast_in_dim3A_3 : vector<16xf32> to vector<1x16xf32>
      tpu.vector_store %arg8[%swap3A_129, %swap3A_130], %swap3A_133 {strides = array<i32>} : memref<128x128xf32, #tpu.memory_space<vmem>>, vector<1x16xf32>,
      %swap3A_134 = arith.index_cast %scan3A_99 : i32 to index
      %swap3A_135 = arith.constant 112 : index
      %swap3A_136 = tpu.vector_load %arg8[%swap3A_134, %swap3A_135] {strides = array<i32>} : memref<128x128xf32, #tpu.memory_space<vmem>>, vector<1x16xf32>,
      %swap3A_137 = vector.shape_cast %swap3A_136 : vector<1x16xf32> to vector<16xf32>
      %swap3A_138 = vector.shape_cast %broadcast_in_dim3A_3 : vector<16xf32> to vector<1x16xf32>
      tpu.vector_store %arg8[%swap3A_134, %swap3A_135], %swap3A_138 {strides = array<i32>} : memref<128x128xf32, #tpu.memory_space<vmem>>, vector<1x16xf32>,
    }
    %scan3A_8 = arith.constant 128 : i32
    %broadcast_in_dim3A_9 = arith.constant 0.000000e+00 : f32
    %broadcast_in_dim3A_10 = vector.broadcast %broadcast_in_dim3A_9 : f32 to vector<16xf32>
    %scan3A_11 = arith.constant 0 : i32
    %scan3A_12 = arith.constant 0 : i32
    %scan3A_13 = arith.constant 128 : i32
    %scan3A_14 = arith.addi %scan3A_12, %scan3A_13 : i32
    %scan3A_15 = arith.constant 1 : i32
    scf.for %scan3A_99 = %scan3A_12 to %scan3A_14 step %scan3A_15  : i32 {
      %swap3A = arith.index_cast %scan3A_99 : i32 to index
      %swap3A_100 = arith.constant 0 : index
      %swap3A_101 = tpu.vector_load %arg9[%swap3A, %swap3A_100] {strides = array<i32>} : memref<128x128xf32, #tpu.memory_space<vmem>>, vector<1x16xf32>,
      %swap3A_102 = vector.shape_cast %swap3A_101 : vector<1x16xf32> to vector<16xf32>
      %swap3A_103 = vector.shape_cast %broadcast_in_dim3A_10 : vector<16xf32> to vector<1x16xf32>
      tpu.vector_store %arg9[%swap3A, %swap3A_100], %swap3A_103 {strides = array<i32>} : memref<128x128xf32, #tpu.memory_space<vmem>>, vector<1x16xf32>,
      %swap3A_104 = arith.index_cast %scan3A_99 : i32 to index
      %swap3A_105 = arith.constant 16 : index
      %swap3A_106 = tpu.vector_load %arg9[%swap3A_104, %swap3A_105] {strides = array<i32>} : memref<128x128xf32, #tpu.memory_space<vmem>>, vector<1x16xf32>,
      %swap3A_107 = vector.shape_cast %swap3A_106 : vector<1x16xf32> to vector<16xf32>
      %swap3A_108 = vector.shape_cast %broadcast_in_dim3A_10 : vector<16xf32> to vector<1x16xf32>
      tpu.vector_store %arg9[%swap3A_104, %swap3A_105], %swap3A_108 {strides = array<i32>} : memref<128x128xf32, #tpu.memory_space<vmem>>, vector<1x16xf32>,
      %swap3A_109 = arith.index_cast %scan3A_99 : i32 to index
      %swap3A_110 = arith.constant 32 : index
      %swap3A_111 = tpu.vector_load %arg9[%swap3A_109, %swap3A_110] {strides = array<i32>} : memref<128x128xf32, #tpu.memory_space<vmem>>, vector<1x16xf32>,
      %swap3A_112 = vector.shape_cast %swap3A_111 : vector<1x16xf32> to vector<16xf32>
      %swap3A_113 = vector.shape_cast %broadcast_in_dim3A_10 : vector<16xf32> to vector<1x16xf32>
      tpu.vector_store %arg9[%swap3A_109, %swap3A_110], %swap3A_113 {strides = array<i32>} : memref<128x128xf32, #tpu.memory_space<vmem>>, vector<1x16xf32>,
      %swap3A_114 = arith.index_cast %scan3A_99 : i32 to index
      %swap3A_115 = arith.constant 48 : index
      %swap3A_116 = tpu.vector_load %arg9[%swap3A_114, %swap3A_115] {strides = array<i32>} : memref<128x128xf32, #tpu.memory_space<vmem>>, vector<1x16xf32>,
      %swap3A_117 = vector.shape_cast %swap3A_116 : vector<1x16xf32> to vector<16xf32>
      %swap3A_118 = vector.shape_cast %broadcast_in_dim3A_10 : vector<16xf32> to vector<1x16xf32>
      tpu.vector_store %arg9[%swap3A_114, %swap3A_115], %swap3A_118 {strides = array<i32>} : memref<128x128xf32, #tpu.memory_space<vmem>>, vector<1x16xf32>,
      %swap3A_119 = arith.index_cast %scan3A_99 : i32 to index
      %swap3A_120 = arith.constant 64 : index
      %swap3A_121 = tpu.vector_load %arg9[%swap3A_119, %swap3A_120] {strides = array<i32>} : memref<128x128xf32, #tpu.memory_space<vmem>>, vector<1x16xf32>,
      %swap3A_122 = vector.shape_cast %swap3A_121 : vector<1x16xf32> to vector<16xf32>
      %swap3A_123 = vector.shape_cast %broadcast_in_dim3A_10 : vector<16xf32> to vector<1x16xf32>
      tpu.vector_store %arg9[%swap3A_119, %swap3A_120], %swap3A_123 {strides = array<i32>} : memref<128x128xf32, #tpu.memory_space<vmem>>, vector<1x16xf32>,
      %swap3A_124 = arith.index_cast %scan3A_99 : i32 to index
      %swap3A_125 = arith.constant 80 : index
      %swap3A_126 = tpu.vector_load %arg9[%swap3A_124, %swap3A_125] {strides = array<i32>} : memref<128x128xf32, #tpu.memory_space<vmem>>, vector<1x16xf32>,
      %swap3A_127 = vector.shape_cast %swap3A_126 : vector<1x16xf32> to vector<16xf32>
      %swap3A_128 = vector.shape_cast %broadcast_in_dim3A_10 : vector<16xf32> to vector<1x16xf32>
      tpu.vector_store %arg9[%swap3A_124, %swap3A_125], %swap3A_128 {strides = array<i32>} : memref<128x128xf32, #tpu.memory_space<vmem>>, vector<1x16xf32>,
      %swap3A_129 = arith.index_cast %scan3A_99 : i32 to index
      %swap3A_130 = arith.constant 96 : index
      %swap3A_131 = tpu.vector_load %arg9[%swap3A_129, %swap3A_130] {strides = array<i32>} : memref<128x128xf32, #tpu.memory_space<vmem>>, vector<1x16xf32>,
      %swap3A_132 = vector.shape_cast %swap3A_131 : vector<1x16xf32> to vector<16xf32>
      %swap3A_133 = vector.shape_cast %broadcast_in_dim3A_10 : vector<16xf32> to vector<1x16xf32>
      tpu.vector_store %arg9[%swap3A_129, %swap3A_130], %swap3A_133 {strides = array<i32>} : memref<128x128xf32, #tpu.memory_space<vmem>>, vector<1x16xf32>,
      %swap3A_134 = arith.index_cast %scan3A_99 : i32 to index
      %swap3A_135 = arith.constant 112 : index
      %swap3A_136 = tpu.vector_load %arg9[%swap3A_134, %swap3A_135] {strides = array<i32>} : memref<128x128xf32, #tpu.memory_space<vmem>>, vector<1x16xf32>,
      %swap3A_137 = vector.shape_cast %swap3A_136 : vector<1x16xf32> to vector<16xf32>
      %swap3A_138 = vector.shape_cast %broadcast_in_dim3A_10 : vector<16xf32> to vector<1x16xf32>
      tpu.vector_store %arg9[%swap3A_134, %swap3A_135], %swap3A_138 {strides = array<i32>} : memref<128x128xf32, #tpu.memory_space<vmem>>, vector<1x16xf32>,
    }
    %scan3A_16 = arith.constant 128 : i32
    %add3A_17 = arith.constant 0 : i32
    %add3A_18 = arith.addi %arg1, %add3A_17 : i32
    %lt3A = arith.constant 79 : i32
    %lt3A_19 = arith.cmpi slt, %add3A_18, %lt3A : i32
    %convert_element_type3A = arith.extui %lt3A_19 : i1 to i32
    %cond3A = arith.constant 0 : i32
    %cond3A_20 = arith.cmpi ne, %convert_element_type3A, %cond3A : i32
    scf.if %cond3A_20 {
      %mul3A_99 = arith.constant 128 : i32
      %mul3A_100 = arith.muli %add3A_18, %mul3A_99 : i32
      %multiple_of3A = tpu.assume_multiple %mul3A_100, 128 : i32
      "tpu.region"() ({
        %run_scoped3A = tpu.sem_alloc : memref<!tpu.dma_semaphore, #tpu.memory_space<semaphore_mem>>
        %dma_start3A = arith.constant 0 : i32
        %dma_start3A_101 = tpu.memref_slice %arg10[%multiple_of3A, %dma_start3A] : memref<10112x128xf32, #tpu.memory_space<vmem_shared>> -> memref<128x128xf32, #tpu.memory_space<vmem_shared>>
        %dma_start3A_102 = arith.constant 0 : i32
        %dma_start3A_103 = tpu.memref_slice %arg10[%multiple_of3A, %dma_start3A_102] : memref<10112x128xf32, #tpu.memory_space<vmem_shared>> -> memref<128x128xf32, #tpu.memory_space<vmem_shared>>
        tpu.enqueue_dma source(%arg8 : memref<128x128xf32, #tpu.memory_space<vmem>>) target(%dma_start3A_103 : memref<128x128xf32, #tpu.memory_space<vmem_shared>>) target_semaphore(%run_scoped3A : memref<!tpu.dma_semaphore, #tpu.memory_space<semaphore_mem>>)
        %dma_wait3A = arith.constant 0 : i32
        %dma_wait3A_104 = tpu.memref_slice %arg10[%multiple_of3A, %dma_wait3A] : memref<10112x128xf32, #tpu.memory_space<vmem_shared>> -> memref<128x128xf32, #tpu.memory_space<vmem_shared>>
        %dma_wait3A_105 = arith.constant 0 : i32
        %dma_wait3A_106 = tpu.memref_slice %arg10[%multiple_of3A, %dma_wait3A_105] : memref<10112x128xf32, #tpu.memory_space<vmem_shared>> -> memref<128x128xf32, #tpu.memory_space<vmem_shared>>
        tpu.wait_dma2 semaphore(%run_scoped3A : memref<!tpu.dma_semaphore, #tpu.memory_space<semaphore_mem>>) src(%arg8 : memref<128x128xf32, #tpu.memory_space<vmem>>) dst(%dma_wait3A_106 : memref<128x128xf32, #tpu.memory_space<vmem_shared>>)
        tpu.yield
      }) : () -> ()
    } else {
    }
    %add3A_21 = arith.constant 16 : i32
    %add3A_22 = arith.addi %arg1, %add3A_21 : i32
    %lt3A_23 = arith.constant 79 : i32
    %lt3A_24 = arith.cmpi slt, %add3A_22, %lt3A_23 : i32
    %convert_element_type3A_25 = arith.extui %lt3A_24 : i1 to i32
    %cond3A_26 = arith.constant 0 : i32
    %cond3A_27 = arith.cmpi ne, %convert_element_type3A_25, %cond3A_26 : i32
    scf.if %cond3A_27 {
      %mul3A_99 = arith.constant 128 : i32
      %mul3A_100 = arith.muli %add3A_22, %mul3A_99 : i32
      %multiple_of3A = tpu.assume_multiple %mul3A_100, 128 : i32
      "tpu.region"() ({
        %run_scoped3A = tpu.sem_alloc : memref<!tpu.dma_semaphore, #tpu.memory_space<semaphore_mem>>
        %dma_start3A = arith.constant 0 : i32
        %dma_start3A_101 = tpu.memref_slice %arg10[%multiple_of3A, %dma_start3A] : memref<10112x128xf32, #tpu.memory_space<vmem_shared>> -> memref<128x128xf32, #tpu.memory_space<vmem_shared>>
        %dma_start3A_102 = arith.constant 0 : i32
        %dma_start3A_103 = tpu.memref_slice %arg10[%multiple_of3A, %dma_start3A_102] : memref<10112x128xf32, #tpu.memory_space<vmem_shared>> -> memref<128x128xf32, #tpu.memory_space<vmem_shared>>
        tpu.enqueue_dma source(%arg8 : memref<128x128xf32, #tpu.memory_space<vmem>>) target(%dma_start3A_103 : memref<128x128xf32, #tpu.memory_space<vmem_shared>>) target_semaphore(%run_scoped3A : memref<!tpu.dma_semaphore, #tpu.memory_space<semaphore_mem>>)
        %dma_wait3A = arith.constant 0 : i32
        %dma_wait3A_104 = tpu.memref_slice %arg10[%multiple_of3A, %dma_wait3A] : memref<10112x128xf32, #tpu.memory_space<vmem_shared>> -> memref<128x128xf32, #tpu.memory_space<vmem_shared>>
        %dma_wait3A_105 = arith.constant 0 : i32
        %dma_wait3A_106 = tpu.memref_slice %arg10[%multiple_of3A, %dma_wait3A_105] : memref<10112x128xf32, #tpu.memory_space<vmem_shared>> -> memref<128x128xf32, #tpu.memory_space<vmem_shared>>
        tpu.wait_dma2 semaphore(%run_scoped3A : memref<!tpu.dma_semaphore, #tpu.memory_space<semaphore_mem>>) src(%arg8 : memref<128x128xf32, #tpu.memory_space<vmem>>) dst(%dma_wait3A_106 : memref<128x128xf32, #tpu.memory_space<vmem_shared>>)
        tpu.yield
      }) : () -> ()
    } else {
    }
    %add3A_28 = arith.constant 32 : i32
    %add3A_29 = arith.addi %arg1, %add3A_28 : i32
    %lt3A_30 = arith.constant 79 : i32
    %lt3A_31 = arith.cmpi slt, %add3A_29, %lt3A_30 : i32
    %convert_element_type3A_32 = arith.extui %lt3A_31 : i1 to i32
    %cond3A_33 = arith.constant 0 : i32
    %cond3A_34 = arith.cmpi ne, %convert_element_type3A_32, %cond3A_33 : i32
    scf.if %cond3A_34 {
      %mul3A_99 = arith.constant 128 : i32
      %mul3A_100 = arith.muli %add3A_29, %mul3A_99 : i32
      %multiple_of3A = tpu.assume_multiple %mul3A_100, 128 : i32
      "tpu.region"() ({
        %run_scoped3A = tpu.sem_alloc : memref<!tpu.dma_semaphore, #tpu.memory_space<semaphore_mem>>
        %dma_start3A = arith.constant 0 : i32
        %dma_start3A_101 = tpu.memref_slice %arg10[%multiple_of3A, %dma_start3A] : memref<10112x128xf32, #tpu.memory_space<vmem_shared>> -> memref<128x128xf32, #tpu.memory_space<vmem_shared>>
        %dma_start3A_102 = arith.constant 0 : i32
        %dma_start3A_103 = tpu.memref_slice %arg10[%multiple_of3A, %dma_start3A_102] : memref<10112x128xf32, #tpu.memory_space<vmem_shared>> -> memref<128x128xf32, #tpu.memory_space<vmem_shared>>
        tpu.enqueue_dma source(%arg8 : memref<128x128xf32, #tpu.memory_space<vmem>>) target(%dma_start3A_103 : memref<128x128xf32, #tpu.memory_space<vmem_shared>>) target_semaphore(%run_scoped3A : memref<!tpu.dma_semaphore, #tpu.memory_space<semaphore_mem>>)
        %dma_wait3A = arith.constant 0 : i32
        %dma_wait3A_104 = tpu.memref_slice %arg10[%multiple_of3A, %dma_wait3A] : memref<10112x128xf32, #tpu.memory_space<vmem_shared>> -> memref<128x128xf32, #tpu.memory_space<vmem_shared>>
        %dma_wait3A_105 = arith.constant 0 : i32
        %dma_wait3A_106 = tpu.memref_slice %arg10[%multiple_of3A, %dma_wait3A_105] : memref<10112x128xf32, #tpu.memory_space<vmem_shared>> -> memref<128x128xf32, #tpu.memory_space<vmem_shared>>
        tpu.wait_dma2 semaphore(%run_scoped3A : memref<!tpu.dma_semaphore, #tpu.memory_space<semaphore_mem>>) src(%arg8 : memref<128x128xf32, #tpu.memory_space<vmem>>) dst(%dma_wait3A_106 : memref<128x128xf32, #tpu.memory_space<vmem_shared>>)
        tpu.yield
      }) : () -> ()
    } else {
    }
    %add3A_35 = arith.constant 48 : i32
    %add3A_36 = arith.addi %arg1, %add3A_35 : i32
    %lt3A_37 = arith.constant 79 : i32
    %lt3A_38 = arith.cmpi slt, %add3A_36, %lt3A_37 : i32
    %convert_element_type3A_39 = arith.extui %lt3A_38 : i1 to i32
    %cond3A_40 = arith.constant 0 : i32
    %cond3A_41 = arith.cmpi ne, %convert_element_type3A_39, %cond3A_40 : i32
    scf.if %cond3A_41 {
      %mul3A_99 = arith.constant 128 : i32
      %mul3A_100 = arith.muli %add3A_36, %mul3A_99 : i32
      %multiple_of3A = tpu.assume_multiple %mul3A_100, 128 : i32
      "tpu.region"() ({
        %run_scoped3A = tpu.sem_alloc : memref<!tpu.dma_semaphore, #tpu.memory_space<semaphore_mem>>
        %dma_start3A = arith.constant 0 : i32
        %dma_start3A_101 = tpu.memref_slice %arg10[%multiple_of3A, %dma_start3A] : memref<10112x128xf32, #tpu.memory_space<vmem_shared>> -> memref<128x128xf32, #tpu.memory_space<vmem_shared>>
        %dma_start3A_102 = arith.constant 0 : i32
        %dma_start3A_103 = tpu.memref_slice %arg10[%multiple_of3A, %dma_start3A_102] : memref<10112x128xf32, #tpu.memory_space<vmem_shared>> -> memref<128x128xf32, #tpu.memory_space<vmem_shared>>
        tpu.enqueue_dma source(%arg8 : memref<128x128xf32, #tpu.memory_space<vmem>>) target(%dma_start3A_103 : memref<128x128xf32, #tpu.memory_space<vmem_shared>>) target_semaphore(%run_scoped3A : memref<!tpu.dma_semaphore, #tpu.memory_space<semaphore_mem>>)
        %dma_wait3A = arith.constant 0 : i32
        %dma_wait3A_104 = tpu.memref_slice %arg10[%multiple_of3A, %dma_wait3A] : memref<10112x128xf32, #tpu.memory_space<vmem_shared>> -> memref<128x128xf32, #tpu.memory_space<vmem_shared>>
        %dma_wait3A_105 = arith.constant 0 : i32
        %dma_wait3A_106 = tpu.memref_slice %arg10[%multiple_of3A, %dma_wait3A_105] : memref<10112x128xf32, #tpu.memory_space<vmem_shared>> -> memref<128x128xf32, #tpu.memory_space<vmem_shared>>
        tpu.wait_dma2 semaphore(%run_scoped3A : memref<!tpu.dma_semaphore, #tpu.memory_space<semaphore_mem>>) src(%arg8 : memref<128x128xf32, #tpu.memory_space<vmem>>) dst(%dma_wait3A_106 : memref<128x128xf32, #tpu.memory_space<vmem_shared>>)
        tpu.yield
      }) : () -> ()
    } else {
    }
    %add3A_42 = arith.constant 64 : i32
    %add3A_43 = arith.addi %arg1, %add3A_42 : i32
    %lt3A_44 = arith.constant 79 : i32
    %lt3A_45 = arith.cmpi slt, %add3A_43, %lt3A_44 : i32
    %convert_element_type3A_46 = arith.extui %lt3A_45 : i1 to i32
    %cond3A_47 = arith.constant 0 : i32
    %cond3A_48 = arith.cmpi ne, %convert_element_type3A_46, %cond3A_47 : i32
    scf.if %cond3A_48 {
      %mul3A_99 = arith.constant 128 : i32
      %mul3A_100 = arith.muli %add3A_43, %mul3A_99 : i32
      %multiple_of3A = tpu.assume_multiple %mul3A_100, 128 : i32
      "tpu.region"() ({
        %run_scoped3A = tpu.sem_alloc : memref<!tpu.dma_semaphore, #tpu.memory_space<semaphore_mem>>
        %dma_start3A = arith.constant 0 : i32
        %dma_start3A_101 = tpu.memref_slice %arg10[%multiple_of3A, %dma_start3A] : memref<10112x128xf32, #tpu.memory_space<vmem_shared>> -> memref<128x128xf32, #tpu.memory_space<vmem_shared>>
        %dma_start3A_102 = arith.constant 0 : i32
        %dma_start3A_103 = tpu.memref_slice %arg10[%multiple_of3A, %dma_start3A_102] : memref<10112x128xf32, #tpu.memory_space<vmem_shared>> -> memref<128x128xf32, #tpu.memory_space<vmem_shared>>
        tpu.enqueue_dma source(%arg8 : memref<128x128xf32, #tpu.memory_space<vmem>>) target(%dma_start3A_103 : memref<128x128xf32, #tpu.memory_space<vmem_shared>>) target_semaphore(%run_scoped3A : memref<!tpu.dma_semaphore, #tpu.memory_space<semaphore_mem>>)
        %dma_wait3A = arith.constant 0 : i32
        %dma_wait3A_104 = tpu.memref_slice %arg10[%multiple_of3A, %dma_wait3A] : memref<10112x128xf32, #tpu.memory_space<vmem_shared>> -> memref<128x128xf32, #tpu.memory_space<vmem_shared>>
        %dma_wait3A_105 = arith.constant 0 : i32
        %dma_wait3A_106 = tpu.memref_slice %arg10[%multiple_of3A, %dma_wait3A_105] : memref<10112x128xf32, #tpu.memory_space<vmem_shared>> -> memref<128x128xf32, #tpu.memory_space<vmem_shared>>
        tpu.wait_dma2 semaphore(%run_scoped3A : memref<!tpu.dma_semaphore, #tpu.memory_space<semaphore_mem>>) src(%arg8 : memref<128x128xf32, #tpu.memory_space<vmem>>) dst(%dma_wait3A_106 : memref<128x128xf32, #tpu.memory_space<vmem_shared>>)
        tpu.yield
      }) : () -> ()
    } else {
    }
    %broadcast_in_dim3A_49 = arith.constant 1.000000e+00 : f32
    %broadcast_in_dim3A_50 = vector.broadcast %broadcast_in_dim3A_49 : f32 to vector<16xf32>
    %scan3A_51 = arith.constant 0 : i32
    %scan3A_52 = arith.constant 0 : i32
    %scan3A_53 = arith.constant 128 : i32
    %scan3A_54 = arith.addi %scan3A_52, %scan3A_53 : i32
    %scan3A_55 = arith.constant 1 : i32
    scf.for %scan3A_99 = %scan3A_52 to %scan3A_54 step %scan3A_55  : i32 {
      %swap3A = arith.index_cast %scan3A_99 : i32 to index
      %swap3A_100 = arith.constant 0 : index
      %swap3A_101 = tpu.vector_load %arg8[%swap3A, %swap3A_100] {strides = array<i32>} : memref<128x128xf32, #tpu.memory_space<vmem>>, vector<1x16xf32>,
      %swap3A_102 = vector.shape_cast %swap3A_101 : vector<1x16xf32> to vector<16xf32>
      %swap3A_103 = vector.shape_cast %broadcast_in_dim3A_50 : vector<16xf32> to vector<1x16xf32>
      tpu.vector_store %arg8[%swap3A, %swap3A_100], %swap3A_103 {strides = array<i32>} : memref<128x128xf32, #tpu.memory_space<vmem>>, vector<1x16xf32>,
      %swap3A_104 = arith.index_cast %scan3A_99 : i32 to index
      %swap3A_105 = arith.constant 16 : index
      %swap3A_106 = tpu.vector_load %arg9[%swap3A_104, %swap3A_105] {strides = array<i32>} : memref<128x128xf32, #tpu.memory_space<vmem>>, vector<1x16xf32>,
      %swap3A_107 = vector.shape_cast %swap3A_106 : vector<1x16xf32> to vector<16xf32>
      %swap3A_108 = vector.shape_cast %broadcast_in_dim3A_50 : vector<16xf32> to vector<1x16xf32>
      tpu.vector_store %arg9[%swap3A_104, %swap3A_105], %swap3A_108 {strides = array<i32>} : memref<128x128xf32, #tpu.memory_space<vmem>>, vector<1x16xf32>,
    }
    %scan3A_56 = arith.constant 128 : i32
    %barrier3A = arith.constant 0 : index
    tpu.barrier barrier_id(%barrier3A)
    %scan3A_57 = arith.constant 0 : i32
    %scan3A_58 = arith.constant 0 : i32
    %scan3A_59 = arith.constant 80 : i32
    %scan3A_60 = arith.addi %scan3A_58, %scan3A_59 : i32
    %scan3A_61 = arith.constant 1 : i32
    scf.for %scan3A_99 = %scan3A_58 to %scan3A_60 step %scan3A_61  : i32 {
      %mul3A_100 = arith.constant 128 : i32
      %mul3A_101 = arith.muli %scan3A_99, %mul3A_100 : i32
      %add3A_102 = arith.addi %mul3A_2, %mul3A_101 : i32
      %multiple_of3A = tpu.assume_multiple %add3A_102, 128 : i32
      "tpu.region"() ({
        %run_scoped3A = tpu.sem_alloc : memref<!tpu.dma_semaphore, #tpu.memory_space<semaphore_mem>>
        %dma_start3A = tpu.memref_slice %arg2[%multiple_of3A] : memref<327680xi32, #tpu.memory_space<hbm>> -> memref<128xi32, #tpu.memory_space<hbm>>
        %dma_start3A_210 = tpu.memref_slice %arg2[%multiple_of3A] : memref<327680xi32, #tpu.memory_space<hbm>> -> memref<128xi32, #tpu.memory_space<hbm>>
        tpu.enqueue_dma source(%dma_start3A_210 : memref<128xi32, #tpu.memory_space<hbm>>) target(%arg5 : memref<128xi32, #tpu.memory_space<vmem>>) target_semaphore(%run_scoped3A : memref<!tpu.dma_semaphore, #tpu.memory_space<semaphore_mem>>)
        %dma_wait3A = tpu.memref_slice %arg2[%multiple_of3A] : memref<327680xi32, #tpu.memory_space<hbm>> -> memref<128xi32, #tpu.memory_space<hbm>>
        %dma_wait3A_211 = tpu.memref_slice %arg2[%multiple_of3A] : memref<327680xi32, #tpu.memory_space<hbm>> -> memref<128xi32, #tpu.memory_space<hbm>>
        tpu.wait_dma2 semaphore(%run_scoped3A : memref<!tpu.dma_semaphore, #tpu.memory_space<semaphore_mem>>) src(%dma_wait3A_211 : memref<128xi32, #tpu.memory_space<hbm>>) dst(%arg5 : memref<128xi32, #tpu.memory_space<vmem>>)
        tpu.yield
      }) : () -> ()
      "tpu.region"() ({
        %run_scoped3A = tpu.sem_alloc : memref<!tpu.dma_semaphore, #tpu.memory_space<semaphore_mem>>
        %dma_start3A = tpu.memref_slice %arg3[%multiple_of3A] : memref<327680xi32, #tpu.memory_space<hbm>> -> memref<128xi32, #tpu.memory_space<hbm>>
        %dma_start3A_210 = tpu.memref_slice %arg3[%multiple_of3A] : memref<327680xi32, #tpu.memory_space<hbm>> -> memref<128xi32, #tpu.memory_space<hbm>>
        tpu.enqueue_dma source(%dma_start3A_210 : memref<128xi32, #tpu.memory_space<hbm>>) target(%arg6 : memref<128xi32, #tpu.memory_space<vmem>>) target_semaphore(%run_scoped3A : memref<!tpu.dma_semaphore, #tpu.memory_space<semaphore_mem>>)
        %dma_wait3A = tpu.memref_slice %arg3[%multiple_of3A] : memref<327680xi32, #tpu.memory_space<hbm>> -> memref<128xi32, #tpu.memory_space<hbm>>
        %dma_wait3A_211 = tpu.memref_slice %arg3[%multiple_of3A] : memref<327680xi32, #tpu.memory_space<hbm>> -> memref<128xi32, #tpu.memory_space<hbm>>
        tpu.wait_dma2 semaphore(%run_scoped3A : memref<!tpu.dma_semaphore, #tpu.memory_space<semaphore_mem>>) src(%dma_wait3A_211 : memref<128xi32, #tpu.memory_space<hbm>>) dst(%arg6 : memref<128xi32, #tpu.memory_space<vmem>>)
        tpu.yield
      }) : () -> ()
      %get3A = arith.constant 0 : index
      %get3A_103 = tpu.vector_load %arg5[%get3A] {strides = array<i32>} : memref<128xi32, #tpu.memory_space<vmem>>, vector<16xi32>,
      %get3A_104 = vector.shape_cast %get3A_103 : vector<16xi32> to vector<16xi32>
      %get3A_105 = arith.constant 0 : index
      %get3A_106 = tpu.vector_load %arg6[%get3A_105] {strides = array<i32>} : memref<128xi32, #tpu.memory_space<vmem>>, vector<16xi32>,
      %get3A_107 = vector.shape_cast %get3A_106 : vector<16xi32> to vector<16xi32>
      %eq3A = arith.cmpi eq, %get3A_104, %get3A_107 : vector<16xi32>
      %jit3A = arith.constant 10000 : i32
      %broadcast_in_dim3A_108 = vector.broadcast %jit3A : i32 to vector<16xi32>
      %select_n3A = arith.select %eq3A, %broadcast_in_dim3A_108, %get3A_104 : vector<16xi1>, vector<16xi32>
      %swap3A = arith.constant 0 : index
      %swap3A_109 = tpu.vector_load %arg7[%swap3A] {strides = array<i32>} : memref<128xi32, #tpu.memory_space<vmem>>, vector<16xi32>,
      %swap3A_110 = vector.shape_cast %swap3A_109 : vector<16xi32> to vector<16xi32>
      %swap3A_111 = vector.shape_cast %select_n3A : vector<16xi32> to vector<16xi32>
      tpu.vector_store %arg7[%swap3A], %swap3A_111 {strides = array<i32>} : memref<128xi32, #tpu.memory_space<vmem>>, vector<16xi32>,
      %get3A_112 = arith.constant 16 : index
      %get3A_113 = tpu.vector_load %arg5[%get3A_112] {strides = array<i32>} : memref<128xi32, #tpu.memory_space<vmem>>, vector<16xi32>,
      %get3A_114 = vector.shape_cast %get3A_113 : vector<16xi32> to vector<16xi32>
      %get3A_115 = arith.constant 16 : index
      %get3A_116 = tpu.vector_load %arg6[%get3A_115] {strides = array<i32>} : memref<128xi32, #tpu.memory_space<vmem>>, vector<16xi32>,
      %get3A_117 = vector.shape_cast %get3A_116 : vector<16xi32> to vector<16xi32>
      %eq3A_118 = arith.cmpi eq, %get3A_114, %get3A_117 : vector<16xi32>
      %jit3A_119 = arith.constant 10000 : i32
      %broadcast_in_dim3A_120 = vector.broadcast %jit3A_119 : i32 to vector<16xi32>
      %select_n3A_121 = arith.select %eq3A_118, %broadcast_in_dim3A_120, %get3A_114 : vector<16xi1>, vector<16xi32>
      %swap3A_122 = arith.constant 16 : index
      %swap3A_123 = tpu.vector_load %arg7[%swap3A_122] {strides = array<i32>} : memref<128xi32, #tpu.memory_space<vmem>>, vector<16xi32>,
      %swap3A_124 = vector.shape_cast %swap3A_123 : vector<16xi32> to vector<16xi32>
      %swap3A_125 = vector.shape_cast %select_n3A_121 : vector<16xi32> to vector<16xi32>
      tpu.vector_store %arg7[%swap3A_122], %swap3A_125 {strides = array<i32>} : memref<128xi32, #tpu.memory_space<vmem>>, vector<16xi32>,
      %get3A_126 = arith.constant 32 : index
      %get3A_127 = tpu.vector_load %arg5[%get3A_126] {strides = array<i32>} : memref<128xi32, #tpu.memory_space<vmem>>, vector<16xi32>,
      %get3A_128 = vector.shape_cast %get3A_127 : vector<16xi32> to vector<16xi32>
      %get3A_129 = arith.constant 32 : index
      %get3A_130 = tpu.vector_load %arg6[%get3A_129] {strides = array<i32>} : memref<128xi32, #tpu.memory_space<vmem>>, vector<16xi32>,
      %get3A_131 = vector.shape_cast %get3A_130 : vector<16xi32> to vector<16xi32>
      %eq3A_132 = arith.cmpi eq, %get3A_128, %get3A_131 : vector<16xi32>
      %jit3A_133 = arith.constant 10000 : i32
      %broadcast_in_dim3A_134 = vector.broadcast %jit3A_133 : i32 to vector<16xi32>
      %select_n3A_135 = arith.select %eq3A_132, %broadcast_in_dim3A_134, %get3A_128 : vector<16xi1>, vector<16xi32>
      %swap3A_136 = arith.constant 32 : index
      %swap3A_137 = tpu.vector_load %arg7[%swap3A_136] {strides = array<i32>} : memref<128xi32, #tpu.memory_space<vmem>>, vector<16xi32>,
      %swap3A_138 = vector.shape_cast %swap3A_137 : vector<16xi32> to vector<16xi32>
      %swap3A_139 = vector.shape_cast %select_n3A_135 : vector<16xi32> to vector<16xi32>
      tpu.vector_store %arg7[%swap3A_136], %swap3A_139 {strides = array<i32>} : memref<128xi32, #tpu.memory_space<vmem>>, vector<16xi32>,
      %get3A_140 = arith.constant 48 : index
      %get3A_141 = tpu.vector_load %arg5[%get3A_140] {strides = array<i32>} : memref<128xi32, #tpu.memory_space<vmem>>, vector<16xi32>,
      %get3A_142 = vector.shape_cast %get3A_141 : vector<16xi32> to vector<16xi32>
      %get3A_143 = arith.constant 48 : index
      %get3A_144 = tpu.vector_load %arg6[%get3A_143] {strides = array<i32>} : memref<128xi32, #tpu.memory_space<vmem>>, vector<16xi32>,
      %get3A_145 = vector.shape_cast %get3A_144 : vector<16xi32> to vector<16xi32>
      %eq3A_146 = arith.cmpi eq, %get3A_142, %get3A_145 : vector<16xi32>
      %jit3A_147 = arith.constant 10000 : i32
      %broadcast_in_dim3A_148 = vector.broadcast %jit3A_147 : i32 to vector<16xi32>
      %select_n3A_149 = arith.select %eq3A_146, %broadcast_in_dim3A_148, %get3A_142 : vector<16xi1>, vector<16xi32>
      %swap3A_150 = arith.constant 48 : index
      %swap3A_151 = tpu.vector_load %arg7[%swap3A_150] {strides = array<i32>} : memref<128xi32, #tpu.memory_space<vmem>>, vector<16xi32>,
      %swap3A_152 = vector.shape_cast %swap3A_151 : vector<16xi32> to vector<16xi32>
      %swap3A_153 = vector.shape_cast %select_n3A_149 : vector<16xi32> to vector<16xi32>
      tpu.vector_store %arg7[%swap3A_150], %swap3A_153 {strides = array<i32>} : memref<128xi32, #tpu.memory_space<vmem>>, vector<16xi32>,
      %get3A_154 = arith.constant 64 : index
      %get3A_155 = tpu.vector_load %arg5[%get3A_154] {strides = array<i32>} : memref<128xi32, #tpu.memory_space<vmem>>, vector<16xi32>,
      %get3A_156 = vector.shape_cast %get3A_155 : vector<16xi32> to vector<16xi32>
      %get3A_157 = arith.constant 64 : index
      %get3A_158 = tpu.vector_load %arg6[%get3A_157] {strides = array<i32>} : memref<128xi32, #tpu.memory_space<vmem>>, vector<16xi32>,
      %get3A_159 = vector.shape_cast %get3A_158 : vector<16xi32> to vector<16xi32>
      %eq3A_160 = arith.cmpi eq, %get3A_156, %get3A_159 : vector<16xi32>
      %jit3A_161 = arith.constant 10000 : i32
      %broadcast_in_dim3A_162 = vector.broadcast %jit3A_161 : i32 to vector<16xi32>
      %select_n3A_163 = arith.select %eq3A_160, %broadcast_in_dim3A_162, %get3A_156 : vector<16xi1>, vector<16xi32>
      %swap3A_164 = arith.constant 64 : index
      %swap3A_165 = tpu.vector_load %arg7[%swap3A_164] {strides = array<i32>} : memref<128xi32, #tpu.memory_space<vmem>>, vector<16xi32>,
      %swap3A_166 = vector.shape_cast %swap3A_165 : vector<16xi32> to vector<16xi32>
      %swap3A_167 = vector.shape_cast %select_n3A_163 : vector<16xi32> to vector<16xi32>
      tpu.vector_store %arg7[%swap3A_164], %swap3A_167 {strides = array<i32>} : memref<128xi32, #tpu.memory_space<vmem>>, vector<16xi32>,
      %get3A_168 = arith.constant 80 : index
      %get3A_169 = tpu.vector_load %arg5[%get3A_168] {strides = array<i32>} : memref<128xi32, #tpu.memory_space<vmem>>, vector<16xi32>,
      %get3A_170 = vector.shape_cast %get3A_169 : vector<16xi32> to vector<16xi32>
      %get3A_171 = arith.constant 80 : index
      %get3A_172 = tpu.vector_load %arg6[%get3A_171] {strides = array<i32>} : memref<128xi32, #tpu.memory_space<vmem>>, vector<16xi32>,
      %get3A_173 = vector.shape_cast %get3A_172 : vector<16xi32> to vector<16xi32>
      %eq3A_174 = arith.cmpi eq, %get3A_170, %get3A_173 : vector<16xi32>
      %jit3A_175 = arith.constant 10000 : i32
      %broadcast_in_dim3A_176 = vector.broadcast %jit3A_175 : i32 to vector<16xi32>
      %select_n3A_177 = arith.select %eq3A_174, %broadcast_in_dim3A_176, %get3A_170 : vector<16xi1>, vector<16xi32>
      %swap3A_178 = arith.constant 80 : index
      %swap3A_179 = tpu.vector_load %arg7[%swap3A_178] {strides = array<i32>} : memref<128xi32, #tpu.memory_space<vmem>>, vector<16xi32>,
      %swap3A_180 = vector.shape_cast %swap3A_179 : vector<16xi32> to vector<16xi32>
      %swap3A_181 = vector.shape_cast %select_n3A_177 : vector<16xi32> to vector<16xi32>
      tpu.vector_store %arg7[%swap3A_178], %swap3A_181 {strides = array<i32>} : memref<128xi32, #tpu.memory_space<vmem>>, vector<16xi32>,
      %get3A_182 = arith.constant 96 : index
      %get3A_183 = tpu.vector_load %arg5[%get3A_182] {strides = array<i32>} : memref<128xi32, #tpu.memory_space<vmem>>, vector<16xi32>,
      %get3A_184 = vector.shape_cast %get3A_183 : vector<16xi32> to vector<16xi32>
      %get3A_185 = arith.constant 96 : index
      %get3A_186 = tpu.vector_load %arg6[%get3A_185] {strides = array<i32>} : memref<128xi32, #tpu.memory_space<vmem>>, vector<16xi32>,
      %get3A_187 = vector.shape_cast %get3A_186 : vector<16xi32> to vector<16xi32>
      %eq3A_188 = arith.cmpi eq, %get3A_184, %get3A_187 : vector<16xi32>
      %jit3A_189 = arith.constant 10000 : i32
      %broadcast_in_dim3A_190 = vector.broadcast %jit3A_189 : i32 to vector<16xi32>
      %select_n3A_191 = arith.select %eq3A_188, %broadcast_in_dim3A_190, %get3A_184 : vector<16xi1>, vector<16xi32>
      %swap3A_192 = arith.constant 96 : index
      %swap3A_193 = tpu.vector_load %arg7[%swap3A_192] {strides = array<i32>} : memref<128xi32, #tpu.memory_space<vmem>>, vector<16xi32>,
      %swap3A_194 = vector.shape_cast %swap3A_193 : vector<16xi32> to vector<16xi32>
      %swap3A_195 = vector.shape_cast %select_n3A_191 : vector<16xi32> to vector<16xi32>
      tpu.vector_store %arg7[%swap3A_192], %swap3A_195 {strides = array<i32>} : memref<128xi32, #tpu.memory_space<vmem>>, vector<16xi32>,
      %get3A_196 = arith.constant 112 : index
      %get3A_197 = tpu.vector_load %arg5[%get3A_196] {strides = array<i32>} : memref<128xi32, #tpu.memory_space<vmem>>, vector<16xi32>,
      %get3A_198 = vector.shape_cast %get3A_197 : vector<16xi32> to vector<16xi32>
      %get3A_199 = arith.constant 112 : index
      %get3A_200 = tpu.vector_load %arg6[%get3A_199] {strides = array<i32>} : memref<128xi32, #tpu.memory_space<vmem>>, vector<16xi32>,
      %get3A_201 = vector.shape_cast %get3A_200 : vector<16xi32> to vector<16xi32>
      %eq3A_202 = arith.cmpi eq, %get3A_198, %get3A_201 : vector<16xi32>
      %jit3A_203 = arith.constant 10000 : i32
      %broadcast_in_dim3A_204 = vector.broadcast %jit3A_203 : i32 to vector<16xi32>
      %select_n3A_205 = arith.select %eq3A_202, %broadcast_in_dim3A_204, %get3A_198 : vector<16xi1>, vector<16xi32>
      %swap3A_206 = arith.constant 112 : index
      %swap3A_207 = tpu.vector_load %arg7[%swap3A_206] {strides = array<i32>} : memref<128xi32, #tpu.memory_space<vmem>>, vector<16xi32>,
      %swap3A_208 = vector.shape_cast %swap3A_207 : vector<16xi32> to vector<16xi32>
      %swap3A_209 = vector.shape_cast %select_n3A_205 : vector<16xi32> to vector<16xi32>
      tpu.vector_store %arg7[%swap3A_206], %swap3A_209 {strides = array<i32>} : memref<128xi32, #tpu.memory_space<vmem>>, vector<16xi32>,
      "tpu.region"() ({
        %run_scoped3A = tpu.sem_alloc : memref<!tpu.dma_semaphore, #tpu.memory_space<semaphore_mem>>
        %dma_start3A = arith.constant 0 : i32
        %dma_start3A_210 = arith.constant 0 : i32
        %dma_start3A_211 = tpu.memref_slice %arg10[%dma_start3A, %dma_start3A_210] : memref<10112x128xf32, #tpu.memory_space<vmem_shared>> -> memref<10112x128xf32, #tpu.memory_space<vmem_shared>>
        tpu.enqueue_indirect_dma source(%arg8 : memref<128x128xf32, #tpu.memory_space<vmem>>) target(%dma_start3A_211 : memref<10112x128xf32, #tpu.memory_space<vmem_shared>>) offsets(%arg6 : memref<128xi32, #tpu.memory_space<vmem>>) semaphore(%run_scoped3A : memref<!tpu.dma_semaphore, #tpu.memory_space<semaphore_mem>>) {add = true}
        %dma_wait3A = arith.constant 0 : i32
        %dma_wait3A_212 = arith.constant 0 : i32
        %dma_wait3A_213 = tpu.memref_slice %arg10[%dma_wait3A, %dma_wait3A_212] : memref<10112x128xf32, #tpu.memory_space<vmem_shared>> -> memref<10112x128xf32, #tpu.memory_space<vmem_shared>>
        tpu.wait_indirect_dma semaphore(%run_scoped3A : memref<!tpu.dma_semaphore, #tpu.memory_space<semaphore_mem>>) src(%arg8 : memref<128x128xf32, #tpu.memory_space<vmem>>) dst(%dma_wait3A_213 : memref<10112x128xf32, #tpu.memory_space<vmem_shared>>)
        tpu.yield
      }) : () -> ()
      "tpu.region"() ({
        %run_scoped3A = tpu.sem_alloc : memref<!tpu.dma_semaphore, #tpu.memory_space<semaphore_mem>>
        %dma_start3A = arith.constant 0 : i32
        %dma_start3A_210 = arith.constant 0 : i32
        %dma_start3A_211 = tpu.memref_slice %arg10[%dma_start3A, %dma_start3A_210] : memref<10112x128xf32, #tpu.memory_space<vmem_shared>> -> memref<10112x128xf32, #tpu.memory_space<vmem_shared>>
        tpu.enqueue_indirect_dma source(%arg9 : memref<128x128xf32, #tpu.memory_space<vmem>>) target(%dma_start3A_211 : memref<10112x128xf32, #tpu.memory_space<vmem_shared>>) offsets(%arg7 : memref<128xi32, #tpu.memory_space<vmem>>) semaphore(%run_scoped3A : memref<!tpu.dma_semaphore, #tpu.memory_space<semaphore_mem>>) {add = true}
        %dma_wait3A = arith.constant 0 : i32
        %dma_wait3A_212 = arith.constant 0 : i32
        %dma_wait3A_213 = tpu.memref_slice %arg10[%dma_wait3A, %dma_wait3A_212] : memref<10112x128xf32, #tpu.memory_space<vmem_shared>> -> memref<10112x128xf32, #tpu.memory_space<vmem_shared>>
        tpu.wait_indirect_dma semaphore(%run_scoped3A : memref<!tpu.dma_semaphore, #tpu.memory_space<semaphore_mem>>) src(%arg9 : memref<128x128xf32, #tpu.memory_space<vmem>>) dst(%dma_wait3A_213 : memref<10112x128xf32, #tpu.memory_space<vmem_shared>>)
        tpu.yield
      }) : () -> ()
    }
    %scan3A_62 = arith.constant 80 : i32
    %barrier3A_63 = arith.constant 0 : index
    tpu.barrier barrier_id(%barrier3A_63)
    %add3A_64 = arith.constant 0 : i32
    %add3A_65 = arith.addi %arg1, %add3A_64 : i32
    %lt3A_66 = arith.constant 79 : i32
    %lt3A_67 = arith.cmpi slt, %add3A_65, %lt3A_66 : i32
    %convert_element_type3A_68 = arith.extui %lt3A_67 : i1 to i32
    %cond3A_69 = arith.constant 0 : i32
    %cond3A_70 = arith.cmpi ne, %convert_element_type3A_68, %cond3A_69 : i32
    scf.if %cond3A_70 {
      %mul3A_99 = arith.constant 128 : i32
      %mul3A_100 = arith.muli %add3A_65, %mul3A_99 : i32
      %multiple_of3A = tpu.assume_multiple %mul3A_100, 128 : i32
      "tpu.region"() ({
        %run_scoped3A = tpu.sem_alloc : memref<!tpu.dma_semaphore, #tpu.memory_space<semaphore_mem>>
        %dma_start3A = arith.constant 0 : i32
        %dma_start3A_101 = tpu.memref_slice %arg4[%arg0, %multiple_of3A, %dma_start3A] : memref<2x10112x128xf32, #tpu.memory_space<hbm>> -> memref<1x128x128xf32, #tpu.memory_space<hbm>>
        %dma_start3A_102 = tpu.memref_squeeze %dma_start3A_101 : memref<1x128x128xf32, #tpu.memory_space<hbm>> -> memref<128x128xf32, #tpu.memory_space<hbm>>
        %dma_start3A_103 = arith.constant 0 : i32
        %dma_start3A_104 = tpu.memref_slice %arg10[%multiple_of3A, %dma_start3A_103] : memref<10112x128xf32, #tpu.memory_space<vmem_shared>> -> memref<128x128xf32, #tpu.memory_space<vmem_shared>>
        tpu.enqueue_dma source(%dma_start3A_104 : memref<128x128xf32, #tpu.memory_space<vmem_shared>>) target(%dma_start3A_102 : memref<128x128xf32, #tpu.memory_space<hbm>>) target_semaphore(%run_scoped3A : memref<!tpu.dma_semaphore, #tpu.memory_space<semaphore_mem>>)
        %dma_wait3A = arith.constant 0 : i32
        %dma_wait3A_105 = tpu.memref_slice %arg4[%arg0, %multiple_of3A, %dma_wait3A] : memref<2x10112x128xf32, #tpu.memory_space<hbm>> -> memref<1x128x128xf32, #tpu.memory_space<hbm>>
        %dma_wait3A_106 = tpu.memref_squeeze %dma_wait3A_105 : memref<1x128x128xf32, #tpu.memory_space<hbm>> -> memref<128x128xf32, #tpu.memory_space<hbm>>
        %dma_wait3A_107 = arith.constant 0 : i32
        %dma_wait3A_108 = tpu.memref_slice %arg10[%multiple_of3A, %dma_wait3A_107] : memref<10112x128xf32, #tpu.memory_space<vmem_shared>> -> memref<128x128xf32, #tpu.memory_space<vmem_shared>>
        tpu.wait_dma2 semaphore(%run_scoped3A : memref<!tpu.dma_semaphore, #tpu.memory_space<semaphore_mem>>) src(%dma_wait3A_108 : memref<128x128xf32, #tpu.memory_space<vmem_shared>>) dst(%dma_wait3A_106 : memref<128x128xf32, #tpu.memory_space<hbm>>)
        tpu.yield
      }) : () -> ()
    } else {
    }
    %add3A_71 = arith.constant 16 : i32
    %add3A_72 = arith.addi %arg1, %add3A_71 : i32
    %lt3A_73 = arith.constant 79 : i32
    %lt3A_74 = arith.cmpi slt, %add3A_72, %lt3A_73 : i32
    %convert_element_type3A_75 = arith.extui %lt3A_74 : i1 to i32
    %cond3A_76 = arith.constant 0 : i32
    %cond3A_77 = arith.cmpi ne, %convert_element_type3A_75, %cond3A_76 : i32
    scf.if %cond3A_77 {
      %mul3A_99 = arith.constant 128 : i32
      %mul3A_100 = arith.muli %add3A_72, %mul3A_99 : i32
      %multiple_of3A = tpu.assume_multiple %mul3A_100, 128 : i32
      "tpu.region"() ({
        %run_scoped3A = tpu.sem_alloc : memref<!tpu.dma_semaphore, #tpu.memory_space<semaphore_mem>>
        %dma_start3A = arith.constant 0 : i32
        %dma_start3A_101 = tpu.memref_slice %arg4[%arg0, %multiple_of3A, %dma_start3A] : memref<2x10112x128xf32, #tpu.memory_space<hbm>> -> memref<1x128x128xf32, #tpu.memory_space<hbm>>
        %dma_start3A_102 = tpu.memref_squeeze %dma_start3A_101 : memref<1x128x128xf32, #tpu.memory_space<hbm>> -> memref<128x128xf32, #tpu.memory_space<hbm>>
        %dma_start3A_103 = arith.constant 0 : i32
        %dma_start3A_104 = tpu.memref_slice %arg10[%multiple_of3A, %dma_start3A_103] : memref<10112x128xf32, #tpu.memory_space<vmem_shared>> -> memref<128x128xf32, #tpu.memory_space<vmem_shared>>
        tpu.enqueue_dma source(%dma_start3A_104 : memref<128x128xf32, #tpu.memory_space<vmem_shared>>) target(%dma_start3A_102 : memref<128x128xf32, #tpu.memory_space<hbm>>) target_semaphore(%run_scoped3A : memref<!tpu.dma_semaphore, #tpu.memory_space<semaphore_mem>>)
        %dma_wait3A = arith.constant 0 : i32
        %dma_wait3A_105 = tpu.memref_slice %arg4[%arg0, %multiple_of3A, %dma_wait3A] : memref<2x10112x128xf32, #tpu.memory_space<hbm>> -> memref<1x128x128xf32, #tpu.memory_space<hbm>>
        %dma_wait3A_106 = tpu.memref_squeeze %dma_wait3A_105 : memref<1x128x128xf32, #tpu.memory_space<hbm>> -> memref<128x128xf32, #tpu.memory_space<hbm>>
        %dma_wait3A_107 = arith.constant 0 : i32
        %dma_wait3A_108 = tpu.memref_slice %arg10[%multiple_of3A, %dma_wait3A_107] : memref<10112x128xf32, #tpu.memory_space<vmem_shared>> -> memref<128x128xf32, #tpu.memory_space<vmem_shared>>
        tpu.wait_dma2 semaphore(%run_scoped3A : memref<!tpu.dma_semaphore, #tpu.memory_space<semaphore_mem>>) src(%dma_wait3A_108 : memref<128x128xf32, #tpu.memory_space<vmem_shared>>) dst(%dma_wait3A_106 : memref<128x128xf32, #tpu.memory_space<hbm>>)
        tpu.yield
      }) : () -> ()
    } else {
    }
    %add3A_78 = arith.constant 32 : i32
    %add3A_79 = arith.addi %arg1, %add3A_78 : i32
    %lt3A_80 = arith.constant 79 : i32
    %lt3A_81 = arith.cmpi slt, %add3A_79, %lt3A_80 : i32
    %convert_element_type3A_82 = arith.extui %lt3A_81 : i1 to i32
    %cond3A_83 = arith.constant 0 : i32
    %cond3A_84 = arith.cmpi ne, %convert_element_type3A_82, %cond3A_83 : i32
    scf.if %cond3A_84 {
      %mul3A_99 = arith.constant 128 : i32
      %mul3A_100 = arith.muli %add3A_79, %mul3A_99 : i32
      %multiple_of3A = tpu.assume_multiple %mul3A_100, 128 : i32
      "tpu.region"() ({
        %run_scoped3A = tpu.sem_alloc : memref<!tpu.dma_semaphore, #tpu.memory_space<semaphore_mem>>
        %dma_start3A = arith.constant 0 : i32
        %dma_start3A_101 = tpu.memref_slice %arg4[%arg0, %multiple_of3A, %dma_start3A] : memref<2x10112x128xf32, #tpu.memory_space<hbm>> -> memref<1x128x128xf32, #tpu.memory_space<hbm>>
        %dma_start3A_102 = tpu.memref_squeeze %dma_start3A_101 : memref<1x128x128xf32, #tpu.memory_space<hbm>> -> memref<128x128xf32, #tpu.memory_space<hbm>>
        %dma_start3A_103 = arith.constant 0 : i32
        %dma_start3A_104 = tpu.memref_slice %arg10[%multiple_of3A, %dma_start3A_103] : memref<10112x128xf32, #tpu.memory_space<vmem_shared>> -> memref<128x128xf32, #tpu.memory_space<vmem_shared>>
        tpu.enqueue_dma source(%dma_start3A_104 : memref<128x128xf32, #tpu.memory_space<vmem_shared>>) target(%dma_start3A_102 : memref<128x128xf32, #tpu.memory_space<hbm>>) target_semaphore(%run_scoped3A : memref<!tpu.dma_semaphore, #tpu.memory_space<semaphore_mem>>)
        %dma_wait3A = arith.constant 0 : i32
        %dma_wait3A_105 = tpu.memref_slice %arg4[%arg0, %multiple_of3A, %dma_wait3A] : memref<2x10112x128xf32, #tpu.memory_space<hbm>> -> memref<1x128x128xf32, #tpu.memory_space<hbm>>
        %dma_wait3A_106 = tpu.memref_squeeze %dma_wait3A_105 : memref<1x128x128xf32, #tpu.memory_space<hbm>> -> memref<128x128xf32, #tpu.memory_space<hbm>>
        %dma_wait3A_107 = arith.constant 0 : i32
        %dma_wait3A_108 = tpu.memref_slice %arg10[%multiple_of3A, %dma_wait3A_107] : memref<10112x128xf32, #tpu.memory_space<vmem_shared>> -> memref<128x128xf32, #tpu.memory_space<vmem_shared>>
        tpu.wait_dma2 semaphore(%run_scoped3A : memref<!tpu.dma_semaphore, #tpu.memory_space<semaphore_mem>>) src(%dma_wait3A_108 : memref<128x128xf32, #tpu.memory_space<vmem_shared>>) dst(%dma_wait3A_106 : memref<128x128xf32, #tpu.memory_space<hbm>>)
        tpu.yield
      }) : () -> ()
    } else {
    }
    %add3A_85 = arith.constant 48 : i32
    %add3A_86 = arith.addi %arg1, %add3A_85 : i32
    %lt3A_87 = arith.constant 79 : i32
    %lt3A_88 = arith.cmpi slt, %add3A_86, %lt3A_87 : i32
    %convert_element_type3A_89 = arith.extui %lt3A_88 : i1 to i32
    %cond3A_90 = arith.constant 0 : i32
    %cond3A_91 = arith.cmpi ne, %convert_element_type3A_89, %cond3A_90 : i32
    scf.if %cond3A_91 {
      %mul3A_99 = arith.constant 128 : i32
      %mul3A_100 = arith.muli %add3A_86, %mul3A_99 : i32
      %multiple_of3A = tpu.assume_multiple %mul3A_100, 128 : i32
      "tpu.region"() ({
        %run_scoped3A = tpu.sem_alloc : memref<!tpu.dma_semaphore, #tpu.memory_space<semaphore_mem>>
        %dma_start3A = arith.constant 0 : i32
        %dma_start3A_101 = tpu.memref_slice %arg4[%arg0, %multiple_of3A, %dma_start3A] : memref<2x10112x128xf32, #tpu.memory_space<hbm>> -> memref<1x128x128xf32, #tpu.memory_space<hbm>>
        %dma_start3A_102 = tpu.memref_squeeze %dma_start3A_101 : memref<1x128x128xf32, #tpu.memory_space<hbm>> -> memref<128x128xf32, #tpu.memory_space<hbm>>
        %dma_start3A_103 = arith.constant 0 : i32
        %dma_start3A_104 = tpu.memref_slice %arg10[%multiple_of3A, %dma_start3A_103] : memref<10112x128xf32, #tpu.memory_space<vmem_shared>> -> memref<128x128xf32, #tpu.memory_space<vmem_shared>>
        tpu.enqueue_dma source(%dma_start3A_104 : memref<128x128xf32, #tpu.memory_space<vmem_shared>>) target(%dma_start3A_102 : memref<128x128xf32, #tpu.memory_space<hbm>>) target_semaphore(%run_scoped3A : memref<!tpu.dma_semaphore, #tpu.memory_space<semaphore_mem>>)
        %dma_wait3A = arith.constant 0 : i32
        %dma_wait3A_105 = tpu.memref_slice %arg4[%arg0, %multiple_of3A, %dma_wait3A] : memref<2x10112x128xf32, #tpu.memory_space<hbm>> -> memref<1x128x128xf32, #tpu.memory_space<hbm>>
        %dma_wait3A_106 = tpu.memref_squeeze %dma_wait3A_105 : memref<1x128x128xf32, #tpu.memory_space<hbm>> -> memref<128x128xf32, #tpu.memory_space<hbm>>
        %dma_wait3A_107 = arith.constant 0 : i32
        %dma_wait3A_108 = tpu.memref_slice %arg10[%multiple_of3A, %dma_wait3A_107] : memref<10112x128xf32, #tpu.memory_space<vmem_shared>> -> memref<128x128xf32, #tpu.memory_space<vmem_shared>>
        tpu.wait_dma2 semaphore(%run_scoped3A : memref<!tpu.dma_semaphore, #tpu.memory_space<semaphore_mem>>) src(%dma_wait3A_108 : memref<128x128xf32, #tpu.memory_space<vmem_shared>>) dst(%dma_wait3A_106 : memref<128x128xf32, #tpu.memory_space<hbm>>)
        tpu.yield
      }) : () -> ()
    } else {
    }
    %add3A_92 = arith.constant 64 : i32
    %add3A_93 = arith.addi %arg1, %add3A_92 : i32
    %lt3A_94 = arith.constant 79 : i32
    %lt3A_95 = arith.cmpi slt, %add3A_93, %lt3A_94 : i32
    %convert_element_type3A_96 = arith.extui %lt3A_95 : i1 to i32
    %cond3A_97 = arith.constant 0 : i32
    %cond3A_98 = arith.cmpi ne, %convert_element_type3A_96, %cond3A_97 : i32
    scf.if %cond3A_98 {
      %mul3A_99 = arith.constant 128 : i32
      %mul3A_100 = arith.muli %add3A_93, %mul3A_99 : i32
      %multiple_of3A = tpu.assume_multiple %mul3A_100, 128 : i32
      "tpu.region"() ({
        %run_scoped3A = tpu.sem_alloc : memref<!tpu.dma_semaphore, #tpu.memory_space<semaphore_mem>>
        %dma_start3A = arith.constant 0 : i32
        %dma_start3A_101 = tpu.memref_slice %arg4[%arg0, %multiple_of3A, %dma_start3A] : memref<2x10112x128xf32, #tpu.memory_space<hbm>> -> memref<1x128x128xf32, #tpu.memory_space<hbm>>
        %dma_start3A_102 = tpu.memref_squeeze %dma_start3A_101 : memref<1x128x128xf32, #tpu.memory_space<hbm>> -> memref<128x128xf32, #tpu.memory_space<hbm>>
        %dma_start3A_103 = arith.constant 0 : i32
        %dma_start3A_104 = tpu.memref_slice %arg10[%multiple_of3A, %dma_start3A_103] : memref<10112x128xf32, #tpu.memory_space<vmem_shared>> -> memref<128x128xf32, #tpu.memory_space<vmem_shared>>
        tpu.enqueue_dma source(%dma_start3A_104 : memref<128x128xf32, #tpu.memory_space<vmem_shared>>) target(%dma_start3A_102 : memref<128x128xf32, #tpu.memory_space<hbm>>) target_semaphore(%run_scoped3A : memref<!tpu.dma_semaphore, #tpu.memory_space<semaphore_mem>>)
        %dma_wait3A = arith.constant 0 : i32
        %dma_wait3A_105 = tpu.memref_slice %arg4[%arg0, %multiple_of3A, %dma_wait3A] : memref<2x10112x128xf32, #tpu.memory_space<hbm>> -> memref<1x128x128xf32, #tpu.memory_space<hbm>>
        %dma_wait3A_106 = tpu.memref_squeeze %dma_wait3A_105 : memref<1x128x128xf32, #tpu.memory_space<hbm>> -> memref<128x128xf32, #tpu.memory_space<hbm>>
        %dma_wait3A_107 = arith.constant 0 : i32
        %dma_wait3A_108 = tpu.memref_slice %arg10[%multiple_of3A, %dma_wait3A_107] : memref<10112x128xf32, #tpu.memory_space<vmem_shared>> -> memref<128x128xf32, #tpu.memory_space<vmem_shared>>
        tpu.wait_dma2 semaphore(%run_scoped3A : memref<!tpu.dma_semaphore, #tpu.memory_space<semaphore_mem>>) src(%dma_wait3A_108 : memref<128x128xf32, #tpu.memory_space<vmem_shared>>) dst(%dma_wait3A_106 : memref<128x128xf32, #tpu.memory_space<hbm>>)
        tpu.yield
      }) : () -> ()
    } else {
    }
    return
  }
}

#map = affine_map<(d0, d1) -> (0, 0)>
#map1 = affine_map<(d0, d1) -> (0)>
#map2 = affine_map<(d0, d1) -> (0, 0, 0)>
module attributes {stable_mosaic.version = 14 : i64} {
  func.func @_sc_cheb(%arg0: i32, %arg1: i32, %arg2: memref<10112x128xf32, #tpu.memory_space<hbm>>, %arg3: memref<327680xi32, #tpu.memory_space<hbm>>, %arg4: memref<327680xi32, #tpu.memory_space<hbm>>, %arg5: memref<2x10112x128xf32, #tpu.memory_space<hbm>>, %arg6: memref<128xi32, #tpu.memory_space<vmem>>, %arg7: memref<128xi32, #tpu.memory_space<vmem>>, %arg8: memref<128x128xf32, #tpu.memory_space<vmem>>, %arg9: memref<10112x128xf32, #tpu.memory_space<vmem_shared>>, %arg10: memref<!tpu.dma_semaphore, #tpu.memory_space<semaphore_mem>>) attributes {dimension_semantics = [#tpu.dimension_semantics<core_parallel>, #tpu.dimension_semantics<subcore_parallel>], iteration_bounds = array<i64: 2, 16>, scalar_prefetch = 0 : i64, scratch_operands = 5 : i64, tpu.core_type = #tpu.core_type<sc_vector_subcore>, window_params = [{transform_indices = #map}, {transform_indices = #map1}, {transform_indices = #map1}, {transform_indices = #map2}]} {
    %mul3A = arith.constant 16 : i32
    %mul3A_0 = arith.muli %arg0, %mul3A : i32
    %add3A = arith.addi %mul3A_0, %arg1 : i32
    %mul3A_1 = arith.constant 10240 : i32
    %mul3A_2 = arith.muli %add3A, %mul3A_1 : i32
    %broadcast_in_dim3A = arith.constant 0.000000e+00 : f32
    %broadcast_in_dim3A_3 = vector.broadcast %broadcast_in_dim3A : f32 to vector<16xf32>
    %scan3A = arith.constant 0 : i32
    %scan3A_4 = arith.constant 0 : i32
    %scan3A_5 = arith.constant 128 : i32
    %scan3A_6 = arith.addi %scan3A_4, %scan3A_5 : i32
    %scan3A_7 = arith.constant 1 : i32
    scf.for %scan3A_83 = %scan3A_4 to %scan3A_6 step %scan3A_7  : i32 {
      %swap3A = arith.index_cast %scan3A_83 : i32 to index
      %swap3A_84 = arith.constant 0 : index
      %swap3A_85 = tpu.vector_load %arg8[%swap3A, %swap3A_84] {strides = array<i32>} : memref<128x128xf32, #tpu.memory_space<vmem>>, vector<1x16xf32>,
      %swap3A_86 = vector.shape_cast %swap3A_85 : vector<1x16xf32> to vector<16xf32>
      %swap3A_87 = vector.shape_cast %broadcast_in_dim3A_3 : vector<16xf32> to vector<1x16xf32>
      tpu.vector_store %arg8[%swap3A, %swap3A_84], %swap3A_87 {strides = array<i32>} : memref<128x128xf32, #tpu.memory_space<vmem>>, vector<1x16xf32>,
      %swap3A_88 = arith.index_cast %scan3A_83 : i32 to index
      %swap3A_89 = arith.constant 16 : index
      %swap3A_90 = tpu.vector_load %arg8[%swap3A_88, %swap3A_89] {strides = array<i32>} : memref<128x128xf32, #tpu.memory_space<vmem>>, vector<1x16xf32>,
      %swap3A_91 = vector.shape_cast %swap3A_90 : vector<1x16xf32> to vector<16xf32>
      %swap3A_92 = vector.shape_cast %broadcast_in_dim3A_3 : vector<16xf32> to vector<1x16xf32>
      tpu.vector_store %arg8[%swap3A_88, %swap3A_89], %swap3A_92 {strides = array<i32>} : memref<128x128xf32, #tpu.memory_space<vmem>>, vector<1x16xf32>,
      %swap3A_93 = arith.index_cast %scan3A_83 : i32 to index
      %swap3A_94 = arith.constant 32 : index
      %swap3A_95 = tpu.vector_load %arg8[%swap3A_93, %swap3A_94] {strides = array<i32>} : memref<128x128xf32, #tpu.memory_space<vmem>>, vector<1x16xf32>,
      %swap3A_96 = vector.shape_cast %swap3A_95 : vector<1x16xf32> to vector<16xf32>
      %swap3A_97 = vector.shape_cast %broadcast_in_dim3A_3 : vector<16xf32> to vector<1x16xf32>
      tpu.vector_store %arg8[%swap3A_93, %swap3A_94], %swap3A_97 {strides = array<i32>} : memref<128x128xf32, #tpu.memory_space<vmem>>, vector<1x16xf32>,
      %swap3A_98 = arith.index_cast %scan3A_83 : i32 to index
      %swap3A_99 = arith.constant 48 : index
      %swap3A_100 = tpu.vector_load %arg8[%swap3A_98, %swap3A_99] {strides = array<i32>} : memref<128x128xf32, #tpu.memory_space<vmem>>, vector<1x16xf32>,
      %swap3A_101 = vector.shape_cast %swap3A_100 : vector<1x16xf32> to vector<16xf32>
      %swap3A_102 = vector.shape_cast %broadcast_in_dim3A_3 : vector<16xf32> to vector<1x16xf32>
      tpu.vector_store %arg8[%swap3A_98, %swap3A_99], %swap3A_102 {strides = array<i32>} : memref<128x128xf32, #tpu.memory_space<vmem>>, vector<1x16xf32>,
      %swap3A_103 = arith.index_cast %scan3A_83 : i32 to index
      %swap3A_104 = arith.constant 64 : index
      %swap3A_105 = tpu.vector_load %arg8[%swap3A_103, %swap3A_104] {strides = array<i32>} : memref<128x128xf32, #tpu.memory_space<vmem>>, vector<1x16xf32>,
      %swap3A_106 = vector.shape_cast %swap3A_105 : vector<1x16xf32> to vector<16xf32>
      %swap3A_107 = vector.shape_cast %broadcast_in_dim3A_3 : vector<16xf32> to vector<1x16xf32>
      tpu.vector_store %arg8[%swap3A_103, %swap3A_104], %swap3A_107 {strides = array<i32>} : memref<128x128xf32, #tpu.memory_space<vmem>>, vector<1x16xf32>,
      %swap3A_108 = arith.index_cast %scan3A_83 : i32 to index
      %swap3A_109 = arith.constant 80 : index
      %swap3A_110 = tpu.vector_load %arg8[%swap3A_108, %swap3A_109] {strides = array<i32>} : memref<128x128xf32, #tpu.memory_space<vmem>>, vector<1x16xf32>,
      %swap3A_111 = vector.shape_cast %swap3A_110 : vector<1x16xf32> to vector<16xf32>
      %swap3A_112 = vector.shape_cast %broadcast_in_dim3A_3 : vector<16xf32> to vector<1x16xf32>
      tpu.vector_store %arg8[%swap3A_108, %swap3A_109], %swap3A_112 {strides = array<i32>} : memref<128x128xf32, #tpu.memory_space<vmem>>, vector<1x16xf32>,
      %swap3A_113 = arith.index_cast %scan3A_83 : i32 to index
      %swap3A_114 = arith.constant 96 : index
      %swap3A_115 = tpu.vector_load %arg8[%swap3A_113, %swap3A_114] {strides = array<i32>} : memref<128x128xf32, #tpu.memory_space<vmem>>, vector<1x16xf32>,
      %swap3A_116 = vector.shape_cast %swap3A_115 : vector<1x16xf32> to vector<16xf32>
      %swap3A_117 = vector.shape_cast %broadcast_in_dim3A_3 : vector<16xf32> to vector<1x16xf32>
      tpu.vector_store %arg8[%swap3A_113, %swap3A_114], %swap3A_117 {strides = array<i32>} : memref<128x128xf32, #tpu.memory_space<vmem>>, vector<1x16xf32>,
      %swap3A_118 = arith.index_cast %scan3A_83 : i32 to index
      %swap3A_119 = arith.constant 112 : index
      %swap3A_120 = tpu.vector_load %arg8[%swap3A_118, %swap3A_119] {strides = array<i32>} : memref<128x128xf32, #tpu.memory_space<vmem>>, vector<1x16xf32>,
      %swap3A_121 = vector.shape_cast %swap3A_120 : vector<1x16xf32> to vector<16xf32>
      %swap3A_122 = vector.shape_cast %broadcast_in_dim3A_3 : vector<16xf32> to vector<1x16xf32>
      tpu.vector_store %arg8[%swap3A_118, %swap3A_119], %swap3A_122 {strides = array<i32>} : memref<128x128xf32, #tpu.memory_space<vmem>>, vector<1x16xf32>,
    }
    %scan3A_8 = arith.constant 128 : i32
    %add3A_9 = arith.constant 0 : i32
    %add3A_10 = arith.addi %arg1, %add3A_9 : i32
    %lt3A = arith.constant 79 : i32
    %lt3A_11 = arith.cmpi slt, %add3A_10, %lt3A : i32
    %convert_element_type3A = arith.extui %lt3A_11 : i1 to i32
    %cond3A = arith.constant 0 : i32
    %cond3A_12 = arith.cmpi ne, %convert_element_type3A, %cond3A : i32
    scf.if %cond3A_12 {
      %mul3A_83 = arith.constant 128 : i32
      %mul3A_84 = arith.muli %add3A_10, %mul3A_83 : i32
      %multiple_of3A = tpu.assume_multiple %mul3A_84, 128 : i32
      "tpu.region"() ({
        %run_scoped3A = tpu.sem_alloc : memref<!tpu.dma_semaphore, #tpu.memory_space<semaphore_mem>>
        %dma_start3A = arith.constant 0 : i32
        %dma_start3A_85 = tpu.memref_slice %arg9[%multiple_of3A, %dma_start3A] : memref<10112x128xf32, #tpu.memory_space<vmem_shared>> -> memref<128x128xf32, #tpu.memory_space<vmem_shared>>
        %dma_start3A_86 = arith.constant 0 : i32
        %dma_start3A_87 = tpu.memref_slice %arg9[%multiple_of3A, %dma_start3A_86] : memref<10112x128xf32, #tpu.memory_space<vmem_shared>> -> memref<128x128xf32, #tpu.memory_space<vmem_shared>>
        tpu.enqueue_dma source(%arg8 : memref<128x128xf32, #tpu.memory_space<vmem>>) target(%dma_start3A_87 : memref<128x128xf32, #tpu.memory_space<vmem_shared>>) target_semaphore(%run_scoped3A : memref<!tpu.dma_semaphore, #tpu.memory_space<semaphore_mem>>)
        %dma_wait3A = arith.constant 0 : i32
        %dma_wait3A_88 = tpu.memref_slice %arg9[%multiple_of3A, %dma_wait3A] : memref<10112x128xf32, #tpu.memory_space<vmem_shared>> -> memref<128x128xf32, #tpu.memory_space<vmem_shared>>
        %dma_wait3A_89 = arith.constant 0 : i32
        %dma_wait3A_90 = tpu.memref_slice %arg9[%multiple_of3A, %dma_wait3A_89] : memref<10112x128xf32, #tpu.memory_space<vmem_shared>> -> memref<128x128xf32, #tpu.memory_space<vmem_shared>>
        tpu.wait_dma2 semaphore(%run_scoped3A : memref<!tpu.dma_semaphore, #tpu.memory_space<semaphore_mem>>) src(%arg8 : memref<128x128xf32, #tpu.memory_space<vmem>>) dst(%dma_wait3A_90 : memref<128x128xf32, #tpu.memory_space<vmem_shared>>)
        tpu.yield
      }) : () -> ()
    } else {
    }
    %add3A_13 = arith.constant 16 : i32
    %add3A_14 = arith.addi %arg1, %add3A_13 : i32
    %lt3A_15 = arith.constant 79 : i32
    %lt3A_16 = arith.cmpi slt, %add3A_14, %lt3A_15 : i32
    %convert_element_type3A_17 = arith.extui %lt3A_16 : i1 to i32
    %cond3A_18 = arith.constant 0 : i32
    %cond3A_19 = arith.cmpi ne, %convert_element_type3A_17, %cond3A_18 : i32
    scf.if %cond3A_19 {
      %mul3A_83 = arith.constant 128 : i32
      %mul3A_84 = arith.muli %add3A_14, %mul3A_83 : i32
      %multiple_of3A = tpu.assume_multiple %mul3A_84, 128 : i32
      "tpu.region"() ({
        %run_scoped3A = tpu.sem_alloc : memref<!tpu.dma_semaphore, #tpu.memory_space<semaphore_mem>>
        %dma_start3A = arith.constant 0 : i32
        %dma_start3A_85 = tpu.memref_slice %arg9[%multiple_of3A, %dma_start3A] : memref<10112x128xf32, #tpu.memory_space<vmem_shared>> -> memref<128x128xf32, #tpu.memory_space<vmem_shared>>
        %dma_start3A_86 = arith.constant 0 : i32
        %dma_start3A_87 = tpu.memref_slice %arg9[%multiple_of3A, %dma_start3A_86] : memref<10112x128xf32, #tpu.memory_space<vmem_shared>> -> memref<128x128xf32, #tpu.memory_space<vmem_shared>>
        tpu.enqueue_dma source(%arg8 : memref<128x128xf32, #tpu.memory_space<vmem>>) target(%dma_start3A_87 : memref<128x128xf32, #tpu.memory_space<vmem_shared>>) target_semaphore(%run_scoped3A : memref<!tpu.dma_semaphore, #tpu.memory_space<semaphore_mem>>)
        %dma_wait3A = arith.constant 0 : i32
        %dma_wait3A_88 = tpu.memref_slice %arg9[%multiple_of3A, %dma_wait3A] : memref<10112x128xf32, #tpu.memory_space<vmem_shared>> -> memref<128x128xf32, #tpu.memory_space<vmem_shared>>
        %dma_wait3A_89 = arith.constant 0 : i32
        %dma_wait3A_90 = tpu.memref_slice %arg9[%multiple_of3A, %dma_wait3A_89] : memref<10112x128xf32, #tpu.memory_space<vmem_shared>> -> memref<128x128xf32, #tpu.memory_space<vmem_shared>>
        tpu.wait_dma2 semaphore(%run_scoped3A : memref<!tpu.dma_semaphore, #tpu.memory_space<semaphore_mem>>) src(%arg8 : memref<128x128xf32, #tpu.memory_space<vmem>>) dst(%dma_wait3A_90 : memref<128x128xf32, #tpu.memory_space<vmem_shared>>)
        tpu.yield
      }) : () -> ()
    } else {
    }
    %add3A_20 = arith.constant 32 : i32
    %add3A_21 = arith.addi %arg1, %add3A_20 : i32
    %lt3A_22 = arith.constant 79 : i32
    %lt3A_23 = arith.cmpi slt, %add3A_21, %lt3A_22 : i32
    %convert_element_type3A_24 = arith.extui %lt3A_23 : i1 to i32
    %cond3A_25 = arith.constant 0 : i32
    %cond3A_26 = arith.cmpi ne, %convert_element_type3A_24, %cond3A_25 : i32
    scf.if %cond3A_26 {
      %mul3A_83 = arith.constant 128 : i32
      %mul3A_84 = arith.muli %add3A_21, %mul3A_83 : i32
      %multiple_of3A = tpu.assume_multiple %mul3A_84, 128 : i32
      "tpu.region"() ({
        %run_scoped3A = tpu.sem_alloc : memref<!tpu.dma_semaphore, #tpu.memory_space<semaphore_mem>>
        %dma_start3A = arith.constant 0 : i32
        %dma_start3A_85 = tpu.memref_slice %arg9[%multiple_of3A, %dma_start3A] : memref<10112x128xf32, #tpu.memory_space<vmem_shared>> -> memref<128x128xf32, #tpu.memory_space<vmem_shared>>
        %dma_start3A_86 = arith.constant 0 : i32
        %dma_start3A_87 = tpu.memref_slice %arg9[%multiple_of3A, %dma_start3A_86] : memref<10112x128xf32, #tpu.memory_space<vmem_shared>> -> memref<128x128xf32, #tpu.memory_space<vmem_shared>>
        tpu.enqueue_dma source(%arg8 : memref<128x128xf32, #tpu.memory_space<vmem>>) target(%dma_start3A_87 : memref<128x128xf32, #tpu.memory_space<vmem_shared>>) target_semaphore(%run_scoped3A : memref<!tpu.dma_semaphore, #tpu.memory_space<semaphore_mem>>)
        %dma_wait3A = arith.constant 0 : i32
        %dma_wait3A_88 = tpu.memref_slice %arg9[%multiple_of3A, %dma_wait3A] : memref<10112x128xf32, #tpu.memory_space<vmem_shared>> -> memref<128x128xf32, #tpu.memory_space<vmem_shared>>
        %dma_wait3A_89 = arith.constant 0 : i32
        %dma_wait3A_90 = tpu.memref_slice %arg9[%multiple_of3A, %dma_wait3A_89] : memref<10112x128xf32, #tpu.memory_space<vmem_shared>> -> memref<128x128xf32, #tpu.memory_space<vmem_shared>>
        tpu.wait_dma2 semaphore(%run_scoped3A : memref<!tpu.dma_semaphore, #tpu.memory_space<semaphore_mem>>) src(%arg8 : memref<128x128xf32, #tpu.memory_space<vmem>>) dst(%dma_wait3A_90 : memref<128x128xf32, #tpu.memory_space<vmem_shared>>)
        tpu.yield
      }) : () -> ()
    } else {
    }
    %add3A_27 = arith.constant 48 : i32
    %add3A_28 = arith.addi %arg1, %add3A_27 : i32
    %lt3A_29 = arith.constant 79 : i32
    %lt3A_30 = arith.cmpi slt, %add3A_28, %lt3A_29 : i32
    %convert_element_type3A_31 = arith.extui %lt3A_30 : i1 to i32
    %cond3A_32 = arith.constant 0 : i32
    %cond3A_33 = arith.cmpi ne, %convert_element_type3A_31, %cond3A_32 : i32
    scf.if %cond3A_33 {
      %mul3A_83 = arith.constant 128 : i32
      %mul3A_84 = arith.muli %add3A_28, %mul3A_83 : i32
      %multiple_of3A = tpu.assume_multiple %mul3A_84, 128 : i32
      "tpu.region"() ({
        %run_scoped3A = tpu.sem_alloc : memref<!tpu.dma_semaphore, #tpu.memory_space<semaphore_mem>>
        %dma_start3A = arith.constant 0 : i32
        %dma_start3A_85 = tpu.memref_slice %arg9[%multiple_of3A, %dma_start3A] : memref<10112x128xf32, #tpu.memory_space<vmem_shared>> -> memref<128x128xf32, #tpu.memory_space<vmem_shared>>
        %dma_start3A_86 = arith.constant 0 : i32
        %dma_start3A_87 = tpu.memref_slice %arg9[%multiple_of3A, %dma_start3A_86] : memref<10112x128xf32, #tpu.memory_space<vmem_shared>> -> memref<128x128xf32, #tpu.memory_space<vmem_shared>>
        tpu.enqueue_dma source(%arg8 : memref<128x128xf32, #tpu.memory_space<vmem>>) target(%dma_start3A_87 : memref<128x128xf32, #tpu.memory_space<vmem_shared>>) target_semaphore(%run_scoped3A : memref<!tpu.dma_semaphore, #tpu.memory_space<semaphore_mem>>)
        %dma_wait3A = arith.constant 0 : i32
        %dma_wait3A_88 = tpu.memref_slice %arg9[%multiple_of3A, %dma_wait3A] : memref<10112x128xf32, #tpu.memory_space<vmem_shared>> -> memref<128x128xf32, #tpu.memory_space<vmem_shared>>
        %dma_wait3A_89 = arith.constant 0 : i32
        %dma_wait3A_90 = tpu.memref_slice %arg9[%multiple_of3A, %dma_wait3A_89] : memref<10112x128xf32, #tpu.memory_space<vmem_shared>> -> memref<128x128xf32, #tpu.memory_space<vmem_shared>>
        tpu.wait_dma2 semaphore(%run_scoped3A : memref<!tpu.dma_semaphore, #tpu.memory_space<semaphore_mem>>) src(%arg8 : memref<128x128xf32, #tpu.memory_space<vmem>>) dst(%dma_wait3A_90 : memref<128x128xf32, #tpu.memory_space<vmem_shared>>)
        tpu.yield
      }) : () -> ()
    } else {
    }
    %add3A_34 = arith.constant 64 : i32
    %add3A_35 = arith.addi %arg1, %add3A_34 : i32
    %lt3A_36 = arith.constant 79 : i32
    %lt3A_37 = arith.cmpi slt, %add3A_35, %lt3A_36 : i32
    %convert_element_type3A_38 = arith.extui %lt3A_37 : i1 to i32
    %cond3A_39 = arith.constant 0 : i32
    %cond3A_40 = arith.cmpi ne, %convert_element_type3A_38, %cond3A_39 : i32
    scf.if %cond3A_40 {
      %mul3A_83 = arith.constant 128 : i32
      %mul3A_84 = arith.muli %add3A_35, %mul3A_83 : i32
      %multiple_of3A = tpu.assume_multiple %mul3A_84, 128 : i32
      "tpu.region"() ({
        %run_scoped3A = tpu.sem_alloc : memref<!tpu.dma_semaphore, #tpu.memory_space<semaphore_mem>>
        %dma_start3A = arith.constant 0 : i32
        %dma_start3A_85 = tpu.memref_slice %arg9[%multiple_of3A, %dma_start3A] : memref<10112x128xf32, #tpu.memory_space<vmem_shared>> -> memref<128x128xf32, #tpu.memory_space<vmem_shared>>
        %dma_start3A_86 = arith.constant 0 : i32
        %dma_start3A_87 = tpu.memref_slice %arg9[%multiple_of3A, %dma_start3A_86] : memref<10112x128xf32, #tpu.memory_space<vmem_shared>> -> memref<128x128xf32, #tpu.memory_space<vmem_shared>>
        tpu.enqueue_dma source(%arg8 : memref<128x128xf32, #tpu.memory_space<vmem>>) target(%dma_start3A_87 : memref<128x128xf32, #tpu.memory_space<vmem_shared>>) target_semaphore(%run_scoped3A : memref<!tpu.dma_semaphore, #tpu.memory_space<semaphore_mem>>)
        %dma_wait3A = arith.constant 0 : i32
        %dma_wait3A_88 = tpu.memref_slice %arg9[%multiple_of3A, %dma_wait3A] : memref<10112x128xf32, #tpu.memory_space<vmem_shared>> -> memref<128x128xf32, #tpu.memory_space<vmem_shared>>
        %dma_wait3A_89 = arith.constant 0 : i32
        %dma_wait3A_90 = tpu.memref_slice %arg9[%multiple_of3A, %dma_wait3A_89] : memref<10112x128xf32, #tpu.memory_space<vmem_shared>> -> memref<128x128xf32, #tpu.memory_space<vmem_shared>>
        tpu.wait_dma2 semaphore(%run_scoped3A : memref<!tpu.dma_semaphore, #tpu.memory_space<semaphore_mem>>) src(%arg8 : memref<128x128xf32, #tpu.memory_space<vmem>>) dst(%dma_wait3A_90 : memref<128x128xf32, #tpu.memory_space<vmem_shared>>)
        tpu.yield
      }) : () -> ()
    } else {
    }
    %barrier3A = arith.constant 0 : index
    tpu.barrier barrier_id(%barrier3A)
    %scan3A_41 = arith.constant 0 : i32
    %scan3A_42 = arith.constant 0 : i32
    %scan3A_43 = arith.constant 80 : i32
    %scan3A_44 = arith.addi %scan3A_42, %scan3A_43 : i32
    %scan3A_45 = arith.constant 1 : i32
    scf.for %scan3A_83 = %scan3A_42 to %scan3A_44 step %scan3A_45  : i32 {
      %mul3A_84 = arith.constant 128 : i32
      %mul3A_85 = arith.muli %scan3A_83, %mul3A_84 : i32
      %add3A_86 = arith.addi %mul3A_2, %mul3A_85 : i32
      %multiple_of3A = tpu.assume_multiple %add3A_86, 128 : i32
      "tpu.region"() ({
        %run_scoped3A = tpu.sem_alloc : memref<!tpu.dma_semaphore, #tpu.memory_space<semaphore_mem>>
        %dma_start3A_198 = tpu.memref_slice %arg3[%multiple_of3A] : memref<327680xi32, #tpu.memory_space<hbm>> -> memref<128xi32, #tpu.memory_space<hbm>>
        %dma_start3A_199 = tpu.memref_slice %arg3[%multiple_of3A] : memref<327680xi32, #tpu.memory_space<hbm>> -> memref<128xi32, #tpu.memory_space<hbm>>
        tpu.enqueue_dma source(%dma_start3A_199 : memref<128xi32, #tpu.memory_space<hbm>>) target(%arg6 : memref<128xi32, #tpu.memory_space<vmem>>) target_semaphore(%run_scoped3A : memref<!tpu.dma_semaphore, #tpu.memory_space<semaphore_mem>>)
        %dma_wait3A_200 = tpu.memref_slice %arg3[%multiple_of3A] : memref<327680xi32, #tpu.memory_space<hbm>> -> memref<128xi32, #tpu.memory_space<hbm>>
        %dma_wait3A_201 = tpu.memref_slice %arg3[%multiple_of3A] : memref<327680xi32, #tpu.memory_space<hbm>> -> memref<128xi32, #tpu.memory_space<hbm>>
        tpu.wait_dma2 semaphore(%run_scoped3A : memref<!tpu.dma_semaphore, #tpu.memory_space<semaphore_mem>>) src(%dma_wait3A_201 : memref<128xi32, #tpu.memory_space<hbm>>) dst(%arg6 : memref<128xi32, #tpu.memory_space<vmem>>)
        tpu.yield
      }) : () -> ()
      "tpu.region"() ({
        %run_scoped3A = tpu.sem_alloc : memref<!tpu.dma_semaphore, #tpu.memory_space<semaphore_mem>>
        %dma_start3A_198 = tpu.memref_slice %arg4[%multiple_of3A] : memref<327680xi32, #tpu.memory_space<hbm>> -> memref<128xi32, #tpu.memory_space<hbm>>
        %dma_start3A_199 = tpu.memref_slice %arg4[%multiple_of3A] : memref<327680xi32, #tpu.memory_space<hbm>> -> memref<128xi32, #tpu.memory_space<hbm>>
        tpu.enqueue_dma source(%dma_start3A_199 : memref<128xi32, #tpu.memory_space<hbm>>) target(%arg7 : memref<128xi32, #tpu.memory_space<vmem>>) target_semaphore(%run_scoped3A : memref<!tpu.dma_semaphore, #tpu.memory_space<semaphore_mem>>)
        %dma_wait3A_200 = tpu.memref_slice %arg4[%multiple_of3A] : memref<327680xi32, #tpu.memory_space<hbm>> -> memref<128xi32, #tpu.memory_space<hbm>>
        %dma_wait3A_201 = tpu.memref_slice %arg4[%multiple_of3A] : memref<327680xi32, #tpu.memory_space<hbm>> -> memref<128xi32, #tpu.memory_space<hbm>>
        tpu.wait_dma2 semaphore(%run_scoped3A : memref<!tpu.dma_semaphore, #tpu.memory_space<semaphore_mem>>) src(%dma_wait3A_201 : memref<128xi32, #tpu.memory_space<hbm>>) dst(%arg7 : memref<128xi32, #tpu.memory_space<vmem>>)
        tpu.yield
      }) : () -> ()
      %get3A = arith.constant 0 : index
      %get3A_87 = tpu.vector_load %arg6[%get3A] {strides = array<i32>} : memref<128xi32, #tpu.memory_space<vmem>>, vector<16xi32>,
      %get3A_88 = vector.shape_cast %get3A_87 : vector<16xi32> to vector<16xi32>
      %get3A_89 = arith.constant 0 : index
      %get3A_90 = tpu.vector_load %arg7[%get3A_89] {strides = array<i32>} : memref<128xi32, #tpu.memory_space<vmem>>, vector<16xi32>,
      %get3A_91 = vector.shape_cast %get3A_90 : vector<16xi32> to vector<16xi32>
      %eq3A = arith.cmpi eq, %get3A_88, %get3A_91 : vector<16xi32>
      %jit3A = arith.constant 10000 : i32
      %broadcast_in_dim3A_92 = vector.broadcast %jit3A : i32 to vector<16xi32>
      %select_n3A = arith.select %eq3A, %broadcast_in_dim3A_92, %get3A_88 : vector<16xi1>, vector<16xi32>
      %swap3A = arith.constant 0 : index
      %swap3A_93 = tpu.vector_load %arg6[%swap3A] {strides = array<i32>} : memref<128xi32, #tpu.memory_space<vmem>>, vector<16xi32>,
      %swap3A_94 = vector.shape_cast %swap3A_93 : vector<16xi32> to vector<16xi32>
      %swap3A_95 = vector.shape_cast %select_n3A : vector<16xi32> to vector<16xi32>
      tpu.vector_store %arg6[%swap3A], %swap3A_95 {strides = array<i32>} : memref<128xi32, #tpu.memory_space<vmem>>, vector<16xi32>,
      %get3A_96 = arith.constant 16 : index
      %get3A_97 = tpu.vector_load %arg6[%get3A_96] {strides = array<i32>} : memref<128xi32, #tpu.memory_space<vmem>>, vector<16xi32>,
      %get3A_98 = vector.shape_cast %get3A_97 : vector<16xi32> to vector<16xi32>
      %get3A_99 = arith.constant 16 : index
      %get3A_100 = tpu.vector_load %arg7[%get3A_99] {strides = array<i32>} : memref<128xi32, #tpu.memory_space<vmem>>, vector<16xi32>,
      %get3A_101 = vector.shape_cast %get3A_100 : vector<16xi32> to vector<16xi32>
      %eq3A_102 = arith.cmpi eq, %get3A_98, %get3A_101 : vector<16xi32>
      %jit3A_103 = arith.constant 10000 : i32
      %broadcast_in_dim3A_104 = vector.broadcast %jit3A_103 : i32 to vector<16xi32>
      %select_n3A_105 = arith.select %eq3A_102, %broadcast_in_dim3A_104, %get3A_98 : vector<16xi1>, vector<16xi32>
      %swap3A_106 = arith.constant 16 : index
      %swap3A_107 = tpu.vector_load %arg6[%swap3A_106] {strides = array<i32>} : memref<128xi32, #tpu.memory_space<vmem>>, vector<16xi32>,
      %swap3A_108 = vector.shape_cast %swap3A_107 : vector<16xi32> to vector<16xi32>
      %swap3A_109 = vector.shape_cast %select_n3A_105 : vector<16xi32> to vector<16xi32>
      tpu.vector_store %arg6[%swap3A_106], %swap3A_109 {strides = array<i32>} : memref<128xi32, #tpu.memory_space<vmem>>, vector<16xi32>,
      %get3A_110 = arith.constant 32 : index
      %get3A_111 = tpu.vector_load %arg6[%get3A_110] {strides = array<i32>} : memref<128xi32, #tpu.memory_space<vmem>>, vector<16xi32>,
      %get3A_112 = vector.shape_cast %get3A_111 : vector<16xi32> to vector<16xi32>
      %get3A_113 = arith.constant 32 : index
      %get3A_114 = tpu.vector_load %arg7[%get3A_113] {strides = array<i32>} : memref<128xi32, #tpu.memory_space<vmem>>, vector<16xi32>,
      %get3A_115 = vector.shape_cast %get3A_114 : vector<16xi32> to vector<16xi32>
      %eq3A_116 = arith.cmpi eq, %get3A_112, %get3A_115 : vector<16xi32>
      %jit3A_117 = arith.constant 10000 : i32
      %broadcast_in_dim3A_118 = vector.broadcast %jit3A_117 : i32 to vector<16xi32>
      %select_n3A_119 = arith.select %eq3A_116, %broadcast_in_dim3A_118, %get3A_112 : vector<16xi1>, vector<16xi32>
      %swap3A_120 = arith.constant 32 : index
      %swap3A_121 = tpu.vector_load %arg6[%swap3A_120] {strides = array<i32>} : memref<128xi32, #tpu.memory_space<vmem>>, vector<16xi32>,
      %swap3A_122 = vector.shape_cast %swap3A_121 : vector<16xi32> to vector<16xi32>
      %swap3A_123 = vector.shape_cast %select_n3A_119 : vector<16xi32> to vector<16xi32>
      tpu.vector_store %arg6[%swap3A_120], %swap3A_123 {strides = array<i32>} : memref<128xi32, #tpu.memory_space<vmem>>, vector<16xi32>,
      %get3A_124 = arith.constant 48 : index
      %get3A_125 = tpu.vector_load %arg6[%get3A_124] {strides = array<i32>} : memref<128xi32, #tpu.memory_space<vmem>>, vector<16xi32>,
      %get3A_126 = vector.shape_cast %get3A_125 : vector<16xi32> to vector<16xi32>
      %get3A_127 = arith.constant 48 : index
      %get3A_128 = tpu.vector_load %arg7[%get3A_127] {strides = array<i32>} : memref<128xi32, #tpu.memory_space<vmem>>, vector<16xi32>,
      %get3A_129 = vector.shape_cast %get3A_128 : vector<16xi32> to vector<16xi32>
      %eq3A_130 = arith.cmpi eq, %get3A_126, %get3A_129 : vector<16xi32>
      %jit3A_131 = arith.constant 10000 : i32
      %broadcast_in_dim3A_132 = vector.broadcast %jit3A_131 : i32 to vector<16xi32>
      %select_n3A_133 = arith.select %eq3A_130, %broadcast_in_dim3A_132, %get3A_126 : vector<16xi1>, vector<16xi32>
      %swap3A_134 = arith.constant 48 : index
      %swap3A_135 = tpu.vector_load %arg6[%swap3A_134] {strides = array<i32>} : memref<128xi32, #tpu.memory_space<vmem>>, vector<16xi32>,
      %swap3A_136 = vector.shape_cast %swap3A_135 : vector<16xi32> to vector<16xi32>
      %swap3A_137 = vector.shape_cast %select_n3A_133 : vector<16xi32> to vector<16xi32>
      tpu.vector_store %arg6[%swap3A_134], %swap3A_137 {strides = array<i32>} : memref<128xi32, #tpu.memory_space<vmem>>, vector<16xi32>,
      %get3A_138 = arith.constant 64 : index
      %get3A_139 = tpu.vector_load %arg6[%get3A_138] {strides = array<i32>} : memref<128xi32, #tpu.memory_space<vmem>>, vector<16xi32>,
      %get3A_140 = vector.shape_cast %get3A_139 : vector<16xi32> to vector<16xi32>
      %get3A_141 = arith.constant 64 : index
      %get3A_142 = tpu.vector_load %arg7[%get3A_141] {strides = array<i32>} : memref<128xi32, #tpu.memory_space<vmem>>, vector<16xi32>,
      %get3A_143 = vector.shape_cast %get3A_142 : vector<16xi32> to vector<16xi32>
      %eq3A_144 = arith.cmpi eq, %get3A_140, %get3A_143 : vector<16xi32>
      %jit3A_145 = arith.constant 10000 : i32
      %broadcast_in_dim3A_146 = vector.broadcast %jit3A_145 : i32 to vector<16xi32>
      %select_n3A_147 = arith.select %eq3A_144, %broadcast_in_dim3A_146, %get3A_140 : vector<16xi1>, vector<16xi32>
      %swap3A_148 = arith.constant 64 : index
      %swap3A_149 = tpu.vector_load %arg6[%swap3A_148] {strides = array<i32>} : memref<128xi32, #tpu.memory_space<vmem>>, vector<16xi32>,
      %swap3A_150 = vector.shape_cast %swap3A_149 : vector<16xi32> to vector<16xi32>
      %swap3A_151 = vector.shape_cast %select_n3A_147 : vector<16xi32> to vector<16xi32>
      tpu.vector_store %arg6[%swap3A_148], %swap3A_151 {strides = array<i32>} : memref<128xi32, #tpu.memory_space<vmem>>, vector<16xi32>,
      %get3A_152 = arith.constant 80 : index
      %get3A_153 = tpu.vector_load %arg6[%get3A_152] {strides = array<i32>} : memref<128xi32, #tpu.memory_space<vmem>>, vector<16xi32>,
      %get3A_154 = vector.shape_cast %get3A_153 : vector<16xi32> to vector<16xi32>
      %get3A_155 = arith.constant 80 : index
      %get3A_156 = tpu.vector_load %arg7[%get3A_155] {strides = array<i32>} : memref<128xi32, #tpu.memory_space<vmem>>, vector<16xi32>,
      %get3A_157 = vector.shape_cast %get3A_156 : vector<16xi32> to vector<16xi32>
      %eq3A_158 = arith.cmpi eq, %get3A_154, %get3A_157 : vector<16xi32>
      %jit3A_159 = arith.constant 10000 : i32
      %broadcast_in_dim3A_160 = vector.broadcast %jit3A_159 : i32 to vector<16xi32>
      %select_n3A_161 = arith.select %eq3A_158, %broadcast_in_dim3A_160, %get3A_154 : vector<16xi1>, vector<16xi32>
      %swap3A_162 = arith.constant 80 : index
      %swap3A_163 = tpu.vector_load %arg6[%swap3A_162] {strides = array<i32>} : memref<128xi32, #tpu.memory_space<vmem>>, vector<16xi32>,
      %swap3A_164 = vector.shape_cast %swap3A_163 : vector<16xi32> to vector<16xi32>
      %swap3A_165 = vector.shape_cast %select_n3A_161 : vector<16xi32> to vector<16xi32>
      tpu.vector_store %arg6[%swap3A_162], %swap3A_165 {strides = array<i32>} : memref<128xi32, #tpu.memory_space<vmem>>, vector<16xi32>,
      %get3A_166 = arith.constant 96 : index
      %get3A_167 = tpu.vector_load %arg6[%get3A_166] {strides = array<i32>} : memref<128xi32, #tpu.memory_space<vmem>>, vector<16xi32>,
      %get3A_168 = vector.shape_cast %get3A_167 : vector<16xi32> to vector<16xi32>
      %get3A_169 = arith.constant 96 : index
      %get3A_170 = tpu.vector_load %arg7[%get3A_169] {strides = array<i32>} : memref<128xi32, #tpu.memory_space<vmem>>, vector<16xi32>,
      %get3A_171 = vector.shape_cast %get3A_170 : vector<16xi32> to vector<16xi32>
      %eq3A_172 = arith.cmpi eq, %get3A_168, %get3A_171 : vector<16xi32>
      %jit3A_173 = arith.constant 10000 : i32
      %broadcast_in_dim3A_174 = vector.broadcast %jit3A_173 : i32 to vector<16xi32>
      %select_n3A_175 = arith.select %eq3A_172, %broadcast_in_dim3A_174, %get3A_168 : vector<16xi1>, vector<16xi32>
      %swap3A_176 = arith.constant 96 : index
      %swap3A_177 = tpu.vector_load %arg6[%swap3A_176] {strides = array<i32>} : memref<128xi32, #tpu.memory_space<vmem>>, vector<16xi32>,
      %swap3A_178 = vector.shape_cast %swap3A_177 : vector<16xi32> to vector<16xi32>
      %swap3A_179 = vector.shape_cast %select_n3A_175 : vector<16xi32> to vector<16xi32>
      tpu.vector_store %arg6[%swap3A_176], %swap3A_179 {strides = array<i32>} : memref<128xi32, #tpu.memory_space<vmem>>, vector<16xi32>,
      %get3A_180 = arith.constant 112 : index
      %get3A_181 = tpu.vector_load %arg6[%get3A_180] {strides = array<i32>} : memref<128xi32, #tpu.memory_space<vmem>>, vector<16xi32>,
      %get3A_182 = vector.shape_cast %get3A_181 : vector<16xi32> to vector<16xi32>
      %get3A_183 = arith.constant 112 : index
      %get3A_184 = tpu.vector_load %arg7[%get3A_183] {strides = array<i32>} : memref<128xi32, #tpu.memory_space<vmem>>, vector<16xi32>,
      %get3A_185 = vector.shape_cast %get3A_184 : vector<16xi32> to vector<16xi32>
      %eq3A_186 = arith.cmpi eq, %get3A_182, %get3A_185 : vector<16xi32>
      %jit3A_187 = arith.constant 10000 : i32
      %broadcast_in_dim3A_188 = vector.broadcast %jit3A_187 : i32 to vector<16xi32>
      %select_n3A_189 = arith.select %eq3A_186, %broadcast_in_dim3A_188, %get3A_182 : vector<16xi1>, vector<16xi32>
      %swap3A_190 = arith.constant 112 : index
      %swap3A_191 = tpu.vector_load %arg6[%swap3A_190] {strides = array<i32>} : memref<128xi32, #tpu.memory_space<vmem>>, vector<16xi32>,
      %swap3A_192 = vector.shape_cast %swap3A_191 : vector<16xi32> to vector<16xi32>
      %swap3A_193 = vector.shape_cast %select_n3A_189 : vector<16xi32> to vector<16xi32>
      tpu.vector_store %arg6[%swap3A_190], %swap3A_193 {strides = array<i32>} : memref<128xi32, #tpu.memory_space<vmem>>, vector<16xi32>,
      %dma_start3A = arith.constant 0 : i32
      %dma_start3A_194 = arith.constant 0 : i32
      %dma_start3A_195 = tpu.memref_slice %arg2[%dma_start3A, %dma_start3A_194] : memref<10112x128xf32, #tpu.memory_space<hbm>> -> memref<10112x128xf32, #tpu.memory_space<hbm>>
      tpu.enqueue_indirect_dma source(%dma_start3A_195 : memref<10112x128xf32, #tpu.memory_space<hbm>>) target(%arg8 : memref<128x128xf32, #tpu.memory_space<vmem>>) offsets(%arg6 : memref<128xi32, #tpu.memory_space<vmem>>) semaphore(%arg10 : memref<!tpu.dma_semaphore, #tpu.memory_space<semaphore_mem>>)
      %dma_wait3A = arith.constant 0 : i32
      %dma_wait3A_196 = arith.constant 0 : i32
      %dma_wait3A_197 = tpu.memref_slice %arg2[%dma_wait3A, %dma_wait3A_196] : memref<10112x128xf32, #tpu.memory_space<hbm>> -> memref<10112x128xf32, #tpu.memory_space<hbm>>
      tpu.wait_indirect_dma semaphore(%arg10 : memref<!tpu.dma_semaphore, #tpu.memory_space<semaphore_mem>>) src(%dma_wait3A_197 : memref<10112x128xf32, #tpu.memory_space<hbm>>) dst(%arg8 : memref<128x128xf32, #tpu.memory_space<vmem>>)
      "tpu.region"() ({
        %run_scoped3A = tpu.sem_alloc : memref<!tpu.dma_semaphore, #tpu.memory_space<semaphore_mem>>
        %dma_start3A_198 = arith.constant 0 : i32
        %dma_start3A_199 = arith.constant 0 : i32
        %dma_start3A_200 = tpu.memref_slice %arg9[%dma_start3A_198, %dma_start3A_199] : memref<10112x128xf32, #tpu.memory_space<vmem_shared>> -> memref<10112x128xf32, #tpu.memory_space<vmem_shared>>
        tpu.enqueue_indirect_dma source(%arg8 : memref<128x128xf32, #tpu.memory_space<vmem>>) target(%dma_start3A_200 : memref<10112x128xf32, #tpu.memory_space<vmem_shared>>) offsets(%arg7 : memref<128xi32, #tpu.memory_space<vmem>>) semaphore(%run_scoped3A : memref<!tpu.dma_semaphore, #tpu.memory_space<semaphore_mem>>) {add = true}
        %dma_wait3A_201 = arith.constant 0 : i32
        %dma_wait3A_202 = arith.constant 0 : i32
        %dma_wait3A_203 = tpu.memref_slice %arg9[%dma_wait3A_201, %dma_wait3A_202] : memref<10112x128xf32, #tpu.memory_space<vmem_shared>> -> memref<10112x128xf32, #tpu.memory_space<vmem_shared>>
        tpu.wait_indirect_dma semaphore(%run_scoped3A : memref<!tpu.dma_semaphore, #tpu.memory_space<semaphore_mem>>) src(%arg8 : memref<128x128xf32, #tpu.memory_space<vmem>>) dst(%dma_wait3A_203 : memref<10112x128xf32, #tpu.memory_space<vmem_shared>>)
        tpu.yield
      }) : () -> ()
    }
    %scan3A_46 = arith.constant 80 : i32
    %barrier3A_47 = arith.constant 0 : index
    tpu.barrier barrier_id(%barrier3A_47)
    %add3A_48 = arith.constant 0 : i32
    %add3A_49 = arith.addi %arg1, %add3A_48 : i32
    %lt3A_50 = arith.constant 79 : i32
    %lt3A_51 = arith.cmpi slt, %add3A_49, %lt3A_50 : i32
    %convert_element_type3A_52 = arith.extui %lt3A_51 : i1 to i32
    %cond3A_53 = arith.constant 0 : i32
    %cond3A_54 = arith.cmpi ne, %convert_element_type3A_52, %cond3A_53 : i32
    scf.if %cond3A_54 {
      %mul3A_83 = arith.constant 128 : i32
      %mul3A_84 = arith.muli %add3A_49, %mul3A_83 : i32
      %multiple_of3A = tpu.assume_multiple %mul3A_84, 128 : i32
      "tpu.region"() ({
        %run_scoped3A = tpu.sem_alloc : memref<!tpu.dma_semaphore, #tpu.memory_space<semaphore_mem>>
        %dma_start3A = arith.constant 0 : i32
        %dma_start3A_85 = tpu.memref_slice %arg5[%arg0, %multiple_of3A, %dma_start3A] : memref<2x10112x128xf32, #tpu.memory_space<hbm>> -> memref<1x128x128xf32, #tpu.memory_space<hbm>>
        %dma_start3A_86 = tpu.memref_squeeze %dma_start3A_85 : memref<1x128x128xf32, #tpu.memory_space<hbm>> -> memref<128x128xf32, #tpu.memory_space<hbm>>
        %dma_start3A_87 = arith.constant 0 : i32
        %dma_start3A_88 = tpu.memref_slice %arg9[%multiple_of3A, %dma_start3A_87] : memref<10112x128xf32, #tpu.memory_space<vmem_shared>> -> memref<128x128xf32, #tpu.memory_space<vmem_shared>>
        tpu.enqueue_dma source(%dma_start3A_88 : memref<128x128xf32, #tpu.memory_space<vmem_shared>>) target(%dma_start3A_86 : memref<128x128xf32, #tpu.memory_space<hbm>>) target_semaphore(%run_scoped3A : memref<!tpu.dma_semaphore, #tpu.memory_space<semaphore_mem>>)
        %dma_wait3A = arith.constant 0 : i32
        %dma_wait3A_89 = tpu.memref_slice %arg5[%arg0, %multiple_of3A, %dma_wait3A] : memref<2x10112x128xf32, #tpu.memory_space<hbm>> -> memref<1x128x128xf32, #tpu.memory_space<hbm>>
        %dma_wait3A_90 = tpu.memref_squeeze %dma_wait3A_89 : memref<1x128x128xf32, #tpu.memory_space<hbm>> -> memref<128x128xf32, #tpu.memory_space<hbm>>
        %dma_wait3A_91 = arith.constant 0 : i32
        %dma_wait3A_92 = tpu.memref_slice %arg9[%multiple_of3A, %dma_wait3A_91] : memref<10112x128xf32, #tpu.memory_space<vmem_shared>> -> memref<128x128xf32, #tpu.memory_space<vmem_shared>>
        tpu.wait_dma2 semaphore(%run_scoped3A : memref<!tpu.dma_semaphore, #tpu.memory_space<semaphore_mem>>) src(%dma_wait3A_92 : memref<128x128xf32, #tpu.memory_space<vmem_shared>>) dst(%dma_wait3A_90 : memref<128x128xf32, #tpu.memory_space<hbm>>)
        tpu.yield
      }) : () -> ()
    } else {
    }
    %add3A_55 = arith.constant 16 : i32
    %add3A_56 = arith.addi %arg1, %add3A_55 : i32
    %lt3A_57 = arith.constant 79 : i32
    %lt3A_58 = arith.cmpi slt, %add3A_56, %lt3A_57 : i32
    %convert_element_type3A_59 = arith.extui %lt3A_58 : i1 to i32
    %cond3A_60 = arith.constant 0 : i32
    %cond3A_61 = arith.cmpi ne, %convert_element_type3A_59, %cond3A_60 : i32
    scf.if %cond3A_61 {
      %mul3A_83 = arith.constant 128 : i32
      %mul3A_84 = arith.muli %add3A_56, %mul3A_83 : i32
      %multiple_of3A = tpu.assume_multiple %mul3A_84, 128 : i32
      "tpu.region"() ({
        %run_scoped3A = tpu.sem_alloc : memref<!tpu.dma_semaphore, #tpu.memory_space<semaphore_mem>>
        %dma_start3A = arith.constant 0 : i32
        %dma_start3A_85 = tpu.memref_slice %arg5[%arg0, %multiple_of3A, %dma_start3A] : memref<2x10112x128xf32, #tpu.memory_space<hbm>> -> memref<1x128x128xf32, #tpu.memory_space<hbm>>
        %dma_start3A_86 = tpu.memref_squeeze %dma_start3A_85 : memref<1x128x128xf32, #tpu.memory_space<hbm>> -> memref<128x128xf32, #tpu.memory_space<hbm>>
        %dma_start3A_87 = arith.constant 0 : i32
        %dma_start3A_88 = tpu.memref_slice %arg9[%multiple_of3A, %dma_start3A_87] : memref<10112x128xf32, #tpu.memory_space<vmem_shared>> -> memref<128x128xf32, #tpu.memory_space<vmem_shared>>
        tpu.enqueue_dma source(%dma_start3A_88 : memref<128x128xf32, #tpu.memory_space<vmem_shared>>) target(%dma_start3A_86 : memref<128x128xf32, #tpu.memory_space<hbm>>) target_semaphore(%run_scoped3A : memref<!tpu.dma_semaphore, #tpu.memory_space<semaphore_mem>>)
        %dma_wait3A = arith.constant 0 : i32
        %dma_wait3A_89 = tpu.memref_slice %arg5[%arg0, %multiple_of3A, %dma_wait3A] : memref<2x10112x128xf32, #tpu.memory_space<hbm>> -> memref<1x128x128xf32, #tpu.memory_space<hbm>>
        %dma_wait3A_90 = tpu.memref_squeeze %dma_wait3A_89 : memref<1x128x128xf32, #tpu.memory_space<hbm>> -> memref<128x128xf32, #tpu.memory_space<hbm>>
        %dma_wait3A_91 = arith.constant 0 : i32
        %dma_wait3A_92 = tpu.memref_slice %arg9[%multiple_of3A, %dma_wait3A_91] : memref<10112x128xf32, #tpu.memory_space<vmem_shared>> -> memref<128x128xf32, #tpu.memory_space<vmem_shared>>
        tpu.wait_dma2 semaphore(%run_scoped3A : memref<!tpu.dma_semaphore, #tpu.memory_space<semaphore_mem>>) src(%dma_wait3A_92 : memref<128x128xf32, #tpu.memory_space<vmem_shared>>) dst(%dma_wait3A_90 : memref<128x128xf32, #tpu.memory_space<hbm>>)
        tpu.yield
      }) : () -> ()
    } else {
    }
    %add3A_62 = arith.constant 32 : i32
    %add3A_63 = arith.addi %arg1, %add3A_62 : i32
    %lt3A_64 = arith.constant 79 : i32
    %lt3A_65 = arith.cmpi slt, %add3A_63, %lt3A_64 : i32
    %convert_element_type3A_66 = arith.extui %lt3A_65 : i1 to i32
    %cond3A_67 = arith.constant 0 : i32
    %cond3A_68 = arith.cmpi ne, %convert_element_type3A_66, %cond3A_67 : i32
    scf.if %cond3A_68 {
      %mul3A_83 = arith.constant 128 : i32
      %mul3A_84 = arith.muli %add3A_63, %mul3A_83 : i32
      %multiple_of3A = tpu.assume_multiple %mul3A_84, 128 : i32
      "tpu.region"() ({
        %run_scoped3A = tpu.sem_alloc : memref<!tpu.dma_semaphore, #tpu.memory_space<semaphore_mem>>
        %dma_start3A = arith.constant 0 : i32
        %dma_start3A_85 = tpu.memref_slice %arg5[%arg0, %multiple_of3A, %dma_start3A] : memref<2x10112x128xf32, #tpu.memory_space<hbm>> -> memref<1x128x128xf32, #tpu.memory_space<hbm>>
        %dma_start3A_86 = tpu.memref_squeeze %dma_start3A_85 : memref<1x128x128xf32, #tpu.memory_space<hbm>> -> memref<128x128xf32, #tpu.memory_space<hbm>>
        %dma_start3A_87 = arith.constant 0 : i32
        %dma_start3A_88 = tpu.memref_slice %arg9[%multiple_of3A, %dma_start3A_87] : memref<10112x128xf32, #tpu.memory_space<vmem_shared>> -> memref<128x128xf32, #tpu.memory_space<vmem_shared>>
        tpu.enqueue_dma source(%dma_start3A_88 : memref<128x128xf32, #tpu.memory_space<vmem_shared>>) target(%dma_start3A_86 : memref<128x128xf32, #tpu.memory_space<hbm>>) target_semaphore(%run_scoped3A : memref<!tpu.dma_semaphore, #tpu.memory_space<semaphore_mem>>)
        %dma_wait3A = arith.constant 0 : i32
        %dma_wait3A_89 = tpu.memref_slice %arg5[%arg0, %multiple_of3A, %dma_wait3A] : memref<2x10112x128xf32, #tpu.memory_space<hbm>> -> memref<1x128x128xf32, #tpu.memory_space<hbm>>
        %dma_wait3A_90 = tpu.memref_squeeze %dma_wait3A_89 : memref<1x128x128xf32, #tpu.memory_space<hbm>> -> memref<128x128xf32, #tpu.memory_space<hbm>>
        %dma_wait3A_91 = arith.constant 0 : i32
        %dma_wait3A_92 = tpu.memref_slice %arg9[%multiple_of3A, %dma_wait3A_91] : memref<10112x128xf32, #tpu.memory_space<vmem_shared>> -> memref<128x128xf32, #tpu.memory_space<vmem_shared>>
        tpu.wait_dma2 semaphore(%run_scoped3A : memref<!tpu.dma_semaphore, #tpu.memory_space<semaphore_mem>>) src(%dma_wait3A_92 : memref<128x128xf32, #tpu.memory_space<vmem_shared>>) dst(%dma_wait3A_90 : memref<128x128xf32, #tpu.memory_space<hbm>>)
        tpu.yield
      }) : () -> ()
    } else {
    }
    %add3A_69 = arith.constant 48 : i32
    %add3A_70 = arith.addi %arg1, %add3A_69 : i32
    %lt3A_71 = arith.constant 79 : i32
    %lt3A_72 = arith.cmpi slt, %add3A_70, %lt3A_71 : i32
    %convert_element_type3A_73 = arith.extui %lt3A_72 : i1 to i32
    %cond3A_74 = arith.constant 0 : i32
    %cond3A_75 = arith.cmpi ne, %convert_element_type3A_73, %cond3A_74 : i32
    scf.if %cond3A_75 {
      %mul3A_83 = arith.constant 128 : i32
      %mul3A_84 = arith.muli %add3A_70, %mul3A_83 : i32
      %multiple_of3A = tpu.assume_multiple %mul3A_84, 128 : i32
      "tpu.region"() ({
        %run_scoped3A = tpu.sem_alloc : memref<!tpu.dma_semaphore, #tpu.memory_space<semaphore_mem>>
        %dma_start3A = arith.constant 0 : i32
        %dma_start3A_85 = tpu.memref_slice %arg5[%arg0, %multiple_of3A, %dma_start3A] : memref<2x10112x128xf32, #tpu.memory_space<hbm>> -> memref<1x128x128xf32, #tpu.memory_space<hbm>>
        %dma_start3A_86 = tpu.memref_squeeze %dma_start3A_85 : memref<1x128x128xf32, #tpu.memory_space<hbm>> -> memref<128x128xf32, #tpu.memory_space<hbm>>
        %dma_start3A_87 = arith.constant 0 : i32
        %dma_start3A_88 = tpu.memref_slice %arg9[%multiple_of3A, %dma_start3A_87] : memref<10112x128xf32, #tpu.memory_space<vmem_shared>> -> memref<128x128xf32, #tpu.memory_space<vmem_shared>>
        tpu.enqueue_dma source(%dma_start3A_88 : memref<128x128xf32, #tpu.memory_space<vmem_shared>>) target(%dma_start3A_86 : memref<128x128xf32, #tpu.memory_space<hbm>>) target_semaphore(%run_scoped3A : memref<!tpu.dma_semaphore, #tpu.memory_space<semaphore_mem>>)
        %dma_wait3A = arith.constant 0 : i32
        %dma_wait3A_89 = tpu.memref_slice %arg5[%arg0, %multiple_of3A, %dma_wait3A] : memref<2x10112x128xf32, #tpu.memory_space<hbm>> -> memref<1x128x128xf32, #tpu.memory_space<hbm>>
        %dma_wait3A_90 = tpu.memref_squeeze %dma_wait3A_89 : memref<1x128x128xf32, #tpu.memory_space<hbm>> -> memref<128x128xf32, #tpu.memory_space<hbm>>
        %dma_wait3A_91 = arith.constant 0 : i32
        %dma_wait3A_92 = tpu.memref_slice %arg9[%multiple_of3A, %dma_wait3A_91] : memref<10112x128xf32, #tpu.memory_space<vmem_shared>> -> memref<128x128xf32, #tpu.memory_space<vmem_shared>>
        tpu.wait_dma2 semaphore(%run_scoped3A : memref<!tpu.dma_semaphore, #tpu.memory_space<semaphore_mem>>) src(%dma_wait3A_92 : memref<128x128xf32, #tpu.memory_space<vmem_shared>>) dst(%dma_wait3A_90 : memref<128x128xf32, #tpu.memory_space<hbm>>)
        tpu.yield
      }) : () -> ()
    } else {
    }
    %add3A_76 = arith.constant 64 : i32
    %add3A_77 = arith.addi %arg1, %add3A_76 : i32
    %lt3A_78 = arith.constant 79 : i32
    %lt3A_79 = arith.cmpi slt, %add3A_77, %lt3A_78 : i32
    %convert_element_type3A_80 = arith.extui %lt3A_79 : i1 to i32
    %cond3A_81 = arith.constant 0 : i32
    %cond3A_82 = arith.cmpi ne, %convert_element_type3A_80, %cond3A_81 : i32
    scf.if %cond3A_82 {
      %mul3A_83 = arith.constant 128 : i32
      %mul3A_84 = arith.muli %add3A_77, %mul3A_83 : i32
      %multiple_of3A = tpu.assume_multiple %mul3A_84, 128 : i32
      "tpu.region"() ({
        %run_scoped3A = tpu.sem_alloc : memref<!tpu.dma_semaphore, #tpu.memory_space<semaphore_mem>>
        %dma_start3A = arith.constant 0 : i32
        %dma_start3A_85 = tpu.memref_slice %arg5[%arg0, %multiple_of3A, %dma_start3A] : memref<2x10112x128xf32, #tpu.memory_space<hbm>> -> memref<1x128x128xf32, #tpu.memory_space<hbm>>
        %dma_start3A_86 = tpu.memref_squeeze %dma_start3A_85 : memref<1x128x128xf32, #tpu.memory_space<hbm>> -> memref<128x128xf32, #tpu.memory_space<hbm>>
        %dma_start3A_87 = arith.constant 0 : i32
        %dma_start3A_88 = tpu.memref_slice %arg9[%multiple_of3A, %dma_start3A_87] : memref<10112x128xf32, #tpu.memory_space<vmem_shared>> -> memref<128x128xf32, #tpu.memory_space<vmem_shared>>
        tpu.enqueue_dma source(%dma_start3A_88 : memref<128x128xf32, #tpu.memory_space<vmem_shared>>) target(%dma_start3A_86 : memref<128x128xf32, #tpu.memory_space<hbm>>) target_semaphore(%run_scoped3A : memref<!tpu.dma_semaphore, #tpu.memory_space<semaphore_mem>>)
        %dma_wait3A = arith.constant 0 : i32
        %dma_wait3A_89 = tpu.memref_slice %arg5[%arg0, %multiple_of3A, %dma_wait3A] : memref<2x10112x128xf32, #tpu.memory_space<hbm>> -> memref<1x128x128xf32, #tpu.memory_space<hbm>>
        %dma_wait3A_90 = tpu.memref_squeeze %dma_wait3A_89 : memref<1x128x128xf32, #tpu.memory_space<hbm>> -> memref<128x128xf32, #tpu.memory_space<hbm>>
        %dma_wait3A_91 = arith.constant 0 : i32
        %dma_wait3A_92 = tpu.memref_slice %arg9[%multiple_of3A, %dma_wait3A_91] : memref<10112x128xf32, #tpu.memory_space<vmem_shared>> -> memref<128x128xf32, #tpu.memory_space<vmem_shared>>
        tpu.wait_dma2 semaphore(%run_scoped3A : memref<!tpu.dma_semaphore, #tpu.memory_space<semaphore_mem>>) src(%dma_wait3A_92 : memref<128x128xf32, #tpu.memory_space<vmem_shared>>) dst(%dma_wait3A_90 : memref<128x128xf32, #tpu.memory_space<hbm>>)
        tpu.yield
      }) : () -> ()
    } else {
    }
    return
  }
}

#map = affine_map<(d0, d1) -> (0, 0)>
#map1 = affine_map<(d0, d1) -> (0)>
#map2 = affine_map<(d0, d1) -> (0, 0, 0)>
module attributes {stable_mosaic.version = 14 : i64} {
  func.func @_sc_sage(%arg0: i32, %arg1: i32, %arg2: memref<10112x128xf32, #tpu.memory_space<hbm>>, %arg3: memref<327680xi32, #tpu.memory_space<hbm>>, %arg4: memref<327680xi32, #tpu.memory_space<hbm>>, %arg5: memref<2x10112x128xf32, #tpu.memory_space<hbm>>, %arg6: memref<128xi32, #tpu.memory_space<vmem>>, %arg7: memref<128xi32, #tpu.memory_space<vmem>>, %arg8: memref<128x128xf32, #tpu.memory_space<vmem>>, %arg9: memref<10112x128xf32, #tpu.memory_space<vmem_shared>>, %arg10: memref<!tpu.dma_semaphore, #tpu.memory_space<semaphore_mem>>) attributes {dimension_semantics = [#tpu.dimension_semantics<core_parallel>, #tpu.dimension_semantics<subcore_parallel>], iteration_bounds = array<i64: 2, 16>, scalar_prefetch = 0 : i64, scratch_operands = 5 : i64, tpu.core_type = #tpu.core_type<sc_vector_subcore>, window_params = [{transform_indices = #map}, {transform_indices = #map1}, {transform_indices = #map1}, {transform_indices = #map2}]} {
    %mul3A = arith.constant 16 : i32
    %mul3A_0 = arith.muli %arg0, %mul3A : i32
    %add3A = arith.addi %mul3A_0, %arg1 : i32
    %mul3A_1 = arith.constant 10240 : i32
    %mul3A_2 = arith.muli %add3A, %mul3A_1 : i32
    %broadcast_in_dim3A = arith.constant 0.000000e+00 : f32
    %broadcast_in_dim3A_3 = vector.broadcast %broadcast_in_dim3A : f32 to vector<16xf32>
    %scan3A = arith.constant 0 : i32
    %scan3A_4 = arith.constant 0 : i32
    %scan3A_5 = arith.constant 128 : i32
    %scan3A_6 = arith.addi %scan3A_4, %scan3A_5 : i32
    %scan3A_7 = arith.constant 1 : i32
    scf.for %scan3A_83 = %scan3A_4 to %scan3A_6 step %scan3A_7  : i32 {
      %swap3A = arith.index_cast %scan3A_83 : i32 to index
      %swap3A_84 = arith.constant 0 : index
      %swap3A_85 = tpu.vector_load %arg8[%swap3A, %swap3A_84] {strides = array<i32>} : memref<128x128xf32, #tpu.memory_space<vmem>>, vector<1x16xf32>,
      %swap3A_86 = vector.shape_cast %swap3A_85 : vector<1x16xf32> to vector<16xf32>
      %swap3A_87 = vector.shape_cast %broadcast_in_dim3A_3 : vector<16xf32> to vector<1x16xf32>
      tpu.vector_store %arg8[%swap3A, %swap3A_84], %swap3A_87 {strides = array<i32>} : memref<128x128xf32, #tpu.memory_space<vmem>>, vector<1x16xf32>,
      %swap3A_88 = arith.index_cast %scan3A_83 : i32 to index
      %swap3A_89 = arith.constant 16 : index
      %swap3A_90 = tpu.vector_load %arg8[%swap3A_88, %swap3A_89] {strides = array<i32>} : memref<128x128xf32, #tpu.memory_space<vmem>>, vector<1x16xf32>,
      %swap3A_91 = vector.shape_cast %swap3A_90 : vector<1x16xf32> to vector<16xf32>
      %swap3A_92 = vector.shape_cast %broadcast_in_dim3A_3 : vector<16xf32> to vector<1x16xf32>
      tpu.vector_store %arg8[%swap3A_88, %swap3A_89], %swap3A_92 {strides = array<i32>} : memref<128x128xf32, #tpu.memory_space<vmem>>, vector<1x16xf32>,
      %swap3A_93 = arith.index_cast %scan3A_83 : i32 to index
      %swap3A_94 = arith.constant 32 : index
      %swap3A_95 = tpu.vector_load %arg8[%swap3A_93, %swap3A_94] {strides = array<i32>} : memref<128x128xf32, #tpu.memory_space<vmem>>, vector<1x16xf32>,
      %swap3A_96 = vector.shape_cast %swap3A_95 : vector<1x16xf32> to vector<16xf32>
      %swap3A_97 = vector.shape_cast %broadcast_in_dim3A_3 : vector<16xf32> to vector<1x16xf32>
      tpu.vector_store %arg8[%swap3A_93, %swap3A_94], %swap3A_97 {strides = array<i32>} : memref<128x128xf32, #tpu.memory_space<vmem>>, vector<1x16xf32>,
      %swap3A_98 = arith.index_cast %scan3A_83 : i32 to index
      %swap3A_99 = arith.constant 48 : index
      %swap3A_100 = tpu.vector_load %arg8[%swap3A_98, %swap3A_99] {strides = array<i32>} : memref<128x128xf32, #tpu.memory_space<vmem>>, vector<1x16xf32>,
      %swap3A_101 = vector.shape_cast %swap3A_100 : vector<1x16xf32> to vector<16xf32>
      %swap3A_102 = vector.shape_cast %broadcast_in_dim3A_3 : vector<16xf32> to vector<1x16xf32>
      tpu.vector_store %arg8[%swap3A_98, %swap3A_99], %swap3A_102 {strides = array<i32>} : memref<128x128xf32, #tpu.memory_space<vmem>>, vector<1x16xf32>,
      %swap3A_103 = arith.index_cast %scan3A_83 : i32 to index
      %swap3A_104 = arith.constant 64 : index
      %swap3A_105 = tpu.vector_load %arg8[%swap3A_103, %swap3A_104] {strides = array<i32>} : memref<128x128xf32, #tpu.memory_space<vmem>>, vector<1x16xf32>,
      %swap3A_106 = vector.shape_cast %swap3A_105 : vector<1x16xf32> to vector<16xf32>
      %swap3A_107 = vector.shape_cast %broadcast_in_dim3A_3 : vector<16xf32> to vector<1x16xf32>
      tpu.vector_store %arg8[%swap3A_103, %swap3A_104], %swap3A_107 {strides = array<i32>} : memref<128x128xf32, #tpu.memory_space<vmem>>, vector<1x16xf32>,
      %swap3A_108 = arith.index_cast %scan3A_83 : i32 to index
      %swap3A_109 = arith.constant 80 : index
      %swap3A_110 = tpu.vector_load %arg8[%swap3A_108, %swap3A_109] {strides = array<i32>} : memref<128x128xf32, #tpu.memory_space<vmem>>, vector<1x16xf32>,
      %swap3A_111 = vector.shape_cast %swap3A_110 : vector<1x16xf32> to vector<16xf32>
      %swap3A_112 = vector.shape_cast %broadcast_in_dim3A_3 : vector<16xf32> to vector<1x16xf32>
      tpu.vector_store %arg8[%swap3A_108, %swap3A_109], %swap3A_112 {strides = array<i32>} : memref<128x128xf32, #tpu.memory_space<vmem>>, vector<1x16xf32>,
      %swap3A_113 = arith.index_cast %scan3A_83 : i32 to index
      %swap3A_114 = arith.constant 96 : index
      %swap3A_115 = tpu.vector_load %arg8[%swap3A_113, %swap3A_114] {strides = array<i32>} : memref<128x128xf32, #tpu.memory_space<vmem>>, vector<1x16xf32>,
      %swap3A_116 = vector.shape_cast %swap3A_115 : vector<1x16xf32> to vector<16xf32>
      %swap3A_117 = vector.shape_cast %broadcast_in_dim3A_3 : vector<16xf32> to vector<1x16xf32>
      tpu.vector_store %arg8[%swap3A_113, %swap3A_114], %swap3A_117 {strides = array<i32>} : memref<128x128xf32, #tpu.memory_space<vmem>>, vector<1x16xf32>,
      %swap3A_118 = arith.index_cast %scan3A_83 : i32 to index
      %swap3A_119 = arith.constant 112 : index
      %swap3A_120 = tpu.vector_load %arg8[%swap3A_118, %swap3A_119] {strides = array<i32>} : memref<128x128xf32, #tpu.memory_space<vmem>>, vector<1x16xf32>,
      %swap3A_121 = vector.shape_cast %swap3A_120 : vector<1x16xf32> to vector<16xf32>
      %swap3A_122 = vector.shape_cast %broadcast_in_dim3A_3 : vector<16xf32> to vector<1x16xf32>
      tpu.vector_store %arg8[%swap3A_118, %swap3A_119], %swap3A_122 {strides = array<i32>} : memref<128x128xf32, #tpu.memory_space<vmem>>, vector<1x16xf32>,
    }
    %scan3A_8 = arith.constant 128 : i32
    %add3A_9 = arith.constant 0 : i32
    %add3A_10 = arith.addi %arg1, %add3A_9 : i32
    %lt3A = arith.constant 79 : i32
    %lt3A_11 = arith.cmpi slt, %add3A_10, %lt3A : i32
    %convert_element_type3A = arith.extui %lt3A_11 : i1 to i32
    %cond3A = arith.constant 0 : i32
    %cond3A_12 = arith.cmpi ne, %convert_element_type3A, %cond3A : i32
    scf.if %cond3A_12 {
      %mul3A_83 = arith.constant 128 : i32
      %mul3A_84 = arith.muli %add3A_10, %mul3A_83 : i32
      %multiple_of3A = tpu.assume_multiple %mul3A_84, 128 : i32
      "tpu.region"() ({
        %run_scoped3A = tpu.sem_alloc : memref<!tpu.dma_semaphore, #tpu.memory_space<semaphore_mem>>
        %dma_start3A = arith.constant 0 : i32
        %dma_start3A_85 = tpu.memref_slice %arg9[%multiple_of3A, %dma_start3A] : memref<10112x128xf32, #tpu.memory_space<vmem_shared>> -> memref<128x128xf32, #tpu.memory_space<vmem_shared>>
        %dma_start3A_86 = arith.constant 0 : i32
        %dma_start3A_87 = tpu.memref_slice %arg9[%multiple_of3A, %dma_start3A_86] : memref<10112x128xf32, #tpu.memory_space<vmem_shared>> -> memref<128x128xf32, #tpu.memory_space<vmem_shared>>
        tpu.enqueue_dma source(%arg8 : memref<128x128xf32, #tpu.memory_space<vmem>>) target(%dma_start3A_87 : memref<128x128xf32, #tpu.memory_space<vmem_shared>>) target_semaphore(%run_scoped3A : memref<!tpu.dma_semaphore, #tpu.memory_space<semaphore_mem>>)
        %dma_wait3A = arith.constant 0 : i32
        %dma_wait3A_88 = tpu.memref_slice %arg9[%multiple_of3A, %dma_wait3A] : memref<10112x128xf32, #tpu.memory_space<vmem_shared>> -> memref<128x128xf32, #tpu.memory_space<vmem_shared>>
        %dma_wait3A_89 = arith.constant 0 : i32
        %dma_wait3A_90 = tpu.memref_slice %arg9[%multiple_of3A, %dma_wait3A_89] : memref<10112x128xf32, #tpu.memory_space<vmem_shared>> -> memref<128x128xf32, #tpu.memory_space<vmem_shared>>
        tpu.wait_dma2 semaphore(%run_scoped3A : memref<!tpu.dma_semaphore, #tpu.memory_space<semaphore_mem>>) src(%arg8 : memref<128x128xf32, #tpu.memory_space<vmem>>) dst(%dma_wait3A_90 : memref<128x128xf32, #tpu.memory_space<vmem_shared>>)
        tpu.yield
      }) : () -> ()
    } else {
    }
    %add3A_13 = arith.constant 16 : i32
    %add3A_14 = arith.addi %arg1, %add3A_13 : i32
    %lt3A_15 = arith.constant 79 : i32
    %lt3A_16 = arith.cmpi slt, %add3A_14, %lt3A_15 : i32
    %convert_element_type3A_17 = arith.extui %lt3A_16 : i1 to i32
    %cond3A_18 = arith.constant 0 : i32
    %cond3A_19 = arith.cmpi ne, %convert_element_type3A_17, %cond3A_18 : i32
    scf.if %cond3A_19 {
      %mul3A_83 = arith.constant 128 : i32
      %mul3A_84 = arith.muli %add3A_14, %mul3A_83 : i32
      %multiple_of3A = tpu.assume_multiple %mul3A_84, 128 : i32
      "tpu.region"() ({
        %run_scoped3A = tpu.sem_alloc : memref<!tpu.dma_semaphore, #tpu.memory_space<semaphore_mem>>
        %dma_start3A = arith.constant 0 : i32
        %dma_start3A_85 = tpu.memref_slice %arg9[%multiple_of3A, %dma_start3A] : memref<10112x128xf32, #tpu.memory_space<vmem_shared>> -> memref<128x128xf32, #tpu.memory_space<vmem_shared>>
        %dma_start3A_86 = arith.constant 0 : i32
        %dma_start3A_87 = tpu.memref_slice %arg9[%multiple_of3A, %dma_start3A_86] : memref<10112x128xf32, #tpu.memory_space<vmem_shared>> -> memref<128x128xf32, #tpu.memory_space<vmem_shared>>
        tpu.enqueue_dma source(%arg8 : memref<128x128xf32, #tpu.memory_space<vmem>>) target(%dma_start3A_87 : memref<128x128xf32, #tpu.memory_space<vmem_shared>>) target_semaphore(%run_scoped3A : memref<!tpu.dma_semaphore, #tpu.memory_space<semaphore_mem>>)
        %dma_wait3A = arith.constant 0 : i32
        %dma_wait3A_88 = tpu.memref_slice %arg9[%multiple_of3A, %dma_wait3A] : memref<10112x128xf32, #tpu.memory_space<vmem_shared>> -> memref<128x128xf32, #tpu.memory_space<vmem_shared>>
        %dma_wait3A_89 = arith.constant 0 : i32
        %dma_wait3A_90 = tpu.memref_slice %arg9[%multiple_of3A, %dma_wait3A_89] : memref<10112x128xf32, #tpu.memory_space<vmem_shared>> -> memref<128x128xf32, #tpu.memory_space<vmem_shared>>
        tpu.wait_dma2 semaphore(%run_scoped3A : memref<!tpu.dma_semaphore, #tpu.memory_space<semaphore_mem>>) src(%arg8 : memref<128x128xf32, #tpu.memory_space<vmem>>) dst(%dma_wait3A_90 : memref<128x128xf32, #tpu.memory_space<vmem_shared>>)
        tpu.yield
      }) : () -> ()
    } else {
    }
    %add3A_20 = arith.constant 32 : i32
    %add3A_21 = arith.addi %arg1, %add3A_20 : i32
    %lt3A_22 = arith.constant 79 : i32
    %lt3A_23 = arith.cmpi slt, %add3A_21, %lt3A_22 : i32
    %convert_element_type3A_24 = arith.extui %lt3A_23 : i1 to i32
    %cond3A_25 = arith.constant 0 : i32
    %cond3A_26 = arith.cmpi ne, %convert_element_type3A_24, %cond3A_25 : i32
    scf.if %cond3A_26 {
      %mul3A_83 = arith.constant 128 : i32
      %mul3A_84 = arith.muli %add3A_21, %mul3A_83 : i32
      %multiple_of3A = tpu.assume_multiple %mul3A_84, 128 : i32
      "tpu.region"() ({
        %run_scoped3A = tpu.sem_alloc : memref<!tpu.dma_semaphore, #tpu.memory_space<semaphore_mem>>
        %dma_start3A = arith.constant 0 : i32
        %dma_start3A_85 = tpu.memref_slice %arg9[%multiple_of3A, %dma_start3A] : memref<10112x128xf32, #tpu.memory_space<vmem_shared>> -> memref<128x128xf32, #tpu.memory_space<vmem_shared>>
        %dma_start3A_86 = arith.constant 0 : i32
        %dma_start3A_87 = tpu.memref_slice %arg9[%multiple_of3A, %dma_start3A_86] : memref<10112x128xf32, #tpu.memory_space<vmem_shared>> -> memref<128x128xf32, #tpu.memory_space<vmem_shared>>
        tpu.enqueue_dma source(%arg8 : memref<128x128xf32, #tpu.memory_space<vmem>>) target(%dma_start3A_87 : memref<128x128xf32, #tpu.memory_space<vmem_shared>>) target_semaphore(%run_scoped3A : memref<!tpu.dma_semaphore, #tpu.memory_space<semaphore_mem>>)
        %dma_wait3A = arith.constant 0 : i32
        %dma_wait3A_88 = tpu.memref_slice %arg9[%multiple_of3A, %dma_wait3A] : memref<10112x128xf32, #tpu.memory_space<vmem_shared>> -> memref<128x128xf32, #tpu.memory_space<vmem_shared>>
        %dma_wait3A_89 = arith.constant 0 : i32
        %dma_wait3A_90 = tpu.memref_slice %arg9[%multiple_of3A, %dma_wait3A_89] : memref<10112x128xf32, #tpu.memory_space<vmem_shared>> -> memref<128x128xf32, #tpu.memory_space<vmem_shared>>
        tpu.wait_dma2 semaphore(%run_scoped3A : memref<!tpu.dma_semaphore, #tpu.memory_space<semaphore_mem>>) src(%arg8 : memref<128x128xf32, #tpu.memory_space<vmem>>) dst(%dma_wait3A_90 : memref<128x128xf32, #tpu.memory_space<vmem_shared>>)
        tpu.yield
      }) : () -> ()
    } else {
    }
    %add3A_27 = arith.constant 48 : i32
    %add3A_28 = arith.addi %arg1, %add3A_27 : i32
    %lt3A_29 = arith.constant 79 : i32
    %lt3A_30 = arith.cmpi slt, %add3A_28, %lt3A_29 : i32
    %convert_element_type3A_31 = arith.extui %lt3A_30 : i1 to i32
    %cond3A_32 = arith.constant 0 : i32
    %cond3A_33 = arith.cmpi ne, %convert_element_type3A_31, %cond3A_32 : i32
    scf.if %cond3A_33 {
      %mul3A_83 = arith.constant 128 : i32
      %mul3A_84 = arith.muli %add3A_28, %mul3A_83 : i32
      %multiple_of3A = tpu.assume_multiple %mul3A_84, 128 : i32
      "tpu.region"() ({
        %run_scoped3A = tpu.sem_alloc : memref<!tpu.dma_semaphore, #tpu.memory_space<semaphore_mem>>
        %dma_start3A = arith.constant 0 : i32
        %dma_start3A_85 = tpu.memref_slice %arg9[%multiple_of3A, %dma_start3A] : memref<10112x128xf32, #tpu.memory_space<vmem_shared>> -> memref<128x128xf32, #tpu.memory_space<vmem_shared>>
        %dma_start3A_86 = arith.constant 0 : i32
        %dma_start3A_87 = tpu.memref_slice %arg9[%multiple_of3A, %dma_start3A_86] : memref<10112x128xf32, #tpu.memory_space<vmem_shared>> -> memref<128x128xf32, #tpu.memory_space<vmem_shared>>
        tpu.enqueue_dma source(%arg8 : memref<128x128xf32, #tpu.memory_space<vmem>>) target(%dma_start3A_87 : memref<128x128xf32, #tpu.memory_space<vmem_shared>>) target_semaphore(%run_scoped3A : memref<!tpu.dma_semaphore, #tpu.memory_space<semaphore_mem>>)
        %dma_wait3A = arith.constant 0 : i32
        %dma_wait3A_88 = tpu.memref_slice %arg9[%multiple_of3A, %dma_wait3A] : memref<10112x128xf32, #tpu.memory_space<vmem_shared>> -> memref<128x128xf32, #tpu.memory_space<vmem_shared>>
        %dma_wait3A_89 = arith.constant 0 : i32
        %dma_wait3A_90 = tpu.memref_slice %arg9[%multiple_of3A, %dma_wait3A_89] : memref<10112x128xf32, #tpu.memory_space<vmem_shared>> -> memref<128x128xf32, #tpu.memory_space<vmem_shared>>
        tpu.wait_dma2 semaphore(%run_scoped3A : memref<!tpu.dma_semaphore, #tpu.memory_space<semaphore_mem>>) src(%arg8 : memref<128x128xf32, #tpu.memory_space<vmem>>) dst(%dma_wait3A_90 : memref<128x128xf32, #tpu.memory_space<vmem_shared>>)
        tpu.yield
      }) : () -> ()
    } else {
    }
    %add3A_34 = arith.constant 64 : i32
    %add3A_35 = arith.addi %arg1, %add3A_34 : i32
    %lt3A_36 = arith.constant 79 : i32
    %lt3A_37 = arith.cmpi slt, %add3A_35, %lt3A_36 : i32
    %convert_element_type3A_38 = arith.extui %lt3A_37 : i1 to i32
    %cond3A_39 = arith.constant 0 : i32
    %cond3A_40 = arith.cmpi ne, %convert_element_type3A_38, %cond3A_39 : i32
    scf.if %cond3A_40 {
      %mul3A_83 = arith.constant 128 : i32
      %mul3A_84 = arith.muli %add3A_35, %mul3A_83 : i32
      %multiple_of3A = tpu.assume_multiple %mul3A_84, 128 : i32
      "tpu.region"() ({
        %run_scoped3A = tpu.sem_alloc : memref<!tpu.dma_semaphore, #tpu.memory_space<semaphore_mem>>
        %dma_start3A = arith.constant 0 : i32
        %dma_start3A_85 = tpu.memref_slice %arg9[%multiple_of3A, %dma_start3A] : memref<10112x128xf32, #tpu.memory_space<vmem_shared>> -> memref<128x128xf32, #tpu.memory_space<vmem_shared>>
        %dma_start3A_86 = arith.constant 0 : i32
        %dma_start3A_87 = tpu.memref_slice %arg9[%multiple_of3A, %dma_start3A_86] : memref<10112x128xf32, #tpu.memory_space<vmem_shared>> -> memref<128x128xf32, #tpu.memory_space<vmem_shared>>
        tpu.enqueue_dma source(%arg8 : memref<128x128xf32, #tpu.memory_space<vmem>>) target(%dma_start3A_87 : memref<128x128xf32, #tpu.memory_space<vmem_shared>>) target_semaphore(%run_scoped3A : memref<!tpu.dma_semaphore, #tpu.memory_space<semaphore_mem>>)
        %dma_wait3A = arith.constant 0 : i32
        %dma_wait3A_88 = tpu.memref_slice %arg9[%multiple_of3A, %dma_wait3A] : memref<10112x128xf32, #tpu.memory_space<vmem_shared>> -> memref<128x128xf32, #tpu.memory_space<vmem_shared>>
        %dma_wait3A_89 = arith.constant 0 : i32
        %dma_wait3A_90 = tpu.memref_slice %arg9[%multiple_of3A, %dma_wait3A_89] : memref<10112x128xf32, #tpu.memory_space<vmem_shared>> -> memref<128x128xf32, #tpu.memory_space<vmem_shared>>
        tpu.wait_dma2 semaphore(%run_scoped3A : memref<!tpu.dma_semaphore, #tpu.memory_space<semaphore_mem>>) src(%arg8 : memref<128x128xf32, #tpu.memory_space<vmem>>) dst(%dma_wait3A_90 : memref<128x128xf32, #tpu.memory_space<vmem_shared>>)
        tpu.yield
      }) : () -> ()
    } else {
    }
    %barrier3A = arith.constant 0 : index
    tpu.barrier barrier_id(%barrier3A)
    %scan3A_41 = arith.constant 0 : i32
    %scan3A_42 = arith.constant 0 : i32
    %scan3A_43 = arith.constant 80 : i32
    %scan3A_44 = arith.addi %scan3A_42, %scan3A_43 : i32
    %scan3A_45 = arith.constant 1 : i32
    scf.for %scan3A_83 = %scan3A_42 to %scan3A_44 step %scan3A_45  : i32 {
      %mul3A_84 = arith.constant 128 : i32
      %mul3A_85 = arith.muli %scan3A_83, %mul3A_84 : i32
      %add3A_86 = arith.addi %mul3A_2, %mul3A_85 : i32
      %multiple_of3A = tpu.assume_multiple %add3A_86, 128 : i32
      "tpu.region"() ({
        %run_scoped3A = tpu.sem_alloc : memref<!tpu.dma_semaphore, #tpu.memory_space<semaphore_mem>>
        %dma_start3A_91 = tpu.memref_slice %arg3[%multiple_of3A] : memref<327680xi32, #tpu.memory_space<hbm>> -> memref<128xi32, #tpu.memory_space<hbm>>
        %dma_start3A_92 = tpu.memref_slice %arg3[%multiple_of3A] : memref<327680xi32, #tpu.memory_space<hbm>> -> memref<128xi32, #tpu.memory_space<hbm>>
        tpu.enqueue_dma source(%dma_start3A_92 : memref<128xi32, #tpu.memory_space<hbm>>) target(%arg6 : memref<128xi32, #tpu.memory_space<vmem>>) target_semaphore(%run_scoped3A : memref<!tpu.dma_semaphore, #tpu.memory_space<semaphore_mem>>)
        %dma_wait3A_93 = tpu.memref_slice %arg3[%multiple_of3A] : memref<327680xi32, #tpu.memory_space<hbm>> -> memref<128xi32, #tpu.memory_space<hbm>>
        %dma_wait3A_94 = tpu.memref_slice %arg3[%multiple_of3A] : memref<327680xi32, #tpu.memory_space<hbm>> -> memref<128xi32, #tpu.memory_space<hbm>>
        tpu.wait_dma2 semaphore(%run_scoped3A : memref<!tpu.dma_semaphore, #tpu.memory_space<semaphore_mem>>) src(%dma_wait3A_94 : memref<128xi32, #tpu.memory_space<hbm>>) dst(%arg6 : memref<128xi32, #tpu.memory_space<vmem>>)
        tpu.yield
      }) : () -> ()
      "tpu.region"() ({
        %run_scoped3A = tpu.sem_alloc : memref<!tpu.dma_semaphore, #tpu.memory_space<semaphore_mem>>
        %dma_start3A_91 = tpu.memref_slice %arg4[%multiple_of3A] : memref<327680xi32, #tpu.memory_space<hbm>> -> memref<128xi32, #tpu.memory_space<hbm>>
        %dma_start3A_92 = tpu.memref_slice %arg4[%multiple_of3A] : memref<327680xi32, #tpu.memory_space<hbm>> -> memref<128xi32, #tpu.memory_space<hbm>>
        tpu.enqueue_dma source(%dma_start3A_92 : memref<128xi32, #tpu.memory_space<hbm>>) target(%arg7 : memref<128xi32, #tpu.memory_space<vmem>>) target_semaphore(%run_scoped3A : memref<!tpu.dma_semaphore, #tpu.memory_space<semaphore_mem>>)
        %dma_wait3A_93 = tpu.memref_slice %arg4[%multiple_of3A] : memref<327680xi32, #tpu.memory_space<hbm>> -> memref<128xi32, #tpu.memory_space<hbm>>
        %dma_wait3A_94 = tpu.memref_slice %arg4[%multiple_of3A] : memref<327680xi32, #tpu.memory_space<hbm>> -> memref<128xi32, #tpu.memory_space<hbm>>
        tpu.wait_dma2 semaphore(%run_scoped3A : memref<!tpu.dma_semaphore, #tpu.memory_space<semaphore_mem>>) src(%dma_wait3A_94 : memref<128xi32, #tpu.memory_space<hbm>>) dst(%arg7 : memref<128xi32, #tpu.memory_space<vmem>>)
        tpu.yield
      }) : () -> ()
      %dma_start3A = arith.constant 0 : i32
      %dma_start3A_87 = arith.constant 0 : i32
      %dma_start3A_88 = tpu.memref_slice %arg2[%dma_start3A, %dma_start3A_87] : memref<10112x128xf32, #tpu.memory_space<hbm>> -> memref<10112x128xf32, #tpu.memory_space<hbm>>
      tpu.enqueue_indirect_dma source(%dma_start3A_88 : memref<10112x128xf32, #tpu.memory_space<hbm>>) target(%arg8 : memref<128x128xf32, #tpu.memory_space<vmem>>) offsets(%arg6 : memref<128xi32, #tpu.memory_space<vmem>>) semaphore(%arg10 : memref<!tpu.dma_semaphore, #tpu.memory_space<semaphore_mem>>)
      %dma_wait3A = arith.constant 0 : i32
      %dma_wait3A_89 = arith.constant 0 : i32
      %dma_wait3A_90 = tpu.memref_slice %arg2[%dma_wait3A, %dma_wait3A_89] : memref<10112x128xf32, #tpu.memory_space<hbm>> -> memref<10112x128xf32, #tpu.memory_space<hbm>>
      tpu.wait_indirect_dma semaphore(%arg10 : memref<!tpu.dma_semaphore, #tpu.memory_space<semaphore_mem>>) src(%dma_wait3A_90 : memref<10112x128xf32, #tpu.memory_space<hbm>>) dst(%arg8 : memref<128x128xf32, #tpu.memory_space<vmem>>)
      "tpu.region"() ({
        %run_scoped3A = tpu.sem_alloc : memref<!tpu.dma_semaphore, #tpu.memory_space<semaphore_mem>>
        %dma_start3A_91 = arith.constant 0 : i32
        %dma_start3A_92 = arith.constant 0 : i32
        %dma_start3A_93 = tpu.memref_slice %arg9[%dma_start3A_91, %dma_start3A_92] : memref<10112x128xf32, #tpu.memory_space<vmem_shared>> -> memref<10112x128xf32, #tpu.memory_space<vmem_shared>>
        tpu.enqueue_indirect_dma source(%arg8 : memref<128x128xf32, #tpu.memory_space<vmem>>) target(%dma_start3A_93 : memref<10112x128xf32, #tpu.memory_space<vmem_shared>>) offsets(%arg7 : memref<128xi32, #tpu.memory_space<vmem>>) semaphore(%run_scoped3A : memref<!tpu.dma_semaphore, #tpu.memory_space<semaphore_mem>>) {add = true}
        %dma_wait3A_94 = arith.constant 0 : i32
        %dma_wait3A_95 = arith.constant 0 : i32
        %dma_wait3A_96 = tpu.memref_slice %arg9[%dma_wait3A_94, %dma_wait3A_95] : memref<10112x128xf32, #tpu.memory_space<vmem_shared>> -> memref<10112x128xf32, #tpu.memory_space<vmem_shared>>
        tpu.wait_indirect_dma semaphore(%run_scoped3A : memref<!tpu.dma_semaphore, #tpu.memory_space<semaphore_mem>>) src(%arg8 : memref<128x128xf32, #tpu.memory_space<vmem>>) dst(%dma_wait3A_96 : memref<10112x128xf32, #tpu.memory_space<vmem_shared>>)
        tpu.yield
      }) : () -> ()
    }
    %scan3A_46 = arith.constant 80 : i32
    %barrier3A_47 = arith.constant 0 : index
    tpu.barrier barrier_id(%barrier3A_47)
    %add3A_48 = arith.constant 0 : i32
    %add3A_49 = arith.addi %arg1, %add3A_48 : i32
    %lt3A_50 = arith.constant 79 : i32
    %lt3A_51 = arith.cmpi slt, %add3A_49, %lt3A_50 : i32
    %convert_element_type3A_52 = arith.extui %lt3A_51 : i1 to i32
    %cond3A_53 = arith.constant 0 : i32
    %cond3A_54 = arith.cmpi ne, %convert_element_type3A_52, %cond3A_53 : i32
    scf.if %cond3A_54 {
      %mul3A_83 = arith.constant 128 : i32
      %mul3A_84 = arith.muli %add3A_49, %mul3A_83 : i32
      %multiple_of3A = tpu.assume_multiple %mul3A_84, 128 : i32
      "tpu.region"() ({
        %run_scoped3A = tpu.sem_alloc : memref<!tpu.dma_semaphore, #tpu.memory_space<semaphore_mem>>
        %dma_start3A = arith.constant 0 : i32
        %dma_start3A_85 = tpu.memref_slice %arg5[%arg0, %multiple_of3A, %dma_start3A] : memref<2x10112x128xf32, #tpu.memory_space<hbm>> -> memref<1x128x128xf32, #tpu.memory_space<hbm>>
        %dma_start3A_86 = tpu.memref_squeeze %dma_start3A_85 : memref<1x128x128xf32, #tpu.memory_space<hbm>> -> memref<128x128xf32, #tpu.memory_space<hbm>>
        %dma_start3A_87 = arith.constant 0 : i32
        %dma_start3A_88 = tpu.memref_slice %arg9[%multiple_of3A, %dma_start3A_87] : memref<10112x128xf32, #tpu.memory_space<vmem_shared>> -> memref<128x128xf32, #tpu.memory_space<vmem_shared>>
        tpu.enqueue_dma source(%dma_start3A_88 : memref<128x128xf32, #tpu.memory_space<vmem_shared>>) target(%dma_start3A_86 : memref<128x128xf32, #tpu.memory_space<hbm>>) target_semaphore(%run_scoped3A : memref<!tpu.dma_semaphore, #tpu.memory_space<semaphore_mem>>)
        %dma_wait3A = arith.constant 0 : i32
        %dma_wait3A_89 = tpu.memref_slice %arg5[%arg0, %multiple_of3A, %dma_wait3A] : memref<2x10112x128xf32, #tpu.memory_space<hbm>> -> memref<1x128x128xf32, #tpu.memory_space<hbm>>
        %dma_wait3A_90 = tpu.memref_squeeze %dma_wait3A_89 : memref<1x128x128xf32, #tpu.memory_space<hbm>> -> memref<128x128xf32, #tpu.memory_space<hbm>>
        %dma_wait3A_91 = arith.constant 0 : i32
        %dma_wait3A_92 = tpu.memref_slice %arg9[%multiple_of3A, %dma_wait3A_91] : memref<10112x128xf32, #tpu.memory_space<vmem_shared>> -> memref<128x128xf32, #tpu.memory_space<vmem_shared>>
        tpu.wait_dma2 semaphore(%run_scoped3A : memref<!tpu.dma_semaphore, #tpu.memory_space<semaphore_mem>>) src(%dma_wait3A_92 : memref<128x128xf32, #tpu.memory_space<vmem_shared>>) dst(%dma_wait3A_90 : memref<128x128xf32, #tpu.memory_space<hbm>>)
        tpu.yield
      }) : () -> ()
    } else {
    }
    %add3A_55 = arith.constant 16 : i32
    %add3A_56 = arith.addi %arg1, %add3A_55 : i32
    %lt3A_57 = arith.constant 79 : i32
    %lt3A_58 = arith.cmpi slt, %add3A_56, %lt3A_57 : i32
    %convert_element_type3A_59 = arith.extui %lt3A_58 : i1 to i32
    %cond3A_60 = arith.constant 0 : i32
    %cond3A_61 = arith.cmpi ne, %convert_element_type3A_59, %cond3A_60 : i32
    scf.if %cond3A_61 {
      %mul3A_83 = arith.constant 128 : i32
      %mul3A_84 = arith.muli %add3A_56, %mul3A_83 : i32
      %multiple_of3A = tpu.assume_multiple %mul3A_84, 128 : i32
      "tpu.region"() ({
        %run_scoped3A = tpu.sem_alloc : memref<!tpu.dma_semaphore, #tpu.memory_space<semaphore_mem>>
        %dma_start3A = arith.constant 0 : i32
        %dma_start3A_85 = tpu.memref_slice %arg5[%arg0, %multiple_of3A, %dma_start3A] : memref<2x10112x128xf32, #tpu.memory_space<hbm>> -> memref<1x128x128xf32, #tpu.memory_space<hbm>>
        %dma_start3A_86 = tpu.memref_squeeze %dma_start3A_85 : memref<1x128x128xf32, #tpu.memory_space<hbm>> -> memref<128x128xf32, #tpu.memory_space<hbm>>
        %dma_start3A_87 = arith.constant 0 : i32
        %dma_start3A_88 = tpu.memref_slice %arg9[%multiple_of3A, %dma_start3A_87] : memref<10112x128xf32, #tpu.memory_space<vmem_shared>> -> memref<128x128xf32, #tpu.memory_space<vmem_shared>>
        tpu.enqueue_dma source(%dma_start3A_88 : memref<128x128xf32, #tpu.memory_space<vmem_shared>>) target(%dma_start3A_86 : memref<128x128xf32, #tpu.memory_space<hbm>>) target_semaphore(%run_scoped3A : memref<!tpu.dma_semaphore, #tpu.memory_space<semaphore_mem>>)
        %dma_wait3A = arith.constant 0 : i32
        %dma_wait3A_89 = tpu.memref_slice %arg5[%arg0, %multiple_of3A, %dma_wait3A] : memref<2x10112x128xf32, #tpu.memory_space<hbm>> -> memref<1x128x128xf32, #tpu.memory_space<hbm>>
        %dma_wait3A_90 = tpu.memref_squeeze %dma_wait3A_89 : memref<1x128x128xf32, #tpu.memory_space<hbm>> -> memref<128x128xf32, #tpu.memory_space<hbm>>
        %dma_wait3A_91 = arith.constant 0 : i32
        %dma_wait3A_92 = tpu.memref_slice %arg9[%multiple_of3A, %dma_wait3A_91] : memref<10112x128xf32, #tpu.memory_space<vmem_shared>> -> memref<128x128xf32, #tpu.memory_space<vmem_shared>>
        tpu.wait_dma2 semaphore(%run_scoped3A : memref<!tpu.dma_semaphore, #tpu.memory_space<semaphore_mem>>) src(%dma_wait3A_92 : memref<128x128xf32, #tpu.memory_space<vmem_shared>>) dst(%dma_wait3A_90 : memref<128x128xf32, #tpu.memory_space<hbm>>)
        tpu.yield
      }) : () -> ()
    } else {
    }
    %add3A_62 = arith.constant 32 : i32
    %add3A_63 = arith.addi %arg1, %add3A_62 : i32
    %lt3A_64 = arith.constant 79 : i32
    %lt3A_65 = arith.cmpi slt, %add3A_63, %lt3A_64 : i32
    %convert_element_type3A_66 = arith.extui %lt3A_65 : i1 to i32
    %cond3A_67 = arith.constant 0 : i32
    %cond3A_68 = arith.cmpi ne, %convert_element_type3A_66, %cond3A_67 : i32
    scf.if %cond3A_68 {
      %mul3A_83 = arith.constant 128 : i32
      %mul3A_84 = arith.muli %add3A_63, %mul3A_83 : i32
      %multiple_of3A = tpu.assume_multiple %mul3A_84, 128 : i32
      "tpu.region"() ({
        %run_scoped3A = tpu.sem_alloc : memref<!tpu.dma_semaphore, #tpu.memory_space<semaphore_mem>>
        %dma_start3A = arith.constant 0 : i32
        %dma_start3A_85 = tpu.memref_slice %arg5[%arg0, %multiple_of3A, %dma_start3A] : memref<2x10112x128xf32, #tpu.memory_space<hbm>> -> memref<1x128x128xf32, #tpu.memory_space<hbm>>
        %dma_start3A_86 = tpu.memref_squeeze %dma_start3A_85 : memref<1x128x128xf32, #tpu.memory_space<hbm>> -> memref<128x128xf32, #tpu.memory_space<hbm>>
        %dma_start3A_87 = arith.constant 0 : i32
        %dma_start3A_88 = tpu.memref_slice %arg9[%multiple_of3A, %dma_start3A_87] : memref<10112x128xf32, #tpu.memory_space<vmem_shared>> -> memref<128x128xf32, #tpu.memory_space<vmem_shared>>
        tpu.enqueue_dma source(%dma_start3A_88 : memref<128x128xf32, #tpu.memory_space<vmem_shared>>) target(%dma_start3A_86 : memref<128x128xf32, #tpu.memory_space<hbm>>) target_semaphore(%run_scoped3A : memref<!tpu.dma_semaphore, #tpu.memory_space<semaphore_mem>>)
        %dma_wait3A = arith.constant 0 : i32
        %dma_wait3A_89 = tpu.memref_slice %arg5[%arg0, %multiple_of3A, %dma_wait3A] : memref<2x10112x128xf32, #tpu.memory_space<hbm>> -> memref<1x128x128xf32, #tpu.memory_space<hbm>>
        %dma_wait3A_90 = tpu.memref_squeeze %dma_wait3A_89 : memref<1x128x128xf32, #tpu.memory_space<hbm>> -> memref<128x128xf32, #tpu.memory_space<hbm>>
        %dma_wait3A_91 = arith.constant 0 : i32
        %dma_wait3A_92 = tpu.memref_slice %arg9[%multiple_of3A, %dma_wait3A_91] : memref<10112x128xf32, #tpu.memory_space<vmem_shared>> -> memref<128x128xf32, #tpu.memory_space<vmem_shared>>
        tpu.wait_dma2 semaphore(%run_scoped3A : memref<!tpu.dma_semaphore, #tpu.memory_space<semaphore_mem>>) src(%dma_wait3A_92 : memref<128x128xf32, #tpu.memory_space<vmem_shared>>) dst(%dma_wait3A_90 : memref<128x128xf32, #tpu.memory_space<hbm>>)
        tpu.yield
      }) : () -> ()
    } else {
    }
    %add3A_69 = arith.constant 48 : i32
    %add3A_70 = arith.addi %arg1, %add3A_69 : i32
    %lt3A_71 = arith.constant 79 : i32
    %lt3A_72 = arith.cmpi slt, %add3A_70, %lt3A_71 : i32
    %convert_element_type3A_73 = arith.extui %lt3A_72 : i1 to i32
    %cond3A_74 = arith.constant 0 : i32
    %cond3A_75 = arith.cmpi ne, %convert_element_type3A_73, %cond3A_74 : i32
    scf.if %cond3A_75 {
      %mul3A_83 = arith.constant 128 : i32
      %mul3A_84 = arith.muli %add3A_70, %mul3A_83 : i32
      %multiple_of3A = tpu.assume_multiple %mul3A_84, 128 : i32
      "tpu.region"() ({
        %run_scoped3A = tpu.sem_alloc : memref<!tpu.dma_semaphore, #tpu.memory_space<semaphore_mem>>
        %dma_start3A = arith.constant 0 : i32
        %dma_start3A_85 = tpu.memref_slice %arg5[%arg0, %multiple_of3A, %dma_start3A] : memref<2x10112x128xf32, #tpu.memory_space<hbm>> -> memref<1x128x128xf32, #tpu.memory_space<hbm>>
        %dma_start3A_86 = tpu.memref_squeeze %dma_start3A_85 : memref<1x128x128xf32, #tpu.memory_space<hbm>> -> memref<128x128xf32, #tpu.memory_space<hbm>>
        %dma_start3A_87 = arith.constant 0 : i32
        %dma_start3A_88 = tpu.memref_slice %arg9[%multiple_of3A, %dma_start3A_87] : memref<10112x128xf32, #tpu.memory_space<vmem_shared>> -> memref<128x128xf32, #tpu.memory_space<vmem_shared>>
        tpu.enqueue_dma source(%dma_start3A_88 : memref<128x128xf32, #tpu.memory_space<vmem_shared>>) target(%dma_start3A_86 : memref<128x128xf32, #tpu.memory_space<hbm>>) target_semaphore(%run_scoped3A : memref<!tpu.dma_semaphore, #tpu.memory_space<semaphore_mem>>)
        %dma_wait3A = arith.constant 0 : i32
        %dma_wait3A_89 = tpu.memref_slice %arg5[%arg0, %multiple_of3A, %dma_wait3A] : memref<2x10112x128xf32, #tpu.memory_space<hbm>> -> memref<1x128x128xf32, #tpu.memory_space<hbm>>
        %dma_wait3A_90 = tpu.memref_squeeze %dma_wait3A_89 : memref<1x128x128xf32, #tpu.memory_space<hbm>> -> memref<128x128xf32, #tpu.memory_space<hbm>>
        %dma_wait3A_91 = arith.constant 0 : i32
        %dma_wait3A_92 = tpu.memref_slice %arg9[%multiple_of3A, %dma_wait3A_91] : memref<10112x128xf32, #tpu.memory_space<vmem_shared>> -> memref<128x128xf32, #tpu.memory_space<vmem_shared>>
        tpu.wait_dma2 semaphore(%run_scoped3A : memref<!tpu.dma_semaphore, #tpu.memory_space<semaphore_mem>>) src(%dma_wait3A_92 : memref<128x128xf32, #tpu.memory_space<vmem_shared>>) dst(%dma_wait3A_90 : memref<128x128xf32, #tpu.memory_space<hbm>>)
        tpu.yield
      }) : () -> ()
    } else {
    }
    %add3A_76 = arith.constant 64 : i32
    %add3A_77 = arith.addi %arg1, %add3A_76 : i32
    %lt3A_78 = arith.constant 79 : i32
    %lt3A_79 = arith.cmpi slt, %add3A_77, %lt3A_78 : i32
    %convert_element_type3A_80 = arith.extui %lt3A_79 : i1 to i32
    %cond3A_81 = arith.constant 0 : i32
    %cond3A_82 = arith.cmpi ne, %convert_element_type3A_80, %cond3A_81 : i32
    scf.if %cond3A_82 {
      %mul3A_83 = arith.constant 128 : i32
      %mul3A_84 = arith.muli %add3A_77, %mul3A_83 : i32
      %multiple_of3A = tpu.assume_multiple %mul3A_84, 128 : i32
      "tpu.region"() ({
        %run_scoped3A = tpu.sem_alloc : memref<!tpu.dma_semaphore, #tpu.memory_space<semaphore_mem>>
        %dma_start3A = arith.constant 0 : i32
        %dma_start3A_85 = tpu.memref_slice %arg5[%arg0, %multiple_of3A, %dma_start3A] : memref<2x10112x128xf32, #tpu.memory_space<hbm>> -> memref<1x128x128xf32, #tpu.memory_space<hbm>>
        %dma_start3A_86 = tpu.memref_squeeze %dma_start3A_85 : memref<1x128x128xf32, #tpu.memory_space<hbm>> -> memref<128x128xf32, #tpu.memory_space<hbm>>
        %dma_start3A_87 = arith.constant 0 : i32
        %dma_start3A_88 = tpu.memref_slice %arg9[%multiple_of3A, %dma_start3A_87] : memref<10112x128xf32, #tpu.memory_space<vmem_shared>> -> memref<128x128xf32, #tpu.memory_space<vmem_shared>>
        tpu.enqueue_dma source(%dma_start3A_88 : memref<128x128xf32, #tpu.memory_space<vmem_shared>>) target(%dma_start3A_86 : memref<128x128xf32, #tpu.memory_space<hbm>>) target_semaphore(%run_scoped3A : memref<!tpu.dma_semaphore, #tpu.memory_space<semaphore_mem>>)
        %dma_wait3A = arith.constant 0 : i32
        %dma_wait3A_89 = tpu.memref_slice %arg5[%arg0, %multiple_of3A, %dma_wait3A] : memref<2x10112x128xf32, #tpu.memory_space<hbm>> -> memref<1x128x128xf32, #tpu.memory_space<hbm>>
        %dma_wait3A_90 = tpu.memref_squeeze %dma_wait3A_89 : memref<1x128x128xf32, #tpu.memory_space<hbm>> -> memref<128x128xf32, #tpu.memory_space<hbm>>
        %dma_wait3A_91 = arith.constant 0 : i32
        %dma_wait3A_92 = tpu.memref_slice %arg9[%multiple_of3A, %dma_wait3A_91] : memref<10112x128xf32, #tpu.memory_space<vmem_shared>> -> memref<128x128xf32, #tpu.memory_space<vmem_shared>>
        tpu.wait_dma2 semaphore(%run_scoped3A : memref<!tpu.dma_semaphore, #tpu.memory_space<semaphore_mem>>) src(%dma_wait3A_92 : memref<128x128xf32, #tpu.memory_space<vmem_shared>>) dst(%dma_wait3A_90 : memref<128x128xf32, #tpu.memory_space<hbm>>)
        tpu.yield
      }) : () -> ()
    } else {
    }
    return
  }
}

module attributes {stable_mosaic.version = 14 : i64} {
  func.func @_tc1_body(%arg0: i32, %arg1: memref<2x632x128xf32, #tpu.memory_space<vmem>>, %arg2: memref<2x632x128xf32, #tpu.memory_space<vmem>>, %arg3: memref<632x128xf32, #tpu.memory_space<vmem>>, %arg4: memref<128x128xf32, #tpu.memory_space<vmem>>, %arg5: memref<128x128xf32, #tpu.memory_space<vmem>>, %arg6: memref<1x128xf32, #tpu.memory_space<vmem>>, %arg7: memref<1x128xf32, #tpu.memory_space<vmem>>, %arg8: memref<632x128xf32, #tpu.memory_space<vmem>>, %arg9: memref<632x128xf32, #tpu.memory_space<vmem>>, %arg10: memref<632x1xf32, #tpu.memory_space<vmem>>) attributes {dimension_semantics = [#tpu.dimension_semantics<arbitrary>], iteration_bounds = array<i64: 16>, scalar_prefetch = 0 : i64, scratch_operands = 0 : i64, tpu.core_type = #tpu.core_type<tc>, window_params = [{transform_indices = @transform_0, window_bounds = array<i64: 2, 632, 128>}, {transform_indices = @transform_1, window_bounds = array<i64: 2, 632, 128>}, {transform_indices = @transform_2, window_bounds = array<i64: 632, 128>}, {pipeline_mode = #tpu.pipeline_mode<synchronous>, transform_indices = @transform_3, window_bounds = array<i64: 128, 128>}, {pipeline_mode = #tpu.pipeline_mode<synchronous>, transform_indices = @transform_4, window_bounds = array<i64: 128, 128>}, {pipeline_mode = #tpu.pipeline_mode<synchronous>, transform_indices = @transform_5, window_bounds = array<i64: 1, 128>}, {pipeline_mode = #tpu.pipeline_mode<synchronous>, transform_indices = @transform_6, window_bounds = array<i64: 1, 128>}, {transform_indices = @transform_7, window_bounds = array<i64: 632, 128>}, {transform_indices = @transform_8, window_bounds = array<i64: 632, 128>}, {transform_indices = @transform_9, window_bounds = array<i64: 632, 1>}]} {
    %get3A = arith.constant 0 : index
    %get3A_0 = arith.constant 0 : index
    %get3A_1 = arith.constant 0 : index
    %get3A_2 = vector.load %arg1[%get3A, %get3A_0, %get3A_1] : memref<2x632x128xf32, #tpu.memory_space<vmem>>, vector<1x632x128xf32>
    %get3A_3 = vector.shape_cast %get3A_2 : vector<1x632x128xf32> to vector<632x128xf32>
    %get3A_4 = arith.constant 1 : index
    %get3A_5 = arith.constant 0 : index
    %get3A_6 = arith.constant 0 : index
    %get3A_7 = vector.load %arg1[%get3A_4, %get3A_5, %get3A_6] : memref<2x632x128xf32, #tpu.memory_space<vmem>>, vector<1x632x128xf32>
    %get3A_8 = vector.shape_cast %get3A_7 : vector<1x632x128xf32> to vector<632x128xf32>
    %add3A = arith.addf %get3A_3, %get3A_8 : vector<632x128xf32>
    %get3A_9 = arith.constant 0 : index
    %get3A_10 = arith.constant 0 : index
    %get3A_11 = arith.constant 0 : index
    %get3A_12 = vector.load %arg2[%get3A_9, %get3A_10, %get3A_11] : memref<2x632x128xf32, #tpu.memory_space<vmem>>, vector<1x632x128xf32>
    %get3A_13 = vector.shape_cast %get3A_12 : vector<1x632x128xf32> to vector<632x128xf32>
    %get3A_14 = arith.constant 1 : index
    %get3A_15 = arith.constant 0 : index
    %get3A_16 = arith.constant 0 : index
    %get3A_17 = vector.load %arg2[%get3A_14, %get3A_15, %get3A_16] : memref<2x632x128xf32, #tpu.memory_space<vmem>>, vector<1x632x128xf32>
    %get3A_18 = vector.shape_cast %get3A_17 : vector<1x632x128xf32> to vector<632x128xf32>
    %add3A_19 = arith.addf %get3A_13, %get3A_18 : vector<632x128xf32>
    %slice3A = vector.extract_strided_slice %add3A_19 {offsets = [0, 0], sizes = [632, 1], strides = [1, 1]} : vector<632x128xf32> to vector<632x1xf32>
    %max3A = arith.constant 1.000000e+00 : f32
    %max3A_20 = vector.broadcast %max3A : f32 to vector<632x1xf32>
    %max3A_21 = arith.maximumf %slice3A, %max3A_20 : vector<632x1xf32>
    %div3A = vector.broadcast %max3A_21 : vector<632x1xf32> to vector<632x128xf32>
    %div3A_22 = arith.divf %add3A, %div3A : vector<632x128xf32>
    %get3A_23 = arith.constant 0 : index
    %get3A_24 = arith.constant 0 : index
    %get3A_25 = vector.load %arg4[%get3A_23, %get3A_24] : memref<128x128xf32, #tpu.memory_space<vmem>>, vector<128x128xf32>
    %dot_general3A = arith.constant dense<0.000000e+00> : vector<632x128xf32>
    %dot_general3A_26 = tpu.matmul %div3A_22, %get3A_25, %dot_general3A {dimension_numbers = #tpu.dot_dimension_numbers<[1], [0], [0], [1], [0, 0, 1, 1], [], []>, transpose_lhs_hint = false} : vector<632x128xf32>, vector<128x128xf32>, vector<632x128xf32> -> vector<632x128xf32>
    %get3A_27 = arith.constant 0 : index
    %get3A_28 = arith.constant 0 : index
    %get3A_29 = vector.load %arg3[%get3A_27, %get3A_28] : memref<632x128xf32, #tpu.memory_space<vmem>>, vector<632x128xf32>
    %get3A_30 = arith.constant 0 : index
    %get3A_31 = arith.constant 0 : index
    %get3A_32 = vector.load %arg5[%get3A_30, %get3A_31] : memref<128x128xf32, #tpu.memory_space<vmem>>, vector<128x128xf32>
    %dot_general3A_33 = arith.constant dense<0.000000e+00> : vector<632x128xf32>
    %dot_general3A_34 = tpu.matmul %get3A_29, %get3A_32, %dot_general3A_33 {dimension_numbers = #tpu.dot_dimension_numbers<[1], [0], [0], [1], [0, 0, 1, 1], [], []>, transpose_lhs_hint = false} : vector<632x128xf32>, vector<128x128xf32>, vector<632x128xf32> -> vector<632x128xf32>
    %add3A_35 = arith.addf %dot_general3A_26, %dot_general3A_34 : vector<632x128xf32>
    %get3A_36 = arith.constant 0 : index
    %get3A_37 = arith.constant 0 : index
    %get3A_38 = vector.load %arg6[%get3A_36, %get3A_37] : memref<1x128xf32, #tpu.memory_space<vmem>>, vector<1x128xf32>
    %add3A_39 = vector.broadcast %get3A_38 : vector<1x128xf32> to vector<632x128xf32>
    %add3A_40 = arith.addf %add3A_35, %add3A_39 : vector<632x128xf32>
    %mul3A = arith.mulf %add3A_40, %add3A_40 : vector<632x128xf32>
    %reduce_sum3A = arith.constant dense<0.000000e+00> : vector<632xf32>
    %reduce_sum3A_41 = vector.multi_reduction <add>, %mul3A, %reduce_sum3A [1] : vector<632x128xf32> to vector<632xf32>
    %broadcast_in_dim3A = vector.shape_cast %reduce_sum3A_41 : vector<632xf32> to vector<632x1xf32>
    %sqrt3A = math.sqrt %broadcast_in_dim3A : vector<632x1xf32>
    %max3A_42 = arith.constant 9.99999996E-13 : f32
    %max3A_43 = vector.broadcast %max3A_42 : f32 to vector<632x1xf32>
    %max3A_44 = arith.maximumf %sqrt3A, %max3A_43 : vector<632x1xf32>
    %div3A_45 = vector.broadcast %max3A_44 : vector<632x1xf32> to vector<632x128xf32>
    %div3A_46 = arith.divf %add3A_40, %div3A_45 : vector<632x128xf32>
    %get3A_47 = arith.constant 0 : index
    %get3A_48 = arith.constant 0 : index
    %get3A_49 = vector.load %arg7[%get3A_47, %get3A_48] : memref<1x128xf32, #tpu.memory_space<vmem>>, vector<1x128xf32>
    %gt3A = arith.constant 0.000000e+00 : f32
    %gt3A_50 = vector.broadcast %gt3A : f32 to vector<632x128xf32>
    %gt3A_51 = arith.cmpf ogt, %div3A_46, %gt3A_50 : vector<632x128xf32>
    %mul3A_52 = vector.broadcast %get3A_49 : vector<1x128xf32> to vector<632x128xf32>
    %mul3A_53 = arith.mulf %mul3A_52, %div3A_46 : vector<632x128xf32>
    %select_n3A = arith.select %gt3A_51, %div3A_46, %mul3A_53 : vector<632x128xi1>, vector<632x128xf32>
    %slice3A_54 = vector.extract_strided_slice %add3A_19 {offsets = [0, 16], sizes = [632, 1], strides = [1, 1]} : vector<632x128xf32> to vector<632x1xf32>
    %gt3A_55 = arith.constant 0.000000e+00 : f32
    %gt3A_56 = vector.broadcast %gt3A_55 : f32 to vector<632x1xf32>
    %gt3A_57 = arith.cmpf ogt, %slice3A_54, %gt3A_56 : vector<632x1xf32>
    %rsqrt3A = math.rsqrt %slice3A_54 : vector<632x1xf32>
    %jit3A = arith.constant 0.000000e+00 : f32
    %broadcast_in_dim3A_58 = vector.broadcast %jit3A : f32 to vector<632x1xf32>
    %select_n3A_59 = arith.select %gt3A_57, %rsqrt3A, %broadcast_in_dim3A_58 : vector<632x1xi1>, vector<632x1xf32>
    %swap3A = arith.constant 0 : index
    %swap3A_60 = arith.constant 0 : index
    %swap3A_61 = vector.load %arg8[%swap3A, %swap3A_60] : memref<632x128xf32, #tpu.memory_space<vmem>>, vector<632x128xf32>
    tpu.vector_store %arg8[%swap3A, %swap3A_60], %select_n3A {strides = array<i32>} : memref<632x128xf32, #tpu.memory_space<vmem>>, vector<632x128xf32>,
    %mul3A_62 = vector.broadcast %select_n3A_59 : vector<632x1xf32> to vector<632x128xf32>
    %mul3A_63 = arith.mulf %mul3A_62, %select_n3A : vector<632x128xf32>
    %swap3A_64 = arith.constant 0 : index
    %swap3A_65 = arith.constant 0 : index
    %swap3A_66 = vector.load %arg9[%swap3A_64, %swap3A_65] : memref<632x128xf32, #tpu.memory_space<vmem>>, vector<632x128xf32>
    tpu.vector_store %arg9[%swap3A_64, %swap3A_65], %mul3A_63 {strides = array<i32>} : memref<632x128xf32, #tpu.memory_space<vmem>>, vector<632x128xf32>,
    %neg3A = arith.constant 0.000000e+00 : f32
    %neg3A_67 = vector.broadcast %neg3A : f32 to vector<632x1xf32>
    %neg3A_68 = arith.subf %neg3A_67, %select_n3A_59 : vector<632x1xf32>
    %swap3A_69 = arith.constant 0 : index
    %swap3A_70 = arith.constant 0 : index
    %swap3A_71 = vector.load %arg10[%swap3A_69, %swap3A_70] : memref<632x1xf32, #tpu.memory_space<vmem>>, vector<632x1xf32>
    tpu.vector_store %arg10[%swap3A_69, %swap3A_70], %neg3A_68 {strides = array<i32>} : memref<632x1xf32, #tpu.memory_space<vmem>>, vector<632x1xf32>,
    return
  }
  func.func @transform_0(%arg0: i32) -> (i32, i32, i32) {
    %c0_i32 = arith.constant 0 : i32
    %c0_i32_0 = arith.constant 0 : i32
    %c0_i32_1 = arith.constant 0 : i32
    return %c0_i32, %arg0, %c0_i32_0 : i32, i32, i32
  }
  func.func @transform_1(%arg0: i32) -> (i32, i32, i32) {
    %c0_i32 = arith.constant 0 : i32
    %c0_i32_0 = arith.constant 0 : i32
    %c0_i32_1 = arith.constant 0 : i32
    return %c0_i32, %arg0, %c0_i32_0 : i32, i32, i32
  }
  func.func @transform_2(%arg0: i32) -> (i32, i32) {
    %c0_i32 = arith.constant 0 : i32
    %c0_i32_0 = arith.constant 0 : i32
    return %arg0, %c0_i32 : i32, i32
  }
  func.func @transform_3(%arg0: i32) -> (i32, i32) {
    %c0_i32 = arith.constant 0 : i32
    %c0_i32_0 = arith.constant 0 : i32
    %c0_i32_1 = arith.constant 0 : i32
    return %c0_i32, %c0_i32_0 : i32, i32
  }
  func.func @transform_4(%arg0: i32) -> (i32, i32) {
    %c0_i32 = arith.constant 0 : i32
    %c0_i32_0 = arith.constant 0 : i32
    %c0_i32_1 = arith.constant 0 : i32
    return %c0_i32, %c0_i32_0 : i32, i32
  }
  func.func @transform_5(%arg0: i32) -> (i32, i32) {
    %c0_i32 = arith.constant 0 : i32
    %c0_i32_0 = arith.constant 0 : i32
    %c0_i32_1 = arith.constant 0 : i32
    return %c0_i32, %c0_i32_0 : i32, i32
  }
  func.func @transform_6(%arg0: i32) -> (i32, i32) {
    %c0_i32 = arith.constant 0 : i32
    %c0_i32_0 = arith.constant 0 : i32
    %c0_i32_1 = arith.constant 0 : i32
    return %c0_i32, %c0_i32_0 : i32, i32
  }
  func.func @transform_7(%arg0: i32) -> (i32, i32) {
    %c0_i32 = arith.constant 0 : i32
    %c0_i32_0 = arith.constant 0 : i32
    return %arg0, %c0_i32 : i32, i32
  }
  func.func @transform_8(%arg0: i32) -> (i32, i32) {
    %c0_i32 = arith.constant 0 : i32
    %c0_i32_0 = arith.constant 0 : i32
    return %arg0, %c0_i32 : i32, i32
  }
  func.func @transform_9(%arg0: i32) -> (i32, i32) {
    %c0_i32 = arith.constant 0 : i32
    %c0_i32_0 = arith.constant 0 : i32
    return %arg0, %c0_i32 : i32, i32
  }
}

module attributes {stable_mosaic.version = 14 : i64} {
  func.func @_tc2_body(%arg0: i32, %arg1: memref<2x632x128xf32, #tpu.memory_space<vmem>>, %arg2: memref<632x128xf32, #tpu.memory_space<vmem>>, %arg3: memref<632x1xf32, #tpu.memory_space<vmem>>, %arg4: memref<128x128xf32, #tpu.memory_space<vmem>>, %arg5: memref<128x128xf32, #tpu.memory_space<vmem>>, %arg6: memref<1x128xf32, #tpu.memory_space<vmem>>, %arg7: memref<1x128xf32, #tpu.memory_space<vmem>>, %arg8: memref<632x128xf32, #tpu.memory_space<vmem>>) attributes {dimension_semantics = [#tpu.dimension_semantics<arbitrary>], iteration_bounds = array<i64: 16>, scalar_prefetch = 0 : i64, scratch_operands = 0 : i64, tpu.core_type = #tpu.core_type<tc>, window_params = [{transform_indices = @transform_0, window_bounds = array<i64: 2, 632, 128>}, {transform_indices = @transform_1, window_bounds = array<i64: 632, 128>}, {transform_indices = @transform_2, window_bounds = array<i64: 632, 1>}, {pipeline_mode = #tpu.pipeline_mode<synchronous>, transform_indices = @transform_3, window_bounds = array<i64: 128, 128>}, {pipeline_mode = #tpu.pipeline_mode<synchronous>, transform_indices = @transform_4, window_bounds = array<i64: 128, 128>}, {pipeline_mode = #tpu.pipeline_mode<synchronous>, transform_indices = @transform_5, window_bounds = array<i64: 1, 128>}, {pipeline_mode = #tpu.pipeline_mode<synchronous>, transform_indices = @transform_6, window_bounds = array<i64: 1, 128>}, {transform_indices = @transform_7, window_bounds = array<i64: 632, 128>}]} {
    %get3A = arith.constant 0 : index
    %get3A_0 = arith.constant 0 : index
    %get3A_1 = arith.constant 0 : index
    %get3A_2 = vector.load %arg1[%get3A, %get3A_0, %get3A_1] : memref<2x632x128xf32, #tpu.memory_space<vmem>>, vector<1x632x128xf32>
    %get3A_3 = vector.shape_cast %get3A_2 : vector<1x632x128xf32> to vector<632x128xf32>
    %get3A_4 = arith.constant 1 : index
    %get3A_5 = arith.constant 0 : index
    %get3A_6 = arith.constant 0 : index
    %get3A_7 = vector.load %arg1[%get3A_4, %get3A_5, %get3A_6] : memref<2x632x128xf32, #tpu.memory_space<vmem>>, vector<1x632x128xf32>
    %get3A_8 = vector.shape_cast %get3A_7 : vector<1x632x128xf32> to vector<632x128xf32>
    %add3A = arith.addf %get3A_3, %get3A_8 : vector<632x128xf32>
    %get3A_9 = arith.constant 0 : index
    %get3A_10 = arith.constant 0 : index
    %get3A_11 = vector.load %arg3[%get3A_9, %get3A_10] : memref<632x1xf32, #tpu.memory_space<vmem>>, vector<632x1xf32>
    %mul3A = vector.broadcast %get3A_11 : vector<632x1xf32> to vector<632x128xf32>
    %mul3A_12 = arith.mulf %add3A, %mul3A : vector<632x128xf32>
    %get3A_13 = arith.constant 0 : index
    %get3A_14 = arith.constant 0 : index
    %get3A_15 = vector.load %arg2[%get3A_13, %get3A_14] : memref<632x128xf32, #tpu.memory_space<vmem>>, vector<632x128xf32>
    %get3A_16 = arith.constant 0 : index
    %get3A_17 = arith.constant 0 : index
    %get3A_18 = vector.load %arg4[%get3A_16, %get3A_17] : memref<128x128xf32, #tpu.memory_space<vmem>>, vector<128x128xf32>
    %dot_general3A = arith.constant dense<0.000000e+00> : vector<632x128xf32>
    %dot_general3A_19 = tpu.matmul %get3A_15, %get3A_18, %dot_general3A {dimension_numbers = #tpu.dot_dimension_numbers<[1], [0], [0], [1], [0, 0, 1, 1], [], []>, transpose_lhs_hint = false} : vector<632x128xf32>, vector<128x128xf32>, vector<632x128xf32> -> vector<632x128xf32>
    %get3A_20 = arith.constant 0 : index
    %get3A_21 = arith.constant 0 : index
    %get3A_22 = vector.load %arg5[%get3A_20, %get3A_21] : memref<128x128xf32, #tpu.memory_space<vmem>>, vector<128x128xf32>
    %dot_general3A_23 = arith.constant dense<0.000000e+00> : vector<632x128xf32>
    %dot_general3A_24 = tpu.matmul %mul3A_12, %get3A_22, %dot_general3A_23 {dimension_numbers = #tpu.dot_dimension_numbers<[1], [0], [0], [1], [0, 0, 1, 1], [], []>, transpose_lhs_hint = false} : vector<632x128xf32>, vector<128x128xf32>, vector<632x128xf32> -> vector<632x128xf32>
    %add3A_25 = arith.addf %dot_general3A_19, %dot_general3A_24 : vector<632x128xf32>
    %get3A_26 = arith.constant 0 : index
    %get3A_27 = arith.constant 0 : index
    %get3A_28 = vector.load %arg6[%get3A_26, %get3A_27] : memref<1x128xf32, #tpu.memory_space<vmem>>, vector<1x128xf32>
    %add3A_29 = vector.broadcast %get3A_28 : vector<1x128xf32> to vector<632x128xf32>
    %add3A_30 = arith.addf %add3A_25, %add3A_29 : vector<632x128xf32>
    %get3A_31 = arith.constant 0 : index
    %get3A_32 = arith.constant 0 : index
    %get3A_33 = vector.load %arg7[%get3A_31, %get3A_32] : memref<1x128xf32, #tpu.memory_space<vmem>>, vector<1x128xf32>
    %gt3A = arith.constant 0.000000e+00 : f32
    %gt3A_34 = vector.broadcast %gt3A : f32 to vector<632x128xf32>
    %gt3A_35 = arith.cmpf ogt, %add3A_30, %gt3A_34 : vector<632x128xf32>
    %mul3A_36 = vector.broadcast %get3A_33 : vector<1x128xf32> to vector<632x128xf32>
    %mul3A_37 = arith.mulf %mul3A_36, %add3A_30 : vector<632x128xf32>
    %select_n3A = arith.select %gt3A_35, %add3A_30, %mul3A_37 : vector<632x128xi1>, vector<632x128xf32>
    %swap3A = arith.constant 0 : index
    %swap3A_38 = arith.constant 0 : index
    %swap3A_39 = vector.load %arg8[%swap3A, %swap3A_38] : memref<632x128xf32, #tpu.memory_space<vmem>>, vector<632x128xf32>
    tpu.vector_store %arg8[%swap3A, %swap3A_38], %select_n3A {strides = array<i32>} : memref<632x128xf32, #tpu.memory_space<vmem>>, vector<632x128xf32>,
    return
  }
  func.func @transform_0(%arg0: i32) -> (i32, i32, i32) {
    %c0_i32 = arith.constant 0 : i32
    %c0_i32_0 = arith.constant 0 : i32
    %c0_i32_1 = arith.constant 0 : i32
    return %c0_i32, %arg0, %c0_i32_0 : i32, i32, i32
  }
  func.func @transform_1(%arg0: i32) -> (i32, i32) {
    %c0_i32 = arith.constant 0 : i32
    %c0_i32_0 = arith.constant 0 : i32
    return %arg0, %c0_i32 : i32, i32
  }
  func.func @transform_2(%arg0: i32) -> (i32, i32) {
    %c0_i32 = arith.constant 0 : i32
    %c0_i32_0 = arith.constant 0 : i32
    return %arg0, %c0_i32 : i32, i32
  }
  func.func @transform_3(%arg0: i32) -> (i32, i32) {
    %c0_i32 = arith.constant 0 : i32
    %c0_i32_0 = arith.constant 0 : i32
    %c0_i32_1 = arith.constant 0 : i32
    return %c0_i32, %c0_i32_0 : i32, i32
  }
  func.func @transform_4(%arg0: i32) -> (i32, i32) {
    %c0_i32 = arith.constant 0 : i32
    %c0_i32_0 = arith.constant 0 : i32
    %c0_i32_1 = arith.constant 0 : i32
    return %c0_i32, %c0_i32_0 : i32, i32
  }
  func.func @transform_5(%arg0: i32) -> (i32, i32) {
    %c0_i32 = arith.constant 0 : i32
    %c0_i32_0 = arith.constant 0 : i32
    %c0_i32_1 = arith.constant 0 : i32
    return %c0_i32, %c0_i32_0 : i32, i32
  }
  func.func @transform_6(%arg0: i32) -> (i32, i32) {
    %c0_i32 = arith.constant 0 : i32
    %c0_i32_0 = arith.constant 0 : i32
    %c0_i32_1 = arith.constant 0 : i32
    return %c0_i32, %c0_i32_0 : i32, i32
  }
  func.func @transform_7(%arg0: i32) -> (i32, i32) {
    %c0_i32 = arith.constant 0 : i32
    %c0_i32_0 = arith.constant 0 : i32
    return %arg0, %c0_i32 : i32, i32
  }
}

</mosaic_0001>

<sc_bundles>
// kernel: kernel.10.cloned.1.call-start
scs
__scs_entry_jumppad:
0x0: {  	(pc) =	sbr.rel $0x88, $3  }
0x1: {  	(tag) =	ssettag $0x0;
	lr =	simm.s32 $0x1  }
0x2: {  	[smem:$0x3F98] =	sst lr;
	_ =	strace $0xD0000000  }
0x3: {  	_ = 	snop  }
0x4: {  	_ = 	snop  }
0x5: {  	_ = 	snop  }
0x6: {  	_ = 	snop  }
0x7: {  	_ = 	snop  }
__scs_overlays_trampoline_lowered:
0x8: {  	[smem:$0x3FA7] =	sst s0  }
0x9: {  	[smem:$0x3FA8] =	sst s1  }
0xa: {  	[smem:$0x3FA9] =	sst s2  }
0xb: {  	[smem:$0x3FAA] =	sst s3  }
0xc: {  	[smem:$0x3FAB] =	sst s4  }
0xd: {  	[smem:$0x3FAC] =	sst s5  }
0xe: {  	[smem:$0x3FAD] =	sst s6  }
0xf: {  	[smem:$0x3FAE] =	sst s7  }
0x10: {  	[smem:$0x3FAF] =	sst s8  }
0x11: {  	[smem:$0x3FB0] =	sst s9;
	s0 =	simm.s32 @!p0 $0x0  }
0x12: {  	s1 =	sld [smem:$0x3F96];
	s0 =	simm.s32 @p0 $0x1  }
0x13: {  	[smem:$0x3FB1] =	sst s0;
	s0 =	simm.s32 @!p1 $0x0  }
0x14: {  	s2 =	sld [smem:$0x3F95];
	s0 =	simm.s32 @p1 $0x1  }
0x15: {  	[smem:$0x3FB2] =	sst s0;
	s0 =	simm.s32 @!p2 $0x0  }
0x16: {  	s3 =	sld [smem:$0x3FDB];
	s0 =	simm.s32 @p2 $0x1  }
0x17: {  	s4 =	simm.s32 $0x1BF5;
	[smem:$0x3FB4] =	sst s0  }
0x18: {  	s0 =	sld [smem:$0x3F97];
	_ =	swait.ge [sflag:s4], $0x0  }
0x19: {  	s7 =	sld [smem:$0x3F98]  }
0x1a: {  	s8 =	sadd.s32 $0xFFFFE003, lr  }
0x1b: {  	s9 =	sadd.s32 $0xFFFFFEF7, lr;
	s5 =	simm.s32 $0xFFFFFFFF;
	p2 =	slt.u32 s8, $0xFFFFF086  }
0x1c: {  	p1 =	slt.u32 s9, $0xF7A;
	s5 =	simm.s32 @!p2 $0x0  }
0x1d: {  	s5 =	simm.s32 @p1 $0x1;
	p0 =	seq.s32 s7, s2  }
0x1e: {  	s7 =	smul.u32 @!p0 $0xF7A, s2;
	p2 =	seq.s32 @!p0 s5, $0x0  }
0x1f: {  	s9 =	smul.u32 $0xF7A, s1;
	s8 =	simm.s32 @!p0 $0x1BF5;
	p2 =	por !p2, p0  }
0x20: {  	[sflag:s8] =	ssyncset.s32 @!p0 $0xFFFFF086;
	s6 =	sadd.s32 @!p0 s3, s7;
	s7 =	simm.s32 @!p0 $0x108  }
0x21: {  	s3 =	sadd.s32 s3, s9;
	s6 =	sadd.s32 @!p0 $0x88, s6;
	s7 =	simm.s32 @p2 $0x1082  }
0x22: {  	[simem:s7], [sflag:s8] =	dma.local @!p0 [hbm:s6], $0xF7A  }
0x23: {  	s9 =	sor.u32 $0xD0000000, s2;
	s6 =	simm.s32 $0x108;
	_ =	swait.ge @!p0 [sflag:s8], $0x0  }
0x24: {  	s3 =	sadd.s32 $0x88, s3;
	s6 =	simm.s32 @!p1 $0x1082;
	[sflag:s4] =	ssyncset.s32 $0xFFFFF086  }
0x25: {  	[simem:s6], [sflag:s4] =	dma.local [hbm:s3], $0xF7A  }
0x26: {  	[smem:$0x3F98] =	sst s1;
	(tag) =	ssettag s2;
	_ =	strace s9  }
0x27: {  	s1 =	sld [smem:$0x3FA8]  }
0x28: {  	s2 =	sld [smem:$0x3FA9]  }
0x29: {  	s4 =	sld [smem:$0x3FAB]  }
0x2a: {  	p0 =	seq.s32 s5, $0x0;
	s5 =	sld [smem:$0x3FAC]  }
0x2b: {  	s6 =	sld [smem:$0x3FAD]  }
0x2c: {  	s7 =	sld [smem:$0x3FAE]  }
0x2d: {  	s3 =	simm.s32 $0x108;
	s8 =	sld [smem:$0x3FAF]  }
0x2e: {  	s3 =	simm.s32 @!p0 $0x1082;
	s9 =	sld [smem:$0x3FB0]  }
0x2f: {  	lr =	sadd.s32 s0, s3;
	s0 =	sld [smem:$0x3FA7]  }
0x30: {  	s3 =	sld [smem:$0x3FAA]  }
0x31: {  	[smem:$0x3FB3] =	sst s10  }
0x32: {  	s10 =	sld [smem:$0x3FB1];
	_ =	sdelay $0x3  }
0x33: {  	p0 =	seq.s32 s10, $0x1;
	s10 =	sld [smem:$0x3FB3];
	_ =	sdelay $0x3  }
0x34: {  	[smem:$0x3FB3] =	sst s10  }
0x35: {  	s10 =	sld [smem:$0x3FB2];
	_ =	sdelay $0x3  }
0x36: {  	p1 =	seq.s32 s10, $0x1;
	s10 =	sld [smem:$0x3FB3];
	_ =	sdelay $0x3  }
0x37: {  	[smem:$0x3FB3] =	sst s10  }
0x38: {  	s10 =	sld [smem:$0x3FB4]  }
0x39: {  	_ = 	snop;
	(pc) =	sbr.ind lr, $3  }
0x3a: {  	_ = 	snop  }
0x3b: {  	_ = 	snop  }
0x3c: {  	p2 =	seq.s32 s10, $0x1;
	s10 =	sld [smem:$0x3FB3]  }
0x3d: {  	_ =	shalt  }
0x3e: {  	_ =	shalt  }
0x3f: {  	_ =	shalt  }
0x40: {  	_ =	shalt  }
0x41: {  	_ =	shalt  }
0x42: {  	_ =	shalt  }
0x43: {  	_ =	shalt  }
0x44: {  	_ =	shalt  }
0x45: {  	_ =	shalt  }
0x46: {  	_ =	shalt  }
0x47: {  	_ =	shalt  }
0x48: {  	_ =	shalt  }
0x49: {  	_ =	shalt  }
0x4a: {  	_ =	shalt  }
0x4b: {  	_ =	shalt  }
0x4c: {  	_ =	shalt  }
0x4d: {  	_ =	shalt  }
0x4e: {  	_ =	shalt  }
0x4f: {  	_ =	shalt  }
0x50: {  	_ =	shalt  }
0x51: {  	_ =	shalt  }
0x52: {  	_ =	shalt  }
0x53: {  	_ =	shalt  }
0x54: {  	_ =	shalt  }
0x55: {  	_ =	shalt  }
0x56: {  	_ =	shalt  }
0x57: {  	_ =	shalt  }
0x58: {  	_ =	shalt  }
0x59: {  	_ =	shalt  }
0x5a: {  	_ =	shalt  }
0x5b: {  	_ =	shalt  }
0x5c: {  	_ =	shalt  }
0x5d: {  	_ =	shalt  }
0x5e: {  	_ =	shalt  }
0x5f: {  	_ =	shalt  }
0x60: {  	_ =	shalt  }
0x61: {  	_ =	shalt  }
0x62: {  	_ =	shalt  }
0x63: {  	_ =	shalt  }
0x64: {  	_ =	shalt  }
0x65: {  	_ =	shalt  }
0x66: {  	_ =	shalt  }
0x67: {  	_ =	shalt  }
0x68: {  	_ =	shalt  }
0x69: {  	_ =	shalt  }
0x6a: {  	_ =	shalt  }
0x6b: {  	_ =	shalt  }
0x6c: {  	_ =	shalt  }
0x6d: {  	_ =	shalt  }
0x6e: {  	_ =	shalt  }
0x6f: {  	_ =	shalt  }
0x70: {  	_ =	shalt  }
0x71: {  	_ =	shalt  }
0x72: {  	_ =	shalt  }
0x73: {  	_ =	shalt  }
0x74: {  	_ =	shalt  }
0x75: {  	_ =	shalt  }
0x76: {  	_ =	shalt  }
0x77: {  	_ =	shalt  }
0x78: {  	_ =	shalt  }
0x79: {  	_ =	shalt  }
0x7a: {  	_ =	shalt  }
0x7b: {  	_ =	shalt  }
0x7c: {  	_ =	shalt  }
0x7d: {  	_ =	shalt  }
0x7e: {  	_ =	shalt  }
0x7f: {  	_ =	shalt  }
0x80: {  	_ =	shalt  }
0x81: {  	_ =	shalt  }
0x82: {  	_ =	shalt  }
0x83: {  	_ =	shalt  }
0x84: {  	_ =	shalt  }
0x85: {  	_ =	shalt  }
0x86: {  	_ =	shalt  }
0x87: {  	_ =	shalt  }
.Lfunc_end0:
.L_simem_size_0:
called_computation.1_lowered:
.L_overlay_start_0:
0x88: {  	s2 =	sld [smem:$0x3FD9]  }
0x89: {  	s3 =	sld [smem:$0x3FFE];
	_ =	sdelay $0x1  }
0x8a: {  	s1 =	srdreg.scid  }
0x8b: {  	s0 =	sand.u32 $0x1, s1  }
0x8c: {  	s17 =	sshll.u32 s0, $0xA;
	s2 =	sadd.s32 s3, s2  }
0x8d: {  	s2 =	sadd.s32 s2, s17  }
0x8e: {  	[smem:$0x3FBF] =	sst s2  }
0x8f: {  	_ = 	snop  }
0x90: {  	s18 =	sld [smem:$0x3FD0];
	(tm) =	ssettm $0x1  }
0x91: {  	s19 =	sld [smem:$0x3FFB];
	_ =	sdelay $0x3  }
0x92: {  	_ =	strace s19  }
0x93: {  	s2 =	sld [smem:$0x3FFC];
	_ =	sdelay $0x3  }
0x94: {  	_ =	strace s2  }
0x95: {  	s2 =	sld [smem:$0x3FFD];
	_ =	sdelay $0x3  }
0x96: {  	_ =	strace s2  }
0x97: {  	_ =	strace $0x8FFFFFFF  }
0x98: {  	s20 =	sld [smem:$0x3FDB];
	_ =	sdelay $0x1  }
0x99: {  	s4 =	simm.s32 $_scs_section_size  }
0x9a: {  	s5 =	simm.s32 $_size__tile_overlayer_lowered;
	s6 =	simm.s32 $_tile_overlayer_lowered  }
0x9b: {  	s7 =	simm.s32 $0x1BFF;
	s21 =	sshll.u32 s6, $0x1;
	s4 =	sadd.s32 s4, s20  }
0x9c: {  	s22 =	simm.s32 $0x0;
	s5 =	sshll.u32 s5, $0x1;
	s6 =	sadd.s32 s21, s4  }
0x9d: {  	[timem:s22], [sflag:s7] =	dma.local [hbm:s6], s5  }
0x9e: {  	_ =	swait.ge [sflag:s7], s5  }
0x9f: {  	s5 =	ssub.s32 $0x0, s5;
	[sflag:s7] =	ssyncset.done $0x0  }
0xa0: {  	[sflag:s7] =	ssyncadd.s32 s5;
	_ =	sdelay $0x1  }
0xa1: {  	s23 =	simm.s32 $0x1B8B  }
0xa2: {  	_ =	swait.ge [sflag:s23], $0x1  }
0xa3: {  	[sflag:s23] =	ssyncset.done $0x0  }
0xa4: {  	[sflag:s23] =	ssyncadd.s32 $0xFFFFFFFF  }
0xa5: {  	s5 =	sld [smem:$0x0]  }
0xa6: {  	s6 =	sand.u32 $0xFFFFFFFE, s1  }
0xa7: {  	p0 =	sne.s32 s1, s6  }
0xa8: {  	s6 =	sshll.u32 @p0 s6, $0xE  }
0xa9: {  	s6 =	sadd.s32 @p0 $0x11B8D, s6;
	s7 =	sshll.u32 @p0 s5, $0x11  }
0xaa: {  	s6 =	sor.u32 @p0 s7, s6  }
0xab: {  	[sflag:s6] =	ssyncadd.remote.s32 @p0 $0x1;
	_ =	sdelay $0x1  }
0xac: {  	s6 =	simm.s32 @p0 $0x1B8D  }
0xad: {  	_ =	swait.eq @p0 [sflag:s6], $0x1  }
0xae: {  	[sflag:s6] =	ssyncadd.s32 @p0 $0xFFFFFFFF  }
0xaf: {  	s7 =	sshll.u32 @!p0 s1, $0xE  }
0xb0: {  	s7 =	sor.u32 @!p0 $0x4000, s7;
	s6 =	simm.s32 @!p0 $0x1B8D  }
0xb1: {  	s5 =	sshll.u32 @!p0 s5, $0x11;
	s7 =	sadd.s32 @!p0 $0x11B8D, s7;
	_ =	swait.eq @!p0 [sflag:s6], $0x1  }
0xb2: {  	s5 =	sor.u32 @!p0 s5, s7;
	[sflag:s6] =	ssyncadd.s32 @!p0 $0xFFFFFFFF  }
0xb3: {  	s25 =	simm.s32 $0x1B8E;
	s24 =	sld [smem:$0x3FFE];
	[sflag:s5] =	ssyncadd.remote.s32 @!p0 $0x1  }
0xb4: {  	s26 =	simm.s32 $execute0_lowered;
	[smem:$0x3FD2] =	sst s25  }
0xb5: {  	s6 =	sshll.u32 s26, $0x1;
	_ =	strace $0x80000049;
	[dreg:$0x1] =	wrdreg $0xFFFFFFFF  }
0xb6: {  	s28 =	simm.s32 $_size_execute0_lowered;
	s4 =	sadd.s32 s4, s6;
	[dreg:$0x0] =	wrdreg $0x0  }
0xb7: {  	s6 =	sshll.u32 s28, $0x1;
	[dreg:$0x2] =	wrdreg s4  }
0xb8: {  	[dreg:$0x3] =	wrdreg s6  }
0xb9: {  	[dreg:$0x4] =	wrdreg $0xC0  }
0xba: {  	_ =	task [dreg:s22], $0x5FFFF  }
0xbb: {  	[dreg:$0x1] =	wrdreg $0xFFFFFFFF  }
0xbc: {  	[dreg:$0x0] =	wrdreg $0x60  }
0xbd: {  	[dreg:$0x2] =	wrdreg s18  }
0xbe: {  	[dreg:$0x3] =	wrdreg s24  }
0xbf: {  	[dreg:$0x4] =	wrdreg $0x81800  }
0xc0: {  	[dreg:$0x5] =	wrdreg $0xA  }
0xc1: {  	_ =	task.clear_ibuf [dreg:s22], $0x6FFFF;
	_ =	strace $0x90000049  }
0xc2: {  	s29 =	simm.s32 $0xA;
	_ =	strace $0x8000004B  }
0xc3: {  	_ =	swait.ge [sflag:s29], $0x1  }
0xc4: {  	[sflag:s29] =	ssyncadd.s32 $0xFFFFFFFF  }
0xc5: {  	_ =	strace $0x9000004B  }
0xc6: {  	_ =	sfence  }
0xc7: {  	s30 =	sld [smem:$0x0];
	_ =	sdelay $0x2  }
0xc8: {  	s31 =	sshll.u32 s1, $0xD;
	s1 =	sshrl.u32 s1, $0x2  }
0xc9: {  	s4 =	sand.u32 $0x4000, s31;
	s1 =	sadd.s32 s1, s30  }
0xca: {  	s0 =	sor.u32 s4, s0;
	s1 =	sshll.u32 s1, $0x11  }
0xcb: {  	s0 =	sor.u32 s1, s0  }
0xcc: {  	s0 =	sadd.s32 $0x8F2B, s0  }
0xcd: {  	[sflag:s0] =	ssyncadd.remote.s32 $0x1  }
0xce: {  	_ =	sfence.sel $0xFFFF  }
0xcf: {  	[dreg:$0x0] =	wrdreg $0xFFFFFFFF;
	(pc) =	sbr.abs _section_cstart, $3  }
0xd0: {  	[dreg:$0x1] =	wrdreg $0xFFFFFFFF  }
0xd1: {  	_ =	task.clear_ibuf [dreg:s22], $0x2FFFF;
	_ =	strace $0x9FFFFFFF  }
0xd2: {  	(tm) =	ssettm $0x7FFFFFFF  }
0xd3: {  	_ =	shalt  }
tec
execute0_lowered:
.L_overlay_start_1:
0x0: {  	(tag) =	ssettag $0x1  }
0x1: {  	s15 =	rddreg [dreg:$0x0]  }
0x2: {  	s4 =	rddreg [dreg:$0x1]  }
0x3: {  	s1 =	rddreg [dreg:$0x2];
	s3 =	srdreg.scid  }
0x4: {  	s0 =	rddreg [dreg:$0x3];
	s2 =	simm.s32 $0x0;
	s21 =	simm.s32 $0x4180  }
0x5: {  	s22 =	simm.s32 $0x0;
	s5 =	sand.u32 $0x1, s3;
	[smem:$0x7FF] =	sst s2  }
0x6: {  	s3 =	stileid.u32;
	s13 =	sadd.s32 $0x82200, s4;
	s16 =	smul.u32 $0x5000, s5  }
0x7: {  	_ =	strace $0x8000004A;
	s6 =	ssub.s32 $0x2, s5;
	s18 =	smul.u32 $0x13C000, s5  }
0x8: {  	s8 =	sshll.u32 s3, $0xE;
	s31 =	smul.u32 $0x500, s3;
	p0 =	seq.s32 s3, $0xF  }
0x9: {  	s30 =	sshrl.u32 s6, $0x1;
	s9 =	sor.u32 $0x40000, s8;
	s11 =	sor.u32 $0x80000, s8  }
0xa: {  	s12 =	sor.u32 $0xC0000, s8;
	s19 =	sor.u32 $0x100000, s8;
	s17 =	sadd.s32 s16, s4  }
0xb: {  	s14 =	ssub.s32 s6, s30;
	s4 =	sadd.s32 s8, s1;
	s5 =	sadd.s32 s9, s1  }
0xc: {  	s6 =	sadd.s32 s11, s1;
	s7 =	sadd.s32 s12, s1;
	s10 =	sadd.s32 s8, s18  }
0xd: {  	s9 =	sadd.s32 s18, s9;
	s8 =	sadd.s32 s19, s1;
	s11 =	sadd.s32 s18, s11  }
0xe: {  	s12 =	sadd.s32 s18, s12;
	s18 =	sadd.s32 s18, s19;
	s16 =	sadd.s32 s16, s15  }
0xf: {  	s19 =	simm.s32 $0x80;
	s10 =	sshrl.u32 s10, $0x3;
	s20 =	sshrl.u32 s9, $0x3  }
0x10: {  	s11 =	sshrl.u32 s11, $0x3;
	s12 =	sshrl.u32 s12, $0x3;
	s18 =	sshrl.u32 s18, $0x3  }
0x11: {  	s14 =	smax.u32 s14, $0x1;
	s17 =	sadd.s32 s31, s17;
	s16 =	sadd.s32 s31, s16  }
0x12: {  	s9 =	sadd.s32 s13, s10;
	s10 =	sadd.s32 s13, s20;
	s11 =	sadd.s32 s13, s11  }
0x13: {  	s12 =	sadd.s32 s13, s12;
	s13 =	sadd.s32 s13, s18;
	s15 =	sadd.s32 $0x1A00, s17  }
0x14: {  	v0 =	vimm.f32 $0.0e+00;
	v1 =	vimm.f32 $1.000000000e+00;
	s17 =	simm.s32 $0x180;
	s18 =	simm.s32 $0x1;
	s20 =	simm.s32 $0x100  }
.LBB2_1:
0x15: {  	s23 =	simm.s32 $0x0;
	s24 =	simm.s32 $0x200  }
.LBB2_2:
0x16: {  	p1 =	sne.s32 s24, $0xFE00;
	[tilespmem:s23+$0x1F0] =	vst v0  }
0x17: {  	[tilespmem:s23+$0x180] =	vst v0  }
0x18: {  	[tilespmem:s23+$0x190] =	vst v0  }
.Ltmp0:
0x19: {  	[tilespmem:s23+$0x1A0] =	vst v0;
	(pc) =	sbr.rel @p1 .LBB2_2-.Ltmp0, $4  }
0x1a: {  	[tilespmem:s23+$0x1B0] =	vst v0  }
0x1b: {  	[tilespmem:s23+$0x1C0] =	vst v0  }
0x1c: {  	[tilespmem:s23+$0x1D0] =	vst v0  }
0x1d: {  	[tilespmem:s23+$0x1E0] =	vst v0;
	s23 =	sshra.s32 s24, $0x2;
	s24 =	sadd.s32 $0x200, s24  }
0x1e: {  	[tilespmem:s23+$0x1F0] =	vst v0  }
0x1f: {  	[tilespmem:s23+$0x180] =	vst v0  }
0x20: {  	[tilespmem:s23+$0x190] =	vst v0  }
0x21: {  	[tilespmem:s23+$0x1A0] =	vst v0  }
0x22: {  	[tilespmem:s23+$0x1B0] =	vst v0  }
0x23: {  	[tilespmem:s23+$0x1C0] =	vst v0  }
0x24: {  	[tilespmem:s23+$0x1D0] =	vst v0  }
0x25: {  	[tilespmem:s23+$0x1E0] =	vst v0;
	s23 =	simm.s32 $0x0;
	s24 =	simm.s32 $0x200  }
.LBB2_4:
0x26: {  	p1 =	sne.s32 s24, $0xFE00;
	[tilespmem:s23+$0x41F0] =	vst v0  }
0x27: {  	[tilespmem:s23+$0x4180] =	vst v0  }
0x28: {  	[tilespmem:s23+$0x4190] =	vst v0  }
.Ltmp1:
0x29: {  	[tilespmem:s23+$0x41A0] =	vst v0;
	(pc) =	sbr.rel @p1 .LBB2_4-.Ltmp1, $4  }
0x2a: {  	[tilespmem:s23+$0x41B0] =	vst v0  }
0x2b: {  	[tilespmem:s23+$0x41C0] =	vst v0  }
0x2c: {  	[tilespmem:s23+$0x41D0] =	vst v0  }
0x2d: {  	[tilespmem:s23+$0x41E0] =	vst v0;
	s23 =	sshra.s32 s24, $0x2;
	s24 =	sadd.s32 $0x200, s24  }
0x2e: {  	[tilespmem:s23+$0x41F0] =	vst v0  }
0x2f: {  	[tilespmem:s23+$0x4180] =	vst v0  }
0x30: {  	[tilespmem:s23+$0x4190] =	vst v0  }
0x31: {  	[tilespmem:s23+$0x41A0] =	vst v0  }
0x32: {  	[tilespmem:s23+$0x41B0] =	vst v0  }
0x33: {  	[tilespmem:s23+$0x41C0] =	vst v0  }
0x34: {  	[tilespmem:s23+$0x41D0] =	vst v0  }
0x35: {  	[tilespmem:s23+$0x41E0] =	vst v0  }
0x36: {  	[spmem:s4] =	stream.linear.scatter [tilespmem:s17], [sflag:$0x1], $0x4000, $0x38;
	[tilespmem:$0x1BD80] =	vst v63  }
0x37: {  	_ =	swait.ge [sflag:s18], $0x4000  }
0x38: {  	[sflag:s18] =	ssyncset.done $0x0  }
0x39: {  	[sflag:s18] =	ssyncadd.s32 $0xFFFFC000  }
0x3a: {  	[spmem:s5] =	stream.linear.scatter [tilespmem:s17], [sflag:$0x1], $0x4000, $0x38;
	[tilespmem:$0x1BD80] =	vst v63  }
0x3b: {  	_ =	swait.ge [sflag:s18], $0x4000  }
0x3c: {  	[sflag:s18] =	ssyncset.done $0x0  }
0x3d: {  	[sflag:s18] =	ssyncadd.s32 $0xFFFFC000  }
0x3e: {  	[spmem:s6] =	stream.linear.scatter [tilespmem:s17], [sflag:$0x1], $0x4000, $0x38;
	[tilespmem:$0x1BD80] =	vst v63  }
0x3f: {  	_ =	swait.ge [sflag:s18], $0x4000  }
0x40: {  	[sflag:s18] =	ssyncset.done $0x0  }
0x41: {  	[sflag:s18] =	ssyncadd.s32 $0xFFFFC000  }
0x42: {  	[spmem:s7] =	stream.linear.scatter [tilespmem:s17], [sflag:$0x1], $0x4000, $0x38;
	[tilespmem:$0x1BD80] =	vst v63  }
0x43: {  	_ =	swait.ge [sflag:s18], $0x4000  }
0x44: {  	[sflag:s18] =	ssyncset.done $0x0  }
0x45: {  	s23 =	simm.s32 @!p0 $0x180;
	[sflag:s18] =	ssyncadd.s32 $0xFFFFC000  }
0x46: {  	[spmem:s8] =	stream.linear.scatter @!p0 [tilespmem:s23], [sflag:$0x1], $0x4000, $0x38;
	[tilespmem:$0x1BD80] =	vst v63  }
0x47: {  	s23 =	simm.s32 @!p0 $0x1  }
0x48: {  	_ =	swait.ge @!p0 [sflag:s23], $0x4000  }
0x49: {  	[sflag:s23] =	ssyncset.done @!p0 $0x0  }
0x4a: {  	s24 =	simm.s32 $0x0;
	[sflag:s23] =	ssyncadd.s32 @!p0 $0xFFFFC000;
	s23 =	simm.s32 $0x200  }
.LBB2_6:
0x4b: {  	p1 =	sne.s32 s23, $0xFE00;
	[tilespmem:s24+$0x180] =	vst v1;
	s25 =	smov.u32 s23;
	s23 =	sadd.s32 $0x200, s23  }
.Ltmp2:
0x4c: {  	[tilespmem:s24+$0x4190] =	vst v1;
	(pc) =	sbr.rel @p1 .LBB2_6-.Ltmp2, $2  }
0x4d: {  	_ =	sdelay $0x2  }
0x4e: {  	s24 =	sshra.s32 s25, $0x2  }
0x4f: {  	[tilespmem:s24+$0x180] =	vst v1  }
0x50: {  	[tilespmem:s24+$0x4190] =	vst v1  }
0x51: {  	s23 =	sadd.s32 $0x0, s16;
	[bflag:$0x0] =	sbarrier.arrive $0xFFFF  }
0x52: {  	[tilespmem:s2], [sflag:$0x1] =	stream.linear.gather [hbm4b:s23+s2], $0x80, $0x38;
	[tilespmem:$0x1BD80] =	vst v63  }
0x53: {  	_ =	swait.ge [sflag:s18], $0x80  }
0x54: {  	[sflag:s18] =	ssyncset.done $0x0  }
0x55: {  	s31 =	sadd.s32 $0x0, s15;
	[sflag:s18] =	ssyncadd.s32 $0xFFFFFF80  }
0x56: {  	[tilespmem:s19], [sflag:$0x1] =	stream.linear.gather [hbm4b:s31+s2], $0x80, $0x38;
	[tilespmem:$0x1BD80] =	vst v63  }
0x57: {  	_ =	swait.ge [sflag:s18], $0x80  }
0x58: {  	[sflag:s18] =	ssyncset.done $0x0  }
0x59: {  	[sflag:s18] =	ssyncadd.s32 $0xFFFFFF80  }
0x5a: {  	v2 =	vld [tilespmem:$0xE0]  }
0x5b: {  	v4 =	vld [tilespmem:$0xD0]  }
0x5c: {  	v8 =	vld [tilespmem:$0xB0]  }
0x5d: {  	v5 =	vld [tilespmem:$0xA0]  }
0x5e: {  	v7 =	vld [tilespmem:$0x30]  }
0x5f: {  	v3 =	vld [tilespmem:$0x50]  }
0x60: {  	v13 =	vld [tilespmem:$0x20]  }
0x61: {  	v12 =	vld [tilespmem:$0xC0]  }
0x62: {  	v6 =	vld [tilespmem:$0x0]  }
0x63: {  	v10 =	vld [tilespmem:$0x40]  }
0x64: {  	v11 =	vld [tilespmem:$0x80]  }
0x65: {  	v9 =	vld [tilespmem:$0x60];
	vm0 =	veq.s32 v13, v5  }
0x66: {  	s23 =	simm.s32 $0x10;
	v5 =	vld [tilespmem:$0x90];
	v13 =	vsel vm0, $0x2710, v13  }
.LBB2_8:
0x67: {  	p1 =	sne.s32 s23, $0x4F0;
	v14 =	vld [tilespmem:$0xF0];
	s24 =	smov.u32 s23;
	s23 =	sadd.s32 $0x10, s23  }
0x68: {  	vm0 =	veq.s32 v7, v8;
	[tilespmem:$0x120] =	vst v13;
	vm1 =	veq.s32 v10, v12;
	v8 =	vld [tilespmem:$0x70]  }
0x69: {  	v7 =	vsel vm0, $0x2710, v7;
	vm0 =	veq.s32 v3, v4;
	vm2 =	veq.s32 v6, v11;
	v11 =	vld [tilespmem:$0x10]  }
0x6a: {  	v4 =	vsel vm2, $0x2710, v6;
	[tilespmem:$0x130] =	vst v7;
	v6 =	vsel vm1, $0x2710, v10;
	vm1 =	veq.s32 v9, v2  }
0x6b: {  	v2 =	vsel vm0, $0x2710, v3;
	[tilespmem:$0x140] =	vst v6;
	v3 =	vsel vm1, $0x2710, v9  }
0x6c: {  	[tilespmem:$0x150] =	vst v2  }
0x6d: {  	[tilespmem:$0x160] =	vst v3;
	vm0 =	veq.s32 v8, v14  }
0x6e: {  	[tilespmem:$0x100] =	vst v4;
	vm1 =	veq.s32 v11, v5;
	v2 =	vsel vm0, $0x2710, v8  }
0x6f: {  	v3 =	vsel vm1, $0x2710, v11;
	[tilespmem:$0x170] =	vst v2  }
0x70: {  	[tilespmem:$0x110] =	vst v3  }
0x71: {  	[spmem:s1] =	stream.indirect.scatter.add.f32 [tilespmem:s17], [sflag:$0x1], $0x80, s19, s19, $0xb8;
	[tilespmem:$0x1BD80] =	vst v63  }
0x72: {  	_ =	swait.ge [sflag:s18], $0x4000  }
0x73: {  	[sflag:s18] =	ssyncset.done $0x0  }
0x74: {  	[sflag:s18] =	ssyncadd.s32 $0xFFFFC000  }
0x75: {  	[spmem:s1] =	stream.indirect.scatter.add.f32 [tilespmem:s21], [sflag:$0x1], $0x80, s20, s19, $0xb8;
	[tilespmem:$0x1BD80] =	vst v63  }
0x76: {  	s25 =	sadd.s32 s24, s16;
	_ =	swait.ge [sflag:s18], $0x4000  }
0x77: {  	[sflag:s18] =	ssyncset.done $0x0  }
0x78: {  	[sflag:s18] =	ssyncadd.s32 $0xFFFFC000  }
0x79: {  	[tilespmem:s2], [sflag:$0x1] =	stream.linear.gather [hbm4b:s25+s2], $0x80, $0x38;
	[tilespmem:$0x1BD80] =	vst v63  }
0x7a: {  	_ =	swait.ge [sflag:s18], $0x80  }
0x7b: {  	[sflag:s18] =	ssyncset.done $0x0  }
0x7c: {  	s24 =	sadd.s32 s24, s15;
	[sflag:s18] =	ssyncadd.s32 $0xFFFFFF80  }
0x7d: {  	[tilespmem:s19], [sflag:$0x1] =	stream.linear.gather [hbm4b:s24+s2], $0x80, $0x38;
	[tilespmem:$0x1BD80] =	vst v63  }
0x7e: {  	_ =	swait.ge [sflag:s18], $0x80  }
0x7f: {  	[sflag:s18] =	ssyncset.done $0x0  }
0x80: {  	[sflag:s18] =	ssyncadd.s32 $0xFFFFFF80  }
0x81: {  	v2 =	vld [tilespmem:$0xE0]  }
0x82: {  	v4 =	vld [tilespmem:$0xD0]  }
0x83: {  	v8 =	vld [tilespmem:$0xB0]  }
0x84: {  	v5 =	vld [tilespmem:$0xA0]  }
0x85: {  	v7 =	vld [tilespmem:$0x30]  }
0x86: {  	v3 =	vld [tilespmem:$0x50]  }
0x87: {  	v13 =	vld [tilespmem:$0x20]  }
0x88: {  	v12 =	vld [tilespmem:$0xC0]  }
.Ltmp3:
0x89: {  	v6 =	vld [tilespmem:$0x0];
	(pc) =	sbr.rel @p1 .LBB2_8-.Ltmp3, $4  }
0x8a: {  	v10 =	vld [tilespmem:$0x40]  }
0x8b: {  	v11 =	vld [tilespmem:$0x80]  }
0x8c: {  	vm0 =	veq.s32 v13, v5;
	v9 =	vld [tilespmem:$0x60]  }
0x8d: {  	v5 =	vld [tilespmem:$0x90];
	v13 =	vsel vm0, $0x2710, v13  }
0x8e: {  	v14 =	vld [tilespmem:$0xF0]  }
0x8f: {  	vm0 =	veq.s32 v7, v8;
	v61 =	vld [tilespmem:$0x70]  }
0x90: {  	[tilespmem:$0x120] =	vst v13;
	v62 =	vld [tilespmem:$0x10];
	vm1 =	veq.s32 v10, v12;
	v7 =	vsel vm0, $0x2710, v7  }
0x91: {  	vm11 =	veq.s32 v3, v4;
	[tilespmem:$0x130] =	vst v7;
	v63 =	vsel vm1, $0x2710, v10  }
0x92: {  	vm12 =	veq.s32 v9, v2;
	[tilespmem:$0x140] =	vst v63;
	v2 =	vsel vm11, $0x2710, v3  }
0x93: {  	vm13 =	veq.s32 v6, v11;
	v3 =	vsel vm12, $0x2710, v9;
	[tilespmem:$0x150] =	vst v2  }
0x94: {  	v2 =	vsel vm13, $0x2710, v6;
	[tilespmem:$0x160] =	vst v3;
	vm14 =	veq.s32 v61, v14  }
0x95: {  	[tilespmem:$0x100] =	vst v2;
	vm15 =	veq.s32 v62, v5;
	v2 =	vsel vm14, $0x2710, v61  }
0x96: {  	v3 =	vsel vm15, $0x2710, v62;
	[tilespmem:$0x170] =	vst v2  }
0x97: {  	[tilespmem:$0x110] =	vst v3  }
0x98: {  	[spmem:s1] =	stream.indirect.scatter.add.f32 [tilespmem:s17], [sflag:$0x1], $0x80, s19, s19, $0xb8;
	[tilespmem:$0x1BD80] =	vst v63  }
0x99: {  	_ =	swait.ge [sflag:s18], $0x4000  }
0x9a: {  	[sflag:s18] =	ssyncset.done $0x0  }
0x9b: {  	[sflag:s18] =	ssyncadd.s32 $0xFFFFC000  }
0x9c: {  	[spmem:s1] =	stream.indirect.scatter.add.f32 [tilespmem:s21], [sflag:$0x1], $0x80, s20, s19, $0xb8;
	[tilespmem:$0x1BD80] =	vst v63  }
0x9d: {  	_ =	swait.ge [sflag:s18], $0x4000  }
0x9e: {  	[sflag:s18] =	ssyncset.done $0x0  }
0x9f: {  	s23 =	sshll.u32 s3, $0x6;
	[sflag:s18] =	ssyncadd.s32 $0xFFFFC000  }
0xa0: {  	s24 =	sshrl.u32 s4, $0x3;
	s23 =	sor.u32 $0x1C01, s23;
	[bflag:$0x0] =	sbarrier.arrive $0xFFFF  }
0xa1: {  	[hbm:s9], [sflag:s23] =	dma.local [spmem:s24], $0x800  }
0xa2: {  	_ =	swait.ge [sflag:s18], $0x800  }
0xa3: {  	[sflag:s18] =	ssyncset.done $0x0  }
0xa4: {  	s29 =	sshrl.u32 s5, $0x3;
	[sflag:s18] =	ssyncadd.s32 $0xFFFFF800  }
0xa5: {  	[hbm:s10], [sflag:s23] =	dma.local [spmem:s29], $0x800  }
0xa6: {  	_ =	swait.ge [sflag:s18], $0x800  }
0xa7: {  	[sflag:s18] =	ssyncset.done $0x0  }
0xa8: {  	s30 =	sshrl.u32 s6, $0x3;
	[sflag:s18] =	ssyncadd.s32 $0xFFFFF800  }
0xa9: {  	[hbm:s11], [sflag:s23] =	dma.local [spmem:s30], $0x800  }
0xaa: {  	_ =	swait.ge [sflag:s18], $0x800  }
0xab: {  	[sflag:s18] =	ssyncset.done $0x0  }
0xac: {  	s31 =	sshrl.u32 s7, $0x3;
	[sflag:s18] =	ssyncadd.s32 $0xFFFFF800  }
0xad: {  	[hbm:s12], [sflag:s23] =	dma.local [spmem:s31], $0x800  }
0xae: {  	_ =	swait.ge [sflag:s18], $0x800  }
0xaf: {  	s22 =	sadd.s32 $0x1, s22;
	[sflag:s18] =	ssyncset.done $0x0  }
0xb0: {  	p1 =	sne.s32 s22, s14;
	s24 =	sshrl.u32 @!p0 s8, $0x3;
	[sflag:s18] =	ssyncadd.s32 $0xFFFFF800  }
0xb1: {  	[hbm:s13], [sflag:s23] =	dma.local @!p0 [spmem:s24], $0x800  }
.Ltmp4:
0xb2: {  	_ = 	snop;
	(pc) =	sbr.rel @p1 .LBB2_1-.Ltmp4, $4  }
0xb3: {  	s23 =	simm.s32 @!p0 $0x1  }
0xb4: {  	_ =	swait.ge @!p0 [sflag:s23], $0x800  }
0xb5: {  	[sflag:s23] =	ssyncset.done @!p0 $0x0  }
0xb6: {  	[sflag:s23] =	ssyncadd.s32 @!p0 $0xFFFFF800  }
0xb7: {  	_ =	sfence.sel $0x180000  }
0xb8: {  	[bflag:$0x0] =	sbarrier.arrive $0xFFFF  }
0xb9: {  	p0 =	sne.s32 s3, $0x0;
	_ =	strace $0x9000004A  }
0xba: {  	s0 =	sadd.s32 @!p0 $0x100000, s0;
	[bflag:$0x2] =	sbarrier.arrive $0xFFFF  }
0xbb: {  	[sflag:s0] =	ssyncadd.tile.s32 @!p0 $0x1;
	_ =	shalt  }
.Lfunc_end2:
_tile_overlayer_lowered:
.L_overlay_start_2:
0xbc: {  	(tag) =	ssettag $0x2  }
0xbd: {  	s0 =	rddreg [dreg:$0x0];
	s2 =	stileid.u32  }
0xbe: {  	s1 =	rddreg [dreg:$0x1];
	p0 =	sne.s32 s2, $0x0  }
0xbf: {  	s3 =	rddreg [dreg:$0x2];
	[bflag:$0x3] =	sbarrier.arrive $0xFFFF;
	s2 =	simm.s32 @!p0 $0x1C01  }
0xc0: {  	[timem:s3], [sflag:s2] =	dma.local @!p0 [hbm:s0], s1  }
0xc1: {  	s0 =	simm.s32 @!p0 $0x1  }
0xc2: {  	_ =	swait.ge @!p0 [sflag:s0], s1  }
0xc3: {  	s1 =	ssub.s32 @!p0 $0x0, s1;
	[sflag:s0] =	ssyncset.done @!p0 $0x0  }
0xc4: {  	[sflag:s0] =	ssyncadd.s32 @!p0 s1  }
0xc5: {  	[bflag:$0x3] =	sbarrier.arrive $0xFFFF  }
0xc6: {  	_ =	shalt  }

// kernel: kernel.13.cloned.1.call-start
scs
__scs_entry_jumppad:
0x0: {  	(pc) =	sbr.rel $0x88, $3  }
0x1: {  	(tag) =	ssettag $0x0;
	lr =	simm.s32 $0x1  }
0x2: {  	[smem:$0x3F98] =	sst lr;
	_ =	strace $0xD0000000  }
0x3: {  	_ = 	snop  }
0x4: {  	_ = 	snop  }
0x5: {  	_ = 	snop  }
0x6: {  	_ = 	snop  }
0x7: {  	_ = 	snop  }
__scs_overlays_trampoline_lowered:
0x8: {  	[smem:$0x3FA7] =	sst s0  }
0x9: {  	[smem:$0x3FA8] =	sst s1  }
0xa: {  	[smem:$0x3FA9] =	sst s2  }
0xb: {  	[smem:$0x3FAA] =	sst s3  }
0xc: {  	[smem:$0x3FAB] =	sst s4  }
0xd: {  	[smem:$0x3FAC] =	sst s5  }
0xe: {  	[smem:$0x3FAD] =	sst s6  }
0xf: {  	[smem:$0x3FAE] =	sst s7  }
0x10: {  	[smem:$0x3FAF] =	sst s8  }
0x11: {  	[smem:$0x3FB0] =	sst s9;
	s0 =	simm.s32 @!p0 $0x0  }
0x12: {  	s1 =	sld [smem:$0x3F96];
	s0 =	simm.s32 @p0 $0x1  }
0x13: {  	[smem:$0x3FB1] =	sst s0;
	s0 =	simm.s32 @!p1 $0x0  }
0x14: {  	s2 =	sld [smem:$0x3F95];
	s0 =	simm.s32 @p1 $0x1  }
0x15: {  	[smem:$0x3FB2] =	sst s0;
	s0 =	simm.s32 @!p2 $0x0  }
0x16: {  	s3 =	sld [smem:$0x3FDB];
	s0 =	simm.s32 @p2 $0x1  }
0x17: {  	s4 =	simm.s32 $0x1BF5;
	[smem:$0x3FB4] =	sst s0  }
0x18: {  	s0 =	sld [smem:$0x3F97];
	_ =	swait.ge [sflag:s4], $0x0  }
0x19: {  	s7 =	sld [smem:$0x3F98]  }
0x1a: {  	s8 =	sadd.s32 $0xFFFFE003, lr  }
0x1b: {  	s9 =	sadd.s32 $0xFFFFFEF7, lr;
	s5 =	simm.s32 $0xFFFFFFFF;
	p2 =	slt.u32 s8, $0xFFFFF086  }
0x1c: {  	p1 =	slt.u32 s9, $0xF7A;
	s5 =	simm.s32 @!p2 $0x0  }
0x1d: {  	s5 =	simm.s32 @p1 $0x1;
	p0 =	seq.s32 s7, s2  }
0x1e: {  	s7 =	smul.u32 @!p0 $0xF7A, s2;
	p2 =	seq.s32 @!p0 s5, $0x0  }
0x1f: {  	s9 =	smul.u32 $0xF7A, s1;
	s8 =	simm.s32 @!p0 $0x1BF5;
	p2 =	por !p2, p0  }
0x20: {  	[sflag:s8] =	ssyncset.s32 @!p0 $0xFFFFF086;
	s6 =	sadd.s32 @!p0 s3, s7;
	s7 =	simm.s32 @!p0 $0x108  }
0x21: {  	s3 =	sadd.s32 s3, s9;
	s6 =	sadd.s32 @!p0 $0x88, s6;
	s7 =	simm.s32 @p2 $0x1082  }
0x22: {  	[simem:s7], [sflag:s8] =	dma.local @!p0 [hbm:s6], $0xF7A  }
0x23: {  	s9 =	sor.u32 $0xD0000000, s2;
	s6 =	simm.s32 $0x108;
	_ =	swait.ge @!p0 [sflag:s8], $0x0  }
0x24: {  	s3 =	sadd.s32 $0x88, s3;
	s6 =	simm.s32 @!p1 $0x1082;
	[sflag:s4] =	ssyncset.s32 $0xFFFFF086  }
0x25: {  	[simem:s6], [sflag:s4] =	dma.local [hbm:s3], $0xF7A  }
0x26: {  	[smem:$0x3F98] =	sst s1;
	(tag) =	ssettag s2;
	_ =	strace s9  }
0x27: {  	s1 =	sld [smem:$0x3FA8]  }
0x28: {  	s2 =	sld [smem:$0x3FA9]  }
0x29: {  	s4 =	sld [smem:$0x3FAB]  }
0x2a: {  	p0 =	seq.s32 s5, $0x0;
	s5 =	sld [smem:$0x3FAC]  }
0x2b: {  	s6 =	sld [smem:$0x3FAD]  }
0x2c: {  	s7 =	sld [smem:$0x3FAE]  }
0x2d: {  	s3 =	simm.s32 $0x108;
	s8 =	sld [smem:$0x3FAF]  }
0x2e: {  	s3 =	simm.s32 @!p0 $0x1082;
	s9 =	sld [smem:$0x3FB0]  }
0x2f: {  	lr =	sadd.s32 s0, s3;
	s0 =	sld [smem:$0x3FA7]  }
0x30: {  	s3 =	sld [smem:$0x3FAA]  }
0x31: {  	[smem:$0x3FB3] =	sst s10  }
0x32: {  	s10 =	sld [smem:$0x3FB1];
	_ =	sdelay $0x3  }
0x33: {  	p0 =	seq.s32 s10, $0x1;
	s10 =	sld [smem:$0x3FB3];
	_ =	sdelay $0x3  }
0x34: {  	[smem:$0x3FB3] =	sst s10  }
0x35: {  	s10 =	sld [smem:$0x3FB2];
	_ =	sdelay $0x3  }
0x36: {  	p1 =	seq.s32 s10, $0x1;
	s10 =	sld [smem:$0x3FB3];
	_ =	sdelay $0x3  }
0x37: {  	[smem:$0x3FB3] =	sst s10  }
0x38: {  	s10 =	sld [smem:$0x3FB4]  }
0x39: {  	_ = 	snop;
	(pc) =	sbr.ind lr, $3  }
0x3a: {  	_ = 	snop  }
0x3b: {  	_ = 	snop  }
0x3c: {  	p2 =	seq.s32 s10, $0x1;
	s10 =	sld [smem:$0x3FB3]  }
0x3d: {  	_ =	shalt  }
0x3e: {  	_ =	shalt  }
0x3f: {  	_ =	shalt  }
0x40: {  	_ =	shalt  }
0x41: {  	_ =	shalt  }
0x42: {  	_ =	shalt  }
0x43: {  	_ =	shalt  }
0x44: {  	_ =	shalt  }
0x45: {  	_ =	shalt  }
0x46: {  	_ =	shalt  }
0x47: {  	_ =	shalt  }
0x48: {  	_ =	shalt  }
0x49: {  	_ =	shalt  }
0x4a: {  	_ =	shalt  }
0x4b: {  	_ =	shalt  }
0x4c: {  	_ =	shalt  }
0x4d: {  	_ =	shalt  }
0x4e: {  	_ =	shalt  }
0x4f: {  	_ =	shalt  }
0x50: {  	_ =	shalt  }
0x51: {  	_ =	shalt  }
0x52: {  	_ =	shalt  }
0x53: {  	_ =	shalt  }
0x54: {  	_ =	shalt  }
0x55: {  	_ =	shalt  }
0x56: {  	_ =	shalt  }
0x57: {  	_ =	shalt  }
0x58: {  	_ =	shalt  }
0x59: {  	_ =	shalt  }
0x5a: {  	_ =	shalt  }
0x5b: {  	_ =	shalt  }
0x5c: {  	_ =	shalt  }
0x5d: {  	_ =	shalt  }
0x5e: {  	_ =	shalt  }
0x5f: {  	_ =	shalt  }
0x60: {  	_ =	shalt  }
0x61: {  	_ =	shalt  }
0x62: {  	_ =	shalt  }
0x63: {  	_ =	shalt  }
0x64: {  	_ =	shalt  }
0x65: {  	_ =	shalt  }
0x66: {  	_ =	shalt  }
0x67: {  	_ =	shalt  }
0x68: {  	_ =	shalt  }
0x69: {  	_ =	shalt  }
0x6a: {  	_ =	shalt  }
0x6b: {  	_ =	shalt  }
0x6c: {  	_ =	shalt  }
0x6d: {  	_ =	shalt  }
0x6e: {  	_ =	shalt  }
0x6f: {  	_ =	shalt  }
0x70: {  	_ =	shalt  }
0x71: {  	_ =	shalt  }
0x72: {  	_ =	shalt  }
0x73: {  	_ =	shalt  }
0x74: {  	_ =	shalt  }
0x75: {  	_ =	shalt  }
0x76: {  	_ =	shalt  }
0x77: {  	_ =	shalt  }
0x78: {  	_ =	shalt  }
0x79: {  	_ =	shalt  }
0x7a: {  	_ =	shalt  }
0x7b: {  	_ =	shalt  }
0x7c: {  	_ =	shalt  }
0x7d: {  	_ =	shalt  }
0x7e: {  	_ =	shalt  }
0x7f: {  	_ =	shalt  }
0x80: {  	_ =	shalt  }
0x81: {  	_ =	shalt  }
0x82: {  	_ =	shalt  }
0x83: {  	_ =	shalt  }
0x84: {  	_ =	shalt  }
0x85: {  	_ =	shalt  }
0x86: {  	_ =	shalt  }
0x87: {  	_ =	shalt  }
.Lfunc_end0:
.L_simem_size_0:
called_computation.2_lowered:
.L_overlay_start_0:
0x88: {  	s2 =	sld [smem:$0x3FD9]  }
0x89: {  	s3 =	sld [smem:$0x3FFE];
	_ =	sdelay $0x1  }
0x8a: {  	s1 =	srdreg.scid  }
0x8b: {  	s0 =	sand.u32 $0x1, s1  }
0x8c: {  	s17 =	sshll.u32 s0, $0xA;
	s2 =	sadd.s32 s3, s2  }
0x8d: {  	s2 =	sadd.s32 s2, s17  }
0x8e: {  	[smem:$0x3FBF] =	sst s2  }
0x8f: {  	_ = 	snop  }
0x90: {  	s2 =	sld [smem:$0x3FD0];
	(tm) =	ssettm $0x1  }
0x91: {  	s18 =	sld [smem:$0x3FFB];
	_ =	sdelay $0x3  }
0x92: {  	_ =	strace s18  }
0x93: {  	s3 =	sld [smem:$0x3FFC];
	_ =	sdelay $0x3  }
0x94: {  	_ =	strace s3  }
0x95: {  	s3 =	sld [smem:$0x3FFD];
	_ =	sdelay $0x3  }
0x96: {  	_ =	strace s3  }
0x97: {  	_ =	strace $0x8FFFFFFF  }
0x98: {  	s19 =	sld [smem:$0x3FDB];
	_ =	sdelay $0x1  }
0x99: {  	s4 =	simm.s32 $_scs_section_size  }
0x9a: {  	s5 =	simm.s32 $_size__tile_overlayer_lowered;
	s6 =	simm.s32 $_tile_overlayer_lowered  }
0x9b: {  	s22 =	simm.s32 $0x1BFF;
	s21 =	sshll.u32 s6, $0x1;
	s3 =	sadd.s32 s4, s19  }
0x9c: {  	s7 =	simm.s32 $0x0;
	s20 =	sshll.u32 s5, $0x1;
	s5 =	sadd.s32 s21, s3  }
0x9d: {  	[timem:s7], [sflag:s22] =	dma.local [hbm:s5], s20  }
0x9e: {  	_ =	swait.ge [sflag:s22], s20  }
0x9f: {  	s4 =	ssub.s32 $0x0, s20;
	[sflag:s22] =	ssyncset.done $0x0  }
0xa0: {  	[sflag:s22] =	ssyncadd.s32 s4;
	_ =	sdelay $0x1  }
0xa1: {  	s23 =	simm.s32 $0x1B8B  }
0xa2: {  	_ =	swait.ge [sflag:s23], $0x1  }
0xa3: {  	[sflag:s23] =	ssyncset.done $0x0  }
0xa4: {  	s25 =	simm.s32 $0x1B8E;
	s24 =	sld [smem:$0x3FFE];
	[sflag:s23] =	ssyncadd.s32 $0xFFFFFFFF  }
0xa5: {  	s26 =	simm.s32 $execute0_lowered;
	[smem:$0x3FD2] =	sst s25  }
0xa6: {  	s5 =	sshll.u32 s26, $0x1;
	_ =	strace $0x8000004C;
	[dreg:$0x1] =	wrdreg $0xFFFFFFFF  }
0xa7: {  	s28 =	simm.s32 $_size_execute0_lowered;
	s3 =	sadd.s32 s3, s5;
	[dreg:$0x0] =	wrdreg $0x0  }
0xa8: {  	s5 =	sshll.u32 s28, $0x1;
	[dreg:$0x2] =	wrdreg s3  }
0xa9: {  	[dreg:$0x3] =	wrdreg s5  }
0xaa: {  	[dreg:$0x4] =	wrdreg $0xC0  }
0xab: {  	_ =	task [dreg:s7], $0x5FFFF  }
0xac: {  	[dreg:$0x1] =	wrdreg $0xFFFFFFFF  }
0xad: {  	[dreg:$0x0] =	wrdreg $0x60  }
0xae: {  	[dreg:$0x2] =	wrdreg s24  }
0xaf: {  	[dreg:$0x3] =	wrdreg s2  }
0xb0: {  	[dreg:$0x4] =	wrdreg $0x41000  }
0xb1: {  	[dreg:$0x5] =	wrdreg $0x9  }
0xb2: {  	_ =	task.clear_ibuf [dreg:s7], $0x6FFFF;
	_ =	strace $0x9000004C  }
0xb3: {  	s29 =	simm.s32 $0x9;
	_ =	strace $0x8000004E  }
0xb4: {  	_ =	swait.ge [sflag:s29], $0x1  }
0xb5: {  	[sflag:s29] =	ssyncadd.s32 $0xFFFFFFFF  }
0xb6: {  	_ =	strace $0x9000004E  }
0xb7: {  	_ =	sfence  }
0xb8: {  	s30 =	sld [smem:$0x0];
	_ =	sdelay $0x2  }
0xb9: {  	s31 =	sshll.u32 s1, $0xD;
	s1 =	sshrl.u32 s1, $0x2  }
0xba: {  	s3 =	sand.u32 $0x4000, s31;
	s1 =	sadd.s32 s1, s30  }
0xbb: {  	s0 =	sor.u32 s3, s0;
	s1 =	sshll.u32 s1, $0x11  }
0xbc: {  	s0 =	sor.u32 s1, s0  }
0xbd: {  	s0 =	sadd.s32 $0x8F2B, s0  }
0xbe: {  	[sflag:s0] =	ssyncadd.remote.s32 $0x1  }
0xbf: {  	_ =	sfence.sel $0xFFFF  }
0xc0: {  	[dreg:$0x0] =	wrdreg $0xFFFFFFFF;
	(pc) =	sbr.abs _section_cstart, $3  }
0xc1: {  	[dreg:$0x1] =	wrdreg $0xFFFFFFFF  }
0xc2: {  	_ =	task.clear_ibuf [dreg:s7], $0x2FFFF;
	_ =	strace $0x9FFFFFFF  }
0xc3: {  	(tm) =	ssettm $0x7FFFFFFF  }
tec
execute0_lowered:
.L_overlay_start_1:
0x0: {  	(tag) =	ssettag $0x1  }
0x1: {  	s5 =	rddreg [dreg:$0x0]  }
0x2: {  	s15 =	rddreg [dreg:$0x1]  }
0x3: {  	s1 =	rddreg [dreg:$0x2]  }
0x4: {  	s0 =	rddreg [dreg:$0x3]  }
0x5: {  	s2 =	simm.s32 $0x0;
	s3 =	srdreg.scid;
	s22 =	simm.s32 $0x0  }
0x6: {  	[smem:$0x7FF] =	sst s2;
	s6 =	sand.u32 $0x1, s3;
	s4 =	sadd.s32 $0xBA00, s5  }
0x7: {  	s3 =	stileid.u32;
	s14 =	sadd.s32 $0x33200, s5;
	s16 =	smul.u32 $0x5000, s6  }
0x8: {  	_ =	strace $0x8000004D;
	s7 =	ssub.s32 $0x2, s6;
	s12 =	smul.u32 $0x13C000, s6  }
0x9: {  	s9 =	sshll.u32 s3, $0xE;
	s30 =	smul.u32 $0x500, s3;
	p0 =	seq.s32 s3, $0xF  }
0xa: {  	s8 =	sshrl.u32 s7, $0x1;
	s10 =	sor.u32 $0x40000, s9;
	s11 =	sor.u32 $0x80000, s9  }
0xb: {  	s13 =	sor.u32 $0xC0000, s9;
	s19 =	sor.u32 $0x100000, s9;
	s17 =	sadd.s32 s16, s5  }
0xc: {  	s18 =	ssub.s32 s7, s8;
	s5 =	sadd.s32 s9, s1;
	s6 =	sadd.s32 s10, s1  }
0xd: {  	s7 =	sadd.s32 s11, s1;
	s8 =	sadd.s32 s13, s1;
	s20 =	sadd.s32 s9, s12  }
0xe: {  	s9 =	sadd.s32 s19, s1;
	s21 =	sadd.s32 s12, s10;
	s28 =	sadd.s32 s12, s11  }
0xf: {  	s13 =	sadd.s32 s12, s13;
	s19 =	sadd.s32 s12, s19;
	s31 =	sadd.s32 s16, s15  }
0x10: {  	s20 =	sshrl.u32 s20, $0x3;
	s26 =	sshrl.u32 s21, $0x3;
	s29 =	sshrl.u32 s28, $0x3  }
0x11: {  	s13 =	sshrl.u32 s13, $0x3;
	s19 =	sshrl.u32 s19, $0x3;
	s17 =	sadd.s32 s30, s17  }
0x12: {  	s15 =	smax.u32 s18, $0x1;
	s18 =	simm.s32 $0x100;
	s21 =	simm.s32 $0x1  }
0x13: {  	s10 =	sadd.s32 s14, s20;
	s11 =	sadd.s32 s14, s26;
	s12 =	sadd.s32 s14, s29  }
0x14: {  	s13 =	sadd.s32 s14, s13;
	s14 =	sadd.s32 s14, s19;
	s16 =	sadd.s32 $0x1A00, s17  }
0x15: {  	v0 =	vimm.f32 $0.0e+00;
	s17 =	sadd.s32 s30, s31;
	s19 =	simm.s32 $0x2;
	s20 =	simm.s32 $0x80  }
.LBB2_1:
0x16: {  	s23 =	simm.s32 $0x0;
	s24 =	simm.s32 $0x200  }
.LBB2_2:
0x17: {  	p1 =	sne.s32 s24, $0xFE00;
	[tilespmem:s23+$0x170] =	vst v0  }
0x18: {  	[tilespmem:s23+$0x100] =	vst v0  }
0x19: {  	[tilespmem:s23+$0x110] =	vst v0  }
.Ltmp0:
0x1a: {  	[tilespmem:s23+$0x120] =	vst v0;
	(pc) =	sbr.rel @p1 .LBB2_2-.Ltmp0, $4  }
0x1b: {  	[tilespmem:s23+$0x130] =	vst v0  }
0x1c: {  	[tilespmem:s23+$0x140] =	vst v0  }
0x1d: {  	[tilespmem:s23+$0x150] =	vst v0  }
0x1e: {  	[tilespmem:s23+$0x160] =	vst v0;
	s23 =	sshra.s32 s24, $0x2;
	s24 =	sadd.s32 $0x200, s24  }
0x1f: {  	[tilespmem:s23+$0x170] =	vst v0  }
0x20: {  	[tilespmem:s23+$0x100] =	vst v0  }
0x21: {  	[tilespmem:s23+$0x110] =	vst v0  }
0x22: {  	[tilespmem:s23+$0x120] =	vst v0  }
0x23: {  	[tilespmem:s23+$0x130] =	vst v0  }
0x24: {  	[tilespmem:s23+$0x140] =	vst v0  }
0x25: {  	[tilespmem:s23+$0x150] =	vst v0  }
0x26: {  	[tilespmem:s23+$0x160] =	vst v0  }
0x27: {  	[spmem:s5] =	stream.linear.scatter [tilespmem:s18], [sflag:$0x2], $0x4000, $0x38;
	[tilespmem:$0x17D00] =	vst v63  }
0x28: {  	_ =	swait.ge [sflag:s19], $0x4000  }
0x29: {  	[sflag:s19] =	ssyncset.done $0x0  }
0x2a: {  	[sflag:s19] =	ssyncadd.s32 $0xFFFFC000  }
0x2b: {  	[spmem:s6] =	stream.linear.scatter [tilespmem:s18], [sflag:$0x2], $0x4000, $0x38;
	[tilespmem:$0x17D00] =	vst v63  }
0x2c: {  	_ =	swait.ge [sflag:s19], $0x4000  }
0x2d: {  	[sflag:s19] =	ssyncset.done $0x0  }
0x2e: {  	[sflag:s19] =	ssyncadd.s32 $0xFFFFC000  }
0x2f: {  	[spmem:s7] =	stream.linear.scatter [tilespmem:s18], [sflag:$0x2], $0x4000, $0x38;
	[tilespmem:$0x17D00] =	vst v63  }
0x30: {  	_ =	swait.ge [sflag:s19], $0x4000  }
0x31: {  	[sflag:s19] =	ssyncset.done $0x0  }
0x32: {  	[sflag:s19] =	ssyncadd.s32 $0xFFFFC000  }
0x33: {  	[spmem:s8] =	stream.linear.scatter [tilespmem:s18], [sflag:$0x2], $0x4000, $0x38;
	[tilespmem:$0x17D00] =	vst v63  }
0x34: {  	_ =	swait.ge [sflag:s19], $0x4000  }
0x35: {  	[sflag:s19] =	ssyncset.done $0x0  }
0x36: {  	s23 =	simm.s32 @!p0 $0x100;
	[sflag:s19] =	ssyncadd.s32 $0xFFFFC000  }
0x37: {  	[spmem:s9] =	stream.linear.scatter @!p0 [tilespmem:s23], [sflag:$0x2], $0x4000, $0x38;
	[tilespmem:$0x17D00] =	vst v63  }
0x38: {  	s23 =	simm.s32 @!p0 $0x2  }
0x39: {  	_ =	swait.ge @!p0 [sflag:s23], $0x4000  }
0x3a: {  	[sflag:s23] =	ssyncset.done @!p0 $0x0  }
0x3b: {  	[sflag:s23] =	ssyncadd.s32 @!p0 $0xFFFFC000  }
0x3c: {  	s30 =	sadd.s32 $0x0, s17;
	[bflag:$0x0] =	sbarrier.arrive $0xFFFF  }
0x3d: {  	[tilespmem:s2], [sflag:$0x2] =	stream.linear.gather [hbm4b:s30+s2], $0x80, $0x38;
	[tilespmem:$0x17D00] =	vst v63  }
0x3e: {  	_ =	swait.ge [sflag:s19], $0x80  }
0x3f: {  	[sflag:s19] =	ssyncset.done $0x0  }
0x40: {  	s31 =	sadd.s32 $0x0, s16;
	[sflag:s19] =	ssyncadd.s32 $0xFFFFFF80  }
0x41: {  	[tilespmem:s20], [sflag:$0x2] =	stream.linear.gather [hbm4b:s31+s2], $0x80, $0x38;
	[tilespmem:$0x17D00] =	vst v63  }
0x42: {  	_ =	swait.ge [sflag:s19], $0x80  }
0x43: {  	[sflag:s19] =	ssyncset.done $0x0  }
0x44: {  	[sflag:s19] =	ssyncadd.s32 $0xFFFFFF80  }
0x45: {  	v1 =	vld [tilespmem:$0xE0]  }
0x46: {  	v3 =	vld [tilespmem:$0xD0]  }
0x47: {  	v7 =	vld [tilespmem:$0xB0]  }
0x48: {  	v4 =	vld [tilespmem:$0xA0]  }
0x49: {  	v6 =	vld [tilespmem:$0x30]  }
0x4a: {  	v2 =	vld [tilespmem:$0x50]  }
0x4b: {  	v12 =	vld [tilespmem:$0x20]  }
0x4c: {  	v11 =	vld [tilespmem:$0xC0]  }
0x4d: {  	v5 =	vld [tilespmem:$0x0]  }
0x4e: {  	v9 =	vld [tilespmem:$0x40]  }
0x4f: {  	v10 =	vld [tilespmem:$0x80]  }
0x50: {  	v8 =	vld [tilespmem:$0x60];
	vm0 =	veq.s32 v12, v4  }
0x51: {  	s23 =	simm.s32 $0x10;
	v4 =	vld [tilespmem:$0x90];
	v12 =	vsel vm0, $0x2710, v12  }
.LBB2_4:
0x52: {  	p1 =	sne.s32 s23, $0x4F0;
	v13 =	vld [tilespmem:$0xF0];
	s24 =	smov.u32 s23;
	s23 =	sadd.s32 $0x10, s23  }
0x53: {  	vm0 =	veq.s32 v6, v7;
	[tilespmem:$0x20] =	vst v12;
	vm1 =	veq.s32 v9, v11;
	v7 =	vld [tilespmem:$0x70]  }
0x54: {  	v6 =	vsel vm0, $0x2710, v6;
	vm0 =	veq.s32 v2, v3;
	vm2 =	veq.s32 v5, v10;
	v10 =	vld [tilespmem:$0x10]  }
0x55: {  	v3 =	vsel vm2, $0x2710, v5;
	[tilespmem:$0x30] =	vst v6;
	v5 =	vsel vm1, $0x2710, v9;
	vm1 =	veq.s32 v8, v1  }
0x56: {  	v1 =	vsel vm0, $0x2710, v2;
	[tilespmem:$0x40] =	vst v5;
	v2 =	vsel vm1, $0x2710, v8  }
0x57: {  	[tilespmem:$0x50] =	vst v1  }
0x58: {  	[tilespmem:$0x60] =	vst v2;
	vm0 =	veq.s32 v7, v13  }
0x59: {  	[tilespmem:$0x0] =	vst v3;
	vm1 =	veq.s32 v10, v4;
	v1 =	vsel vm0, $0x2710, v7  }
0x5a: {  	v2 =	vsel vm1, $0x2710, v10;
	[tilespmem:$0x70] =	vst v1  }
0x5b: {  	[tilespmem:$0x10] =	vst v2  }
0x5c: {  	[tilespmem:s18], [sflag:$0x1] =	stream.indirect.gather [hbm4b:s4+s20], $0x80, s2, s20, $0xb8;
	[tilespmem:$0x17D00] =	vst v63  }
0x5d: {  	_ =	swait.ge [sflag:s21], $0x4000  }
0x5e: {  	[sflag:s21] =	ssyncset.done $0x0  }
0x5f: {  	[sflag:s21] =	ssyncadd.s32 $0xFFFFC000  }
0x60: {  	[spmem:s1] =	stream.indirect.scatter.add.f32 [tilespmem:s18], [sflag:$0x2], $0x80, s20, s20, $0xb8;
	[tilespmem:$0x17D00] =	vst v63  }
0x61: {  	s25 =	sadd.s32 s24, s17;
	_ =	swait.ge [sflag:s19], $0x4000  }
0x62: {  	[sflag:s19] =	ssyncset.done $0x0  }
0x63: {  	[sflag:s19] =	ssyncadd.s32 $0xFFFFC000  }
0x64: {  	[tilespmem:s2], [sflag:$0x2] =	stream.linear.gather [hbm4b:s25+s2], $0x80, $0x38;
	[tilespmem:$0x17D00] =	vst v63  }
0x65: {  	_ =	swait.ge [sflag:s19], $0x80  }
0x66: {  	[sflag:s19] =	ssyncset.done $0x0  }
0x67: {  	s24 =	sadd.s32 s24, s16;
	[sflag:s19] =	ssyncadd.s32 $0xFFFFFF80  }
0x68: {  	[tilespmem:s20], [sflag:$0x2] =	stream.linear.gather [hbm4b:s24+s2], $0x80, $0x38;
	[tilespmem:$0x17D00] =	vst v63  }
0x69: {  	_ =	swait.ge [sflag:s19], $0x80  }
0x6a: {  	[sflag:s19] =	ssyncset.done $0x0  }
0x6b: {  	[sflag:s19] =	ssyncadd.s32 $0xFFFFFF80  }
0x6c: {  	v1 =	vld [tilespmem:$0xE0]  }
0x6d: {  	v3 =	vld [tilespmem:$0xD0]  }
0x6e: {  	v7 =	vld [tilespmem:$0xB0]  }
0x6f: {  	v4 =	vld [tilespmem:$0xA0]  }
0x70: {  	v6 =	vld [tilespmem:$0x30]  }
0x71: {  	v2 =	vld [tilespmem:$0x50]  }
0x72: {  	v12 =	vld [tilespmem:$0x20]  }
0x73: {  	v11 =	vld [tilespmem:$0xC0]  }
.Ltmp1:
0x74: {  	v5 =	vld [tilespmem:$0x0];
	(pc) =	sbr.rel @p1 .LBB2_4-.Ltmp1, $4  }
0x75: {  	v9 =	vld [tilespmem:$0x40]  }
0x76: {  	v10 =	vld [tilespmem:$0x80]  }
0x77: {  	vm0 =	veq.s32 v12, v4;
	v8 =	vld [tilespmem:$0x60]  }
0x78: {  	v4 =	vld [tilespmem:$0x90];
	v12 =	vsel vm0, $0x2710, v12  }
0x79: {  	v13 =	vld [tilespmem:$0xF0]  }
0x7a: {  	vm0 =	veq.s32 v6, v7;
	v62 =	vld [tilespmem:$0x70]  }
0x7b: {  	[tilespmem:$0x20] =	vst v12;
	v63 =	vld [tilespmem:$0x10];
	vm1 =	veq.s32 v9, v11;
	v6 =	vsel vm0, $0x2710, v6  }
0x7c: {  	vm11 =	veq.s32 v2, v3;
	[tilespmem:$0x30] =	vst v6;
	v3 =	vsel vm1, $0x2710, v9  }
0x7d: {  	vm12 =	veq.s32 v8, v1;
	[tilespmem:$0x40] =	vst v3;
	v1 =	vsel vm11, $0x2710, v2  }
0x7e: {  	vm13 =	veq.s32 v5, v10;
	v2 =	vsel vm12, $0x2710, v8;
	[tilespmem:$0x50] =	vst v1  }
0x7f: {  	v1 =	vsel vm13, $0x2710, v5;
	[tilespmem:$0x60] =	vst v2;
	vm14 =	veq.s32 v62, v13  }
0x80: {  	[tilespmem:$0x0] =	vst v1;
	vm15 =	veq.s32 v63, v4;
	v1 =	vsel vm14, $0x2710, v62  }
0x81: {  	v2 =	vsel vm15, $0x2710, v63;
	[tilespmem:$0x70] =	vst v1  }
0x82: {  	[tilespmem:$0x10] =	vst v2  }
0x83: {  	[tilespmem:s18], [sflag:$0x1] =	stream.indirect.gather [hbm4b:s4+s20], $0x80, s2, s20, $0xb8;
	[tilespmem:$0x17D00] =	vst v63  }
0x84: {  	_ =	swait.ge [sflag:s21], $0x4000  }
0x85: {  	[sflag:s21] =	ssyncset.done $0x0  }
0x86: {  	[sflag:s21] =	ssyncadd.s32 $0xFFFFC000  }
0x87: {  	[spmem:s1] =	stream.indirect.scatter.add.f32 [tilespmem:s18], [sflag:$0x2], $0x80, s20, s20, $0xb8;
	[tilespmem:$0x17D00] =	vst v63  }
0x88: {  	_ =	swait.ge [sflag:s19], $0x4000  }
0x89: {  	[sflag:s19] =	ssyncset.done $0x0  }
0x8a: {  	s23 =	sshll.u32 s3, $0x6;
	[sflag:s19] =	ssyncadd.s32 $0xFFFFC000  }
0x8b: {  	s24 =	sshrl.u32 s5, $0x3;
	s23 =	sor.u32 $0x1C02, s23;
	[bflag:$0x0] =	sbarrier.arrive $0xFFFF  }
0x8c: {  	[hbm:s10], [sflag:s23] =	dma.local [spmem:s24], $0x800  }
0x8d: {  	_ =	swait.ge [sflag:s19], $0x800  }
0x8e: {  	[sflag:s19] =	ssyncset.done $0x0  }
0x8f: {  	s29 =	sshrl.u32 s6, $0x3;
	[sflag:s19] =	ssyncadd.s32 $0xFFFFF800  }
0x90: {  	[hbm:s11], [sflag:s23] =	dma.local [spmem:s29], $0x800  }
0x91: {  	_ =	swait.ge [sflag:s19], $0x800  }
0x92: {  	[sflag:s19] =	ssyncset.done $0x0  }
0x93: {  	s30 =	sshrl.u32 s7, $0x3;
	[sflag:s19] =	ssyncadd.s32 $0xFFFFF800  }
0x94: {  	[hbm:s12], [sflag:s23] =	dma.local [spmem:s30], $0x800  }
0x95: {  	_ =	swait.ge [sflag:s19], $0x800  }
0x96: {  	[sflag:s19] =	ssyncset.done $0x0  }
0x97: {  	s31 =	sshrl.u32 s8, $0x3;
	[sflag:s19] =	ssyncadd.s32 $0xFFFFF800  }
0x98: {  	[hbm:s13], [sflag:s23] =	dma.local [spmem:s31], $0x800  }
0x99: {  	_ =	swait.ge [sflag:s19], $0x800  }
0x9a: {  	s22 =	sadd.s32 $0x1, s22;
	[sflag:s19] =	ssyncset.done $0x0  }
0x9b: {  	p1 =	sne.s32 s22, s15;
	s24 =	sshrl.u32 @!p0 s9, $0x3;
	[sflag:s19] =	ssyncadd.s32 $0xFFFFF800  }
0x9c: {  	[hbm:s14], [sflag:s23] =	dma.local @!p0 [spmem:s24], $0x800  }
.Ltmp2:
0x9d: {  	_ = 	snop;
	(pc) =	sbr.rel @p1 .LBB2_1-.Ltmp2, $4  }
0x9e: {  	s23 =	simm.s32 @!p0 $0x2  }
0x9f: {  	_ =	swait.ge @!p0 [sflag:s23], $0x800  }
0xa0: {  	[sflag:s23] =	ssyncset.done @!p0 $0x0  }
0xa1: {  	[sflag:s23] =	ssyncadd.s32 @!p0 $0xFFFFF800  }
0xa2: {  	_ =	sfence.sel $0x180000  }
0xa3: {  	[bflag:$0x0] =	sbarrier.arrive $0xFFFF  }
0xa4: {  	p0 =	sne.s32 s3, $0x0;
	_ =	strace $0x9000004D  }
0xa5: {  	s0 =	sadd.s32 @!p0 $0x100000, s0;
	[bflag:$0x2] =	sbarrier.arrive $0xFFFF  }
0xa6: {  	[sflag:s0] =	ssyncadd.tile.s32 @!p0 $0x1;
	_ =	shalt  }
.Lfunc_end2:
_tile_overlayer_lowered:
.L_overlay_start_2:
0xa7: {  	(tag) =	ssettag $0x2  }
0xa8: {  	s0 =	rddreg [dreg:$0x0];
	s2 =	stileid.u32  }
0xa9: {  	s1 =	rddreg [dreg:$0x1];
	p0 =	sne.s32 s2, $0x0  }
0xaa: {  	s3 =	rddreg [dreg:$0x2];
	[bflag:$0x3] =	sbarrier.arrive $0xFFFF;
	s2 =	simm.s32 @!p0 $0x1C02  }
0xab: {  	[timem:s3], [sflag:s2] =	dma.local @!p0 [hbm:s0], s1  }
0xac: {  	s0 =	simm.s32 @!p0 $0x2  }
0xad: {  	_ =	swait.ge @!p0 [sflag:s0], s1  }
0xae: {  	s1 =	ssub.s32 @!p0 $0x0, s1;
	[sflag:s0] =	ssyncset.done @!p0 $0x0  }
0xaf: {  	[sflag:s0] =	ssyncadd.s32 @!p0 s1  }
0xb0: {  	[bflag:$0x3] =	sbarrier.arrive $0xFFFF  }
0xb1: {  	_ =	shalt  }

// kernel: kernel.7.cloned.1.call-start
scs
__scs_entry_jumppad:
0x0: {  	(pc) =	sbr.rel $0x88, $3  }
0x1: {  	(tag) =	ssettag $0x0;
	lr =	simm.s32 $0x1  }
0x2: {  	[smem:$0x3F98] =	sst lr;
	_ =	strace $0xD0000000  }
0x3: {  	_ = 	snop  }
0x4: {  	_ = 	snop  }
0x5: {  	_ = 	snop  }
0x6: {  	_ = 	snop  }
0x7: {  	_ = 	snop  }
__scs_overlays_trampoline_lowered:
0x8: {  	[smem:$0x3FA7] =	sst s0  }
0x9: {  	[smem:$0x3FA8] =	sst s1  }
0xa: {  	[smem:$0x3FA9] =	sst s2  }
0xb: {  	[smem:$0x3FAA] =	sst s3  }
0xc: {  	[smem:$0x3FAB] =	sst s4  }
0xd: {  	[smem:$0x3FAC] =	sst s5  }
0xe: {  	[smem:$0x3FAD] =	sst s6  }
0xf: {  	[smem:$0x3FAE] =	sst s7  }
0x10: {  	[smem:$0x3FAF] =	sst s8  }
0x11: {  	[smem:$0x3FB0] =	sst s9;
	s0 =	simm.s32 @!p0 $0x0  }
0x12: {  	s1 =	sld [smem:$0x3F96];
	s0 =	simm.s32 @p0 $0x1  }
0x13: {  	[smem:$0x3FB1] =	sst s0;
	s0 =	simm.s32 @!p1 $0x0  }
0x14: {  	s2 =	sld [smem:$0x3F95];
	s0 =	simm.s32 @p1 $0x1  }
0x15: {  	[smem:$0x3FB2] =	sst s0;
	s0 =	simm.s32 @!p2 $0x0  }
0x16: {  	s3 =	sld [smem:$0x3FDB];
	s0 =	simm.s32 @p2 $0x1  }
0x17: {  	s4 =	simm.s32 $0x1BF5;
	[smem:$0x3FB4] =	sst s0  }
0x18: {  	s0 =	sld [smem:$0x3F97];
	_ =	swait.ge [sflag:s4], $0x0  }
0x19: {  	s7 =	sld [smem:$0x3F98]  }
0x1a: {  	s8 =	sadd.s32 $0xFFFFE003, lr  }
0x1b: {  	s9 =	sadd.s32 $0xFFFFFEF7, lr;
	s5 =	simm.s32 $0xFFFFFFFF;
	p2 =	slt.u32 s8, $0xFFFFF086  }
0x1c: {  	p1 =	slt.u32 s9, $0xF7A;
	s5 =	simm.s32 @!p2 $0x0  }
0x1d: {  	s5 =	simm.s32 @p1 $0x1;
	p0 =	seq.s32 s7, s2  }
0x1e: {  	s7 =	smul.u32 @!p0 $0xF7A, s2;
	p2 =	seq.s32 @!p0 s5, $0x0  }
0x1f: {  	s9 =	smul.u32 $0xF7A, s1;
	s8 =	simm.s32 @!p0 $0x1BF5;
	p2 =	por !p2, p0  }
0x20: {  	[sflag:s8] =	ssyncset.s32 @!p0 $0xFFFFF086;
	s6 =	sadd.s32 @!p0 s3, s7;
	s7 =	simm.s32 @!p0 $0x108  }
0x21: {  	s3 =	sadd.s32 s3, s9;
	s6 =	sadd.s32 @!p0 $0x88, s6;
	s7 =	simm.s32 @p2 $0x1082  }
0x22: {  	[simem:s7], [sflag:s8] =	dma.local @!p0 [hbm:s6], $0xF7A  }
0x23: {  	s9 =	sor.u32 $0xD0000000, s2;
	s6 =	simm.s32 $0x108;
	_ =	swait.ge @!p0 [sflag:s8], $0x0  }
0x24: {  	s3 =	sadd.s32 $0x88, s3;
	s6 =	simm.s32 @!p1 $0x1082;
	[sflag:s4] =	ssyncset.s32 $0xFFFFF086  }
0x25: {  	[simem:s6], [sflag:s4] =	dma.local [hbm:s3], $0xF7A  }
0x26: {  	[smem:$0x3F98] =	sst s1;
	(tag) =	ssettag s2;
	_ =	strace s9  }
0x27: {  	s1 =	sld [smem:$0x3FA8]  }
0x28: {  	s2 =	sld [smem:$0x3FA9]  }
0x29: {  	s4 =	sld [smem:$0x3FAB]  }
0x2a: {  	p0 =	seq.s32 s5, $0x0;
	s5 =	sld [smem:$0x3FAC]  }
0x2b: {  	s6 =	sld [smem:$0x3FAD]  }
0x2c: {  	s7 =	sld [smem:$0x3FAE]  }
0x2d: {  	s3 =	simm.s32 $0x108;
	s8 =	sld [smem:$0x3FAF]  }
0x2e: {  	s3 =	simm.s32 @!p0 $0x1082;
	s9 =	sld [smem:$0x3FB0]  }
0x2f: {  	lr =	sadd.s32 s0, s3;
	s0 =	sld [smem:$0x3FA7]  }
0x30: {  	s3 =	sld [smem:$0x3FAA]  }
0x31: {  	[smem:$0x3FB3] =	sst s10  }
0x32: {  	s10 =	sld [smem:$0x3FB1];
	_ =	sdelay $0x3  }
0x33: {  	p0 =	seq.s32 s10, $0x1;
	s10 =	sld [smem:$0x3FB3];
	_ =	sdelay $0x3  }
0x34: {  	[smem:$0x3FB3] =	sst s10  }
0x35: {  	s10 =	sld [smem:$0x3FB2];
	_ =	sdelay $0x3  }
0x36: {  	p1 =	seq.s32 s10, $0x1;
	s10 =	sld [smem:$0x3FB3];
	_ =	sdelay $0x3  }
0x37: {  	[smem:$0x3FB3] =	sst s10  }
0x38: {  	s10 =	sld [smem:$0x3FB4]  }
0x39: {  	_ = 	snop;
	(pc) =	sbr.ind lr, $3  }
0x3a: {  	_ = 	snop  }
0x3b: {  	_ = 	snop  }
0x3c: {  	p2 =	seq.s32 s10, $0x1;
	s10 =	sld [smem:$0x3FB3]  }
0x3d: {  	_ =	shalt  }
0x3e: {  	_ =	shalt  }
0x3f: {  	_ =	shalt  }
0x40: {  	_ =	shalt  }
0x41: {  	_ =	shalt  }
0x42: {  	_ =	shalt  }
0x43: {  	_ =	shalt  }
0x44: {  	_ =	shalt  }
0x45: {  	_ =	shalt  }
0x46: {  	_ =	shalt  }
0x47: {  	_ =	shalt  }
0x48: {  	_ =	shalt  }
0x49: {  	_ =	shalt  }
0x4a: {  	_ =	shalt  }
0x4b: {  	_ =	shalt  }
0x4c: {  	_ =	shalt  }
0x4d: {  	_ =	shalt  }
0x4e: {  	_ =	shalt  }
0x4f: {  	_ =	shalt  }
0x50: {  	_ =	shalt  }
0x51: {  	_ =	shalt  }
0x52: {  	_ =	shalt  }
0x53: {  	_ =	shalt  }
0x54: {  	_ =	shalt  }
0x55: {  	_ =	shalt  }
0x56: {  	_ =	shalt  }
0x57: {  	_ =	shalt  }
0x58: {  	_ =	shalt  }
0x59: {  	_ =	shalt  }
0x5a: {  	_ =	shalt  }
0x5b: {  	_ =	shalt  }
0x5c: {  	_ =	shalt  }
0x5d: {  	_ =	shalt  }
0x5e: {  	_ =	shalt  }
0x5f: {  	_ =	shalt  }
0x60: {  	_ =	shalt  }
0x61: {  	_ =	shalt  }
0x62: {  	_ =	shalt  }
0x63: {  	_ =	shalt  }
0x64: {  	_ =	shalt  }
0x65: {  	_ =	shalt  }
0x66: {  	_ =	shalt  }
0x67: {  	_ =	shalt  }
0x68: {  	_ =	shalt  }
0x69: {  	_ =	shalt  }
0x6a: {  	_ =	shalt  }
0x6b: {  	_ =	shalt  }
0x6c: {  	_ =	shalt  }
0x6d: {  	_ =	shalt  }
0x6e: {  	_ =	shalt  }
0x6f: {  	_ =	shalt  }
0x70: {  	_ =	shalt  }
0x71: {  	_ =	shalt  }
0x72: {  	_ =	shalt  }
0x73: {  	_ =	shalt  }
0x74: {  	_ =	shalt  }
0x75: {  	_ =	shalt  }
0x76: {  	_ =	shalt  }
0x77: {  	_ =	shalt  }
0x78: {  	_ =	shalt  }
0x79: {  	_ =	shalt  }
0x7a: {  	_ =	shalt  }
0x7b: {  	_ =	shalt  }
0x7c: {  	_ =	shalt  }
0x7d: {  	_ =	shalt  }
0x7e: {  	_ =	shalt  }
0x7f: {  	_ =	shalt  }
0x80: {  	_ =	shalt  }
0x81: {  	_ =	shalt  }
0x82: {  	_ =	shalt  }
0x83: {  	_ =	shalt  }
0x84: {  	_ =	shalt  }
0x85: {  	_ =	shalt  }
0x86: {  	_ =	shalt  }
0x87: {  	_ =	shalt  }
.Lfunc_end0:
.L_simem_size_0:
called_computation_lowered:
.L_overlay_start_0:
0x88: {  	s2 =	sld [smem:$0x3FD9]  }
0x89: {  	s3 =	sld [smem:$0x3FFE];
	_ =	sdelay $0x1  }
0x8a: {  	s1 =	srdreg.scid  }
0x8b: {  	s0 =	sand.u32 $0x1, s1  }
0x8c: {  	s17 =	sshll.u32 s0, $0xA;
	s2 =	sadd.s32 s3, s2  }
0x8d: {  	s2 =	sadd.s32 s2, s17  }
0x8e: {  	[smem:$0x3FBF] =	sst s2  }
0x8f: {  	_ = 	snop  }
0x90: {  	s2 =	sld [smem:$0x3FD0];
	(tm) =	ssettm $0x1  }
0x91: {  	s18 =	sld [smem:$0x3FFB];
	_ =	sdelay $0x3  }
0x92: {  	_ =	strace s18  }
0x93: {  	s3 =	sld [smem:$0x3FFC];
	_ =	sdelay $0x3  }
0x94: {  	_ =	strace s3  }
0x95: {  	s3 =	sld [smem:$0x3FFD];
	_ =	sdelay $0x3  }
0x96: {  	_ =	strace s3  }
0x97: {  	_ =	strace $0x8FFFFFFF  }
0x98: {  	s19 =	sld [smem:$0x3FDB];
	_ =	sdelay $0x1  }
0x99: {  	s4 =	simm.s32 $_scs_section_size  }
0x9a: {  	s5 =	simm.s32 $_size__tile_overlayer_lowered;
	s6 =	simm.s32 $_tile_overlayer_lowered  }
0x9b: {  	s22 =	simm.s32 $0x1BFF;
	s21 =	sshll.u32 s6, $0x1;
	s3 =	sadd.s32 s4, s19  }
0x9c: {  	s7 =	simm.s32 $0x0;
	s20 =	sshll.u32 s5, $0x1;
	s5 =	sadd.s32 s21, s3  }
0x9d: {  	[timem:s7], [sflag:s22] =	dma.local [hbm:s5], s20  }
0x9e: {  	_ =	swait.ge [sflag:s22], s20  }
0x9f: {  	s4 =	ssub.s32 $0x0, s20;
	[sflag:s22] =	ssyncset.done $0x0  }
0xa0: {  	[sflag:s22] =	ssyncadd.s32 s4;
	_ =	sdelay $0x1  }
0xa1: {  	s23 =	simm.s32 $0x1B8B  }
0xa2: {  	_ =	swait.ge [sflag:s23], $0x1  }
0xa3: {  	[sflag:s23] =	ssyncset.done $0x0  }
0xa4: {  	s25 =	simm.s32 $0x1B8E;
	s24 =	sld [smem:$0x3FFE];
	[sflag:s23] =	ssyncadd.s32 $0xFFFFFFFF  }
0xa5: {  	s26 =	simm.s32 $execute0_lowered;
	[smem:$0x3FD2] =	sst s25  }
0xa6: {  	s5 =	sshll.u32 s26, $0x1;
	_ =	strace $0x80000046;
	[dreg:$0x1] =	wrdreg $0xFFFFFFFF  }
0xa7: {  	s28 =	simm.s32 $_size_execute0_lowered;
	s3 =	sadd.s32 s3, s5;
	[dreg:$0x0] =	wrdreg $0x0  }
0xa8: {  	s5 =	sshll.u32 s28, $0x1;
	[dreg:$0x2] =	wrdreg s3  }
0xa9: {  	[dreg:$0x3] =	wrdreg s5  }
0xaa: {  	[dreg:$0x4] =	wrdreg $0xC0  }
0xab: {  	_ =	task [dreg:s7], $0x5FFFF  }
0xac: {  	[dreg:$0x1] =	wrdreg $0xFFFFFFFF  }
0xad: {  	[dreg:$0x0] =	wrdreg $0x60  }
0xae: {  	[dreg:$0x2] =	wrdreg s24  }
0xaf: {  	[dreg:$0x3] =	wrdreg s2  }
0xb0: {  	[dreg:$0x4] =	wrdreg $0x41000  }
0xb1: {  	[dreg:$0x5] =	wrdreg $0x9  }
0xb2: {  	_ =	task.clear_ibuf [dreg:s7], $0x6FFFF;
	_ =	strace $0x90000046  }
0xb3: {  	s29 =	simm.s32 $0x9;
	_ =	strace $0x80000048  }
0xb4: {  	_ =	swait.ge [sflag:s29], $0x1  }
0xb5: {  	[sflag:s29] =	ssyncadd.s32 $0xFFFFFFFF  }
0xb6: {  	_ =	strace $0x90000048  }
0xb7: {  	_ =	sfence  }
0xb8: {  	s30 =	sld [smem:$0x0];
	_ =	sdelay $0x2  }
0xb9: {  	s31 =	sshll.u32 s1, $0xD;
	s1 =	sshrl.u32 s1, $0x2  }
0xba: {  	s3 =	sand.u32 $0x4000, s31;
	s1 =	sadd.s32 s1, s30  }
0xbb: {  	s0 =	sor.u32 s3, s0;
	s1 =	sshll.u32 s1, $0x11  }
0xbc: {  	s0 =	sor.u32 s1, s0  }
0xbd: {  	s0 =	sadd.s32 $0x8F2B, s0  }
0xbe: {  	[sflag:s0] =	ssyncadd.remote.s32 $0x1  }
0xbf: {  	_ =	sfence.sel $0xFFFF  }
0xc0: {  	[dreg:$0x0] =	wrdreg $0xFFFFFFFF;
	(pc) =	sbr.abs _section_cstart, $3  }
0xc1: {  	[dreg:$0x1] =	wrdreg $0xFFFFFFFF  }
0xc2: {  	_ =	task.clear_ibuf [dreg:s7], $0x2FFFF;
	_ =	strace $0x9FFFFFFF  }
0xc3: {  	(tm) =	ssettm $0x7FFFFFFF  }
tec
execute0_lowered:
.L_overlay_start_1:
0x0: {  	(tag) =	ssettag $0x1  }
0x1: {  	s5 =	rddreg [dreg:$0x0]  }
0x2: {  	s15 =	rddreg [dreg:$0x1]  }
0x3: {  	s1 =	rddreg [dreg:$0x2]  }
0x4: {  	s0 =	rddreg [dreg:$0x3]  }
0x5: {  	s2 =	simm.s32 $0x0;
	s3 =	srdreg.scid;
	s22 =	simm.s32 $0x0  }
0x6: {  	[smem:$0x7FF] =	sst s2;
	s6 =	sand.u32 $0x1, s3;
	s4 =	sadd.s32 $0xBA00, s5  }
0x7: {  	s3 =	stileid.u32;
	s14 =	sadd.s32 $0x33200, s5;
	s16 =	smul.u32 $0x5000, s6  }
0x8: {  	_ =	strace $0x80000047;
	s7 =	ssub.s32 $0x2, s6;
	s12 =	smul.u32 $0x13C000, s6  }
0x9: {  	s9 =	sshll.u32 s3, $0xE;
	s30 =	smul.u32 $0x500, s3;
	p0 =	seq.s32 s3, $0xF  }
0xa: {  	s8 =	sshrl.u32 s7, $0x1;
	s10 =	sor.u32 $0x40000, s9;
	s11 =	sor.u32 $0x80000, s9  }
0xb: {  	s13 =	sor.u32 $0xC0000, s9;
	s19 =	sor.u32 $0x100000, s9;
	s17 =	sadd.s32 s16, s5  }
0xc: {  	s18 =	ssub.s32 s7, s8;
	s5 =	sadd.s32 s9, s1;
	s6 =	sadd.s32 s10, s1  }
0xd: {  	s7 =	sadd.s32 s11, s1;
	s8 =	sadd.s32 s13, s1;
	s20 =	sadd.s32 s9, s12  }
0xe: {  	s9 =	sadd.s32 s19, s1;
	s21 =	sadd.s32 s12, s10;
	s28 =	sadd.s32 s12, s11  }
0xf: {  	s13 =	sadd.s32 s12, s13;
	s19 =	sadd.s32 s12, s19;
	s31 =	sadd.s32 s16, s15  }
0x10: {  	s20 =	sshrl.u32 s20, $0x3;
	s26 =	sshrl.u32 s21, $0x3;
	s29 =	sshrl.u32 s28, $0x3  }
0x11: {  	s13 =	sshrl.u32 s13, $0x3;
	s19 =	sshrl.u32 s19, $0x3;
	s17 =	sadd.s32 s30, s17  }
0x12: {  	s15 =	smax.u32 s18, $0x1;
	s18 =	simm.s32 $0x100;
	s21 =	simm.s32 $0x1  }
0x13: {  	s10 =	sadd.s32 s14, s20;
	s11 =	sadd.s32 s14, s26;
	s12 =	sadd.s32 s14, s29  }
0x14: {  	s13 =	sadd.s32 s14, s13;
	s14 =	sadd.s32 s14, s19;
	s16 =	sadd.s32 $0x1A00, s17  }
0x15: {  	v0 =	vimm.f32 $0.0e+00;
	s17 =	sadd.s32 s30, s31;
	s19 =	simm.s32 $0x2;
	s20 =	simm.s32 $0x80  }
.LBB2_1:
0x16: {  	s23 =	simm.s32 $0x0;
	s24 =	simm.s32 $0x200  }
.LBB2_2:
0x17: {  	p1 =	sne.s32 s24, $0xFE00;
	[tilespmem:s23+$0x170] =	vst v0  }
0x18: {  	[tilespmem:s23+$0x100] =	vst v0  }
0x19: {  	[tilespmem:s23+$0x110] =	vst v0  }
.Ltmp0:
0x1a: {  	[tilespmem:s23+$0x120] =	vst v0;
	(pc) =	sbr.rel @p1 .LBB2_2-.Ltmp0, $4  }
0x1b: {  	[tilespmem:s23+$0x130] =	vst v0  }
0x1c: {  	[tilespmem:s23+$0x140] =	vst v0  }
0x1d: {  	[tilespmem:s23+$0x150] =	vst v0  }
0x1e: {  	[tilespmem:s23+$0x160] =	vst v0;
	s23 =	sshra.s32 s24, $0x2;
	s24 =	sadd.s32 $0x200, s24  }
0x1f: {  	[tilespmem:s23+$0x170] =	vst v0  }
0x20: {  	[tilespmem:s23+$0x100] =	vst v0  }
0x21: {  	[tilespmem:s23+$0x110] =	vst v0  }
0x22: {  	[tilespmem:s23+$0x120] =	vst v0  }
0x23: {  	[tilespmem:s23+$0x130] =	vst v0  }
0x24: {  	[tilespmem:s23+$0x140] =	vst v0  }
0x25: {  	[tilespmem:s23+$0x150] =	vst v0  }
0x26: {  	[tilespmem:s23+$0x160] =	vst v0  }
0x27: {  	[spmem:s5] =	stream.linear.scatter [tilespmem:s18], [sflag:$0x2], $0x4000, $0x38;
	[tilespmem:$0x17D00] =	vst v63  }
0x28: {  	_ =	swait.ge [sflag:s19], $0x4000  }
0x29: {  	[sflag:s19] =	ssyncset.done $0x0  }
0x2a: {  	[sflag:s19] =	ssyncadd.s32 $0xFFFFC000  }
0x2b: {  	[spmem:s6] =	stream.linear.scatter [tilespmem:s18], [sflag:$0x2], $0x4000, $0x38;
	[tilespmem:$0x17D00] =	vst v63  }
0x2c: {  	_ =	swait.ge [sflag:s19], $0x4000  }
0x2d: {  	[sflag:s19] =	ssyncset.done $0x0  }
0x2e: {  	[sflag:s19] =	ssyncadd.s32 $0xFFFFC000  }
0x2f: {  	[spmem:s7] =	stream.linear.scatter [tilespmem:s18], [sflag:$0x2], $0x4000, $0x38;
	[tilespmem:$0x17D00] =	vst v63  }
0x30: {  	_ =	swait.ge [sflag:s19], $0x4000  }
0x31: {  	[sflag:s19] =	ssyncset.done $0x0  }
0x32: {  	[sflag:s19] =	ssyncadd.s32 $0xFFFFC000  }
0x33: {  	[spmem:s8] =	stream.linear.scatter [tilespmem:s18], [sflag:$0x2], $0x4000, $0x38;
	[tilespmem:$0x17D00] =	vst v63  }
0x34: {  	_ =	swait.ge [sflag:s19], $0x4000  }
0x35: {  	[sflag:s19] =	ssyncset.done $0x0  }
0x36: {  	s23 =	simm.s32 @!p0 $0x100;
	[sflag:s19] =	ssyncadd.s32 $0xFFFFC000  }
0x37: {  	[spmem:s9] =	stream.linear.scatter @!p0 [tilespmem:s23], [sflag:$0x2], $0x4000, $0x38;
	[tilespmem:$0x17D00] =	vst v63  }
0x38: {  	s23 =	simm.s32 @!p0 $0x2  }
0x39: {  	_ =	swait.ge @!p0 [sflag:s23], $0x4000  }
0x3a: {  	[sflag:s23] =	ssyncset.done @!p0 $0x0  }
0x3b: {  	[sflag:s23] =	ssyncadd.s32 @!p0 $0xFFFFC000  }
0x3c: {  	s30 =	sadd.s32 $0x0, s17;
	[bflag:$0x0] =	sbarrier.arrive $0xFFFF  }
0x3d: {  	[tilespmem:s2], [sflag:$0x2] =	stream.linear.gather [hbm4b:s30+s2], $0x80, $0x38;
	[tilespmem:$0x17D00] =	vst v63  }
0x3e: {  	_ =	swait.ge [sflag:s19], $0x80  }
0x3f: {  	[sflag:s19] =	ssyncset.done $0x0  }
0x40: {  	s31 =	sadd.s32 $0x0, s16;
	[sflag:s19] =	ssyncadd.s32 $0xFFFFFF80  }
0x41: {  	[tilespmem:s20], [sflag:$0x2] =	stream.linear.gather [hbm4b:s31+s2], $0x80, $0x38;
	[tilespmem:$0x17D00] =	vst v63  }
0x42: {  	_ =	swait.ge [sflag:s19], $0x80  }
0x43: {  	[sflag:s19] =	ssyncset.done $0x0  }
0x44: {  	[sflag:s19] =	ssyncadd.s32 $0xFFFFFF80  }
0x45: {  	[tilespmem:s18], [sflag:$0x1] =	stream.indirect.gather [hbm4b:s4+s20], $0x80, s2, s20, $0xb8;
	[tilespmem:$0x17D00] =	vst v63  }
0x46: {  	_ =	swait.ge [sflag:s21], $0x4000  }
0x47: {  	[sflag:s21] =	ssyncset.done $0x0  }
0x48: {  	[sflag:s21] =	ssyncadd.s32 $0xFFFFC000  }
0x49: {  	[spmem:s1] =	stream.indirect.scatter.add.f32 [tilespmem:s18], [sflag:$0x2], $0x80, s20, s20, $0xb8;
	[tilespmem:$0x17D00] =	vst v63  }
0x4a: {  	_ =	swait.ge [sflag:s19], $0x4000  }
0x4b: {  	s24 =	simm.s32 $0x20;
	s23 =	simm.s32 $0x10;
	[sflag:s19] =	ssyncset.done $0x0  }
.LBB2_4:
0x4c: {  	s25 =	sadd.s32 s23, s17  }
0x4d: {  	[sflag:s19] =	ssyncadd.s32 $0xFFFFC000;
	s26 =	smov.u32 s24;
	s28 =	sadd.s32 $0x10, s24  }
0x4e: {  	[tilespmem:s2], [sflag:$0x2] =	stream.linear.gather [hbm4b:s25+s2], $0x80, $0x38;
	[tilespmem:$0x17D00] =	vst v63  }
0x4f: {  	p1 =	sne.s32 s24, $0x4F0;
	_ =	swait.ge [sflag:s19], $0x80  }
0x50: {  	[sflag:s19] =	ssyncset.done $0x0  }
0x51: {  	s24 =	sadd.s32 s23, s16;
	s23 =	smov.u32 s26;
	[sflag:s19] =	ssyncadd.s32 $0xFFFFFF80  }
0x52: {  	[tilespmem:s20], [sflag:$0x2] =	stream.linear.gather [hbm4b:s24+s2], $0x80, $0x38;
	[tilespmem:$0x17D00] =	vst v63  }
0x53: {  	_ =	swait.ge [sflag:s19], $0x80  }
0x54: {  	[sflag:s19] =	ssyncset.done $0x0  }
0x55: {  	[sflag:s19] =	ssyncadd.s32 $0xFFFFFF80  }
0x56: {  	[tilespmem:s18], [sflag:$0x1] =	stream.indirect.gather [hbm4b:s4+s20], $0x80, s2, s20, $0xb8;
	[tilespmem:$0x17D00] =	vst v63  }
0x57: {  	_ =	swait.ge [sflag:s21], $0x4000  }
.Ltmp1:
0x58: {  	[sflag:s21] =	ssyncset.done $0x0;
	(pc) =	sbr.rel @p1 .LBB2_4-.Ltmp1, $4  }
0x59: {  	[sflag:s21] =	ssyncadd.s32 $0xFFFFC000  }
0x5a: {  	[spmem:s1] =	stream.indirect.scatter.add.f32 [tilespmem:s18], [sflag:$0x2], $0x80, s20, s20, $0xb8;
	[tilespmem:$0x17D00] =	vst v63  }
0x5b: {  	_ =	swait.ge [sflag:s19], $0x4000  }
0x5c: {  	s24 =	smov.u32 s28;
	[sflag:s19] =	ssyncset.done $0x0  }
0x5d: {  	s24 =	sadd.s32 s23, s17;
	[sflag:s19] =	ssyncadd.s32 $0xFFFFC000  }
0x5e: {  	[tilespmem:s2], [sflag:$0x2] =	stream.linear.gather [hbm4b:s24+s2], $0x80, $0x38;
	[tilespmem:$0x17D00] =	vst v63  }
0x5f: {  	_ =	swait.ge [sflag:s19], $0x80  }
0x60: {  	[sflag:s19] =	ssyncset.done $0x0  }
0x61: {  	s25 =	sadd.s32 s23, s16;
	[sflag:s19] =	ssyncadd.s32 $0xFFFFFF80  }
0x62: {  	[tilespmem:s20], [sflag:$0x2] =	stream.linear.gather [hbm4b:s25+s2], $0x80, $0x38;
	[tilespmem:$0x17D00] =	vst v63  }
0x63: {  	_ =	swait.ge [sflag:s19], $0x80  }
0x64: {  	[sflag:s19] =	ssyncset.done $0x0  }
0x65: {  	[sflag:s19] =	ssyncadd.s32 $0xFFFFFF80  }
0x66: {  	[tilespmem:s18], [sflag:$0x1] =	stream.indirect.gather [hbm4b:s4+s20], $0x80, s2, s20, $0xb8;
	[tilespmem:$0x17D00] =	vst v63  }
0x67: {  	_ =	swait.ge [sflag:s21], $0x4000  }
0x68: {  	[sflag:s21] =	ssyncset.done $0x0  }
0x69: {  	[sflag:s21] =	ssyncadd.s32 $0xFFFFC000  }
0x6a: {  	[spmem:s1] =	stream.indirect.scatter.add.f32 [tilespmem:s18], [sflag:$0x2], $0x80, s20, s20, $0xb8;
	[tilespmem:$0x17D00] =	vst v63  }
0x6b: {  	_ =	swait.ge [sflag:s19], $0x4000  }
0x6c: {  	[sflag:s19] =	ssyncset.done $0x0  }
0x6d: {  	s26 =	sshll.u32 s3, $0x6;
	[sflag:s19] =	ssyncadd.s32 $0xFFFFC000  }
0x6e: {  	s28 =	sshrl.u32 s5, $0x3;
	s23 =	sor.u32 $0x1C02, s26;
	[bflag:$0x0] =	sbarrier.arrive $0xFFFF  }
0x6f: {  	[hbm:s10], [sflag:s23] =	dma.local [spmem:s28], $0x800  }
0x70: {  	_ =	swait.ge [sflag:s19], $0x800  }
0x71: {  	[sflag:s19] =	ssyncset.done $0x0  }
0x72: {  	s29 =	sshrl.u32 s6, $0x3;
	[sflag:s19] =	ssyncadd.s32 $0xFFFFF800  }
0x73: {  	[hbm:s11], [sflag:s23] =	dma.local [spmem:s29], $0x800  }
0x74: {  	_ =	swait.ge [sflag:s19], $0x800  }
0x75: {  	[sflag:s19] =	ssyncset.done $0x0  }
0x76: {  	s30 =	sshrl.u32 s7, $0x3;
	[sflag:s19] =	ssyncadd.s32 $0xFFFFF800  }
0x77: {  	[hbm:s12], [sflag:s23] =	dma.local [spmem:s30], $0x800  }
0x78: {  	_ =	swait.ge [sflag:s19], $0x800  }
0x79: {  	[sflag:s19] =	ssyncset.done $0x0  }
0x7a: {  	s31 =	sshrl.u32 s8, $0x3;
	[sflag:s19] =	ssyncadd.s32 $0xFFFFF800  }
0x7b: {  	[hbm:s13], [sflag:s23] =	dma.local [spmem:s31], $0x800  }
0x7c: {  	_ =	swait.ge [sflag:s19], $0x800  }
0x7d: {  	s22 =	sadd.s32 $0x1, s22;
	[sflag:s19] =	ssyncset.done $0x0  }
0x7e: {  	s24 =	sshrl.u32 @!p0 s9, $0x3;
	p1 =	sne.s32 s22, s15;
	[sflag:s19] =	ssyncadd.s32 $0xFFFFF800  }
0x7f: {  	[hbm:s14], [sflag:s23] =	dma.local @!p0 [spmem:s24], $0x800  }
.Ltmp2:
0x80: {  	_ = 	snop;
	(pc) =	sbr.rel @p1 .LBB2_1-.Ltmp2, $4  }
0x81: {  	s23 =	simm.s32 @!p0 $0x2  }
0x82: {  	_ =	swait.ge @!p0 [sflag:s23], $0x800  }
0x83: {  	[sflag:s23] =	ssyncset.done @!p0 $0x0  }
0x84: {  	[sflag:s23] =	ssyncadd.s32 @!p0 $0xFFFFF800  }
0x85: {  	_ =	sfence.sel $0x180000  }
0x86: {  	[bflag:$0x0] =	sbarrier.arrive $0xFFFF  }
0x87: {  	p0 =	sne.s32 s3, $0x0;
	_ =	strace $0x90000047  }
0x88: {  	s0 =	sadd.s32 @!p0 $0x100000, s0;
	[bflag:$0x2] =	sbarrier.arrive $0xFFFF  }
0x89: {  	[sflag:s0] =	ssyncadd.tile.s32 @!p0 $0x1;
	_ =	shalt  }
.Lfunc_end2:
_tile_overlayer_lowered:
.L_overlay_start_2:
0x8a: {  	(tag) =	ssettag $0x2  }
0x8b: {  	s0 =	rddreg [dreg:$0x0];
	s2 =	stileid.u32  }
0x8c: {  	s1 =	rddreg [dreg:$0x1];
	p0 =	sne.s32 s2, $0x0  }
0x8d: {  	s3 =	rddreg [dreg:$0x2];
	[bflag:$0x3] =	sbarrier.arrive $0xFFFF;
	s2 =	simm.s32 @!p0 $0x1C02  }
0x8e: {  	[timem:s3], [sflag:s2] =	dma.local @!p0 [hbm:s0], s1  }
0x8f: {  	s0 =	simm.s32 @!p0 $0x2  }
0x90: {  	_ =	swait.ge @!p0 [sflag:s0], s1  }
0x91: {  	s1 =	ssub.s32 @!p0 $0x0, s1;
	[sflag:s0] =	ssyncset.done @!p0 $0x0  }
0x92: {  	[sflag:s0] =	ssyncadd.s32 @!p0 s1  }
0x93: {  	[bflag:$0x3] =	sbarrier.arrive $0xFFFF  }
0x94: {  	_ =	shalt  }

</sc_bundles>
